<compile_context>
chip_gen: v7x
topology: tpu7x:2x2x1
jax: 0.10.2.dev20260603
libtpu: 0.0.44.dev20260713+nightly
codegen_flags: <defaults>
</compile_context>

<pallas_src>
import functools

import jax
import jax.numpy as jnp
from jax import lax
from jax.experimental import pallas as pl
from jax.experimental.pallas import tpu as pltpu
from jax.experimental.pallas import tpu_sc as plsc

NC = 2
NS = 16
NW = NC * NS
L = 16
CH = 128


def _round_up(a, b):
    return (a + b - 1) // b * b


def _make_deg_kernel(pt, R):
    mesh = plsc.VectorSubcoreMesh(core_axis_name="c", subcore_axis_name="s",
                                  num_cores=NC, num_subcores=NS)

    @functools.partial(
        pl.kernel,
        out_type=jax.ShapeDtypeStruct((NW, R), jnp.float32),
        mesh=mesh,
        scratch_types=[
            pltpu.VMEM((pt,), jnp.int32),
            pltpu.VMEM((R,), jnp.float32),
        ],
        compiler_params=pltpu.CompilerParams(needs_layout_passes=False),
    )
    def deg_kernel(dst_hbm, out_hbm, dstbuf, degloc):
        c = lax.axis_index("c")
        s = lax.axis_index("s")
        wid = s * NC + c
        pltpu.sync_copy(dst_hbm.at[pl.ds(wid * pt, pt)], dstbuf)

        def zbody(i, carry):
            degloc[pl.ds(i * L, L)] = jnp.zeros((L,), jnp.float32)
            return carry

        lax.fori_loop(0, R // L, zbody, 0)

        ones = jnp.ones((L,), jnp.float32)
        unroll = 4

        def cbody(j, carry):
            for u in range(unroll):
                idx = dstbuf[pl.ds((j * unroll + u) * L, L)]
                plsc.addupdate_scatter(degloc, [idx], ones)
            return carry

        nv = pt // L
        lax.fori_loop(0, nv // unroll, cbody, 0)
        for u in range(nv - nv % unroll, nv):
            idx = dstbuf[pl.ds(u * L, L)]
            plsc.addupdate_scatter(degloc, [idx], ones)
        pltpu.sync_copy(degloc, out_hbm.at[wid])

    return deg_kernel


def _make_scatter_kernel(pt, R, dh, nb):
    mesh = plsc.VectorSubcoreMesh(core_axis_name="c", subcore_axis_name="s",
                                  num_cores=NC, num_subcores=NS)
    rpt = R // NS
    n_full = pt // CH
    rem = pt % CH
    dg = 3

    scratch = [
        pltpu.VMEM((pt,), jnp.int32),
        pltpu.VMEM((pt,), jnp.int32),
        pltpu.VMEM((CH,), jnp.int32),
    ]
    scratch += [pltpu.VMEM((CH, dh), jnp.float32)] * nb
    scratch += [pltpu.VMEM((CH,), jnp.int32)] * nb
    if rem:
        scratch += [pltpu.VMEM((rem, dh), jnp.float32),
                    pltpu.VMEM((rem,), jnp.int32),
                    pltpu.VMEM((rem,), jnp.int32)]
    scratch += [pltpu.VMEM_SHARED((R, dh), jnp.float32)]
    scratch += [pltpu.SemaphoreType.DMA] * nb

    @functools.partial(
        pl.kernel,
        out_type=jax.ShapeDtypeStruct((NC, R, dh), jnp.float32),
        mesh=mesh,
        scratch_types=scratch,
        compiler_params=pltpu.CompilerParams(needs_layout_passes=False,
                                             use_tc_tiling_on_sc=False),
    )
    def scatter_kernel(hp_hbm, src_hbm, dst_hbm, zeros_hbm, out_hbm,
                       srcbuf, dstbuf, didx, *rest):
        rows = rest[:nb]
        sidx = rest[nb:2 * nb]
        rest = rest[2 * nb:]
        if rem:
            rows_t, sidx_t, didx_t = rest[:3]
            rest = rest[3:]
        agg = rest[0]
        gsems = rest[1:]

        c = lax.axis_index("c")
        s = lax.axis_index("s")
        table = hp_hbm.at[c]
        pltpu.sync_copy(zeros_hbm, agg.at[pl.ds(s * rpt, rpt)])
        pltpu.sync_copy(src_hbm.at[pl.ds(s * pt, pt)], srcbuf)
        pltpu.sync_copy(dst_hbm.at[pl.ds(s * pt, pt)], dstbuf)
        plsc.subcore_barrier()

        def fire_gather(j, b):
            for k in range(CH // L):
                sidx[b][pl.ds(k * L, L)] = srcbuf[pl.ds(j * CH + k * L, L)]
            pltpu.async_copy(table.at[sidx[b]], rows[b], gsems[b])

        def finish_chunk(j, b):
            pltpu.make_async_copy(
                table.at[sidx[b]], rows[b], gsems[b]).wait()
            for k in range(CH // L):
                didx[pl.ds(k * L, L)] = dstbuf[pl.ds(j * CH + k * L, L)]
            pltpu.sync_copy(rows[b], agg.at[didx], add=True)

        for k in range(dg):
            fire_gather(k, k)

        def body(g, carry):
            for b in range(nb):
                j = g * nb + b
                finish_chunk(j, b)
                fire_gather(j + dg, (b + dg) % nb)
            return carry

        n_main = (n_full - nb) // nb
        lax.fori_loop(0, n_main, body, 0)
        for j in range(n_main * nb, n_full):
            b = j % nb
            finish_chunk(j, b)
            if j + dg < n_full:
                fire_gather(j + dg, (j + dg) % nb)

        if rem:
            base = n_full * CH
            for k in range(rem // L):
                sidx_t[pl.ds(k * L, L)] = srcbuf[pl.ds(base + k * L, L)]
                didx_t[pl.ds(k * L, L)] = dstbuf[pl.ds(base + k * L, L)]
            pltpu.async_copy(table.at[sidx_t], rows_t, gsems[0]).wait()
            pltpu.sync_copy(rows_t, agg.at[didx_t], add=True)

        plsc.subcore_barrier()
        pltpu.sync_copy(agg.at[pl.ds(s * rpt, rpt)],
                        out_hbm.at[c, pl.ds(s * rpt, rpt)])

    return scatter_kernel


def _tc1a_body(x_ref, w_ref, h_ref):
    h_ref[...] = jnp.dot(x_ref[...], w_ref[...],
                         preferred_element_type=jnp.float32)


def _tc1b_body(h_ref, cnt_ref, hp_ref, d_ref):
    dh = hp_ref.shape[2]
    deg = jnp.sum(cnt_ref[...], axis=1) + 1.0
    dval = lax.rsqrt(deg)
    d_ref[...] = dval[:, None]
    h = h_ref[...] * dval[:, None]
    hp_ref[0] = h[:, :dh]
    hp_ref[1] = h[:, dh:]


def _tc2_body(p_ref, hp_ref, d_ref, bg_ref, wfc_ref, bfc_ref, out_ref):
    hp = jnp.concatenate([hp_ref[0], hp_ref[1]], axis=1)
    agg = jnp.concatenate([p_ref[0], p_ref[1]], axis=1) + hp
    aggn = agg * d_ref[...] + bg_ref[...][None, :]
    o = jnp.maximum(aggn, 0.0)
    logits = jnp.dot(o, wfc_ref[...], preferred_element_type=jnp.float32)
    logits = logits + bfc_ref[...][None, :]
    out_ref[...] = 1.0 / (1.0 + jnp.exp(-logits))


def kernel(x, edge_index, W_gcn, b_gcn, W_fc, b_fc):
    n, d_in = x.shape
    d_out = W_gcn.shape[1]
    e = edge_index.shape[1]
    dh = d_out // NC

    nb = 5
    pt_deg = e // NW
    pt = e // NS
    R = _round_up(n + 1, NS * 8)
    rpt = R // NS

    src_e = jnp.asarray(edge_index[0], jnp.int32)
    dst_e = jnp.asarray(edge_index[1], jnp.int32)
    zeros_blk = jnp.zeros((rpt, dh), jnp.float32)



    cnt = _make_deg_kernel(pt_deg, R)(dst_e)
    cnt_t = cnt.T

    bs = 1000
    grid = n // bs
    h = pl.pallas_call(
        _tc1a_body,
        grid=(grid,),
        in_specs=[
            pl.BlockSpec((bs, d_in), lambda i: (i, 0)),
            pl.BlockSpec((d_in, d_out), lambda i: (0, 0)),
        ],
        out_specs=pl.BlockSpec((bs, d_out), lambda i: (i, 0)),
        out_shape=jax.ShapeDtypeStruct((n, d_out), jnp.float32),
    )(x, W_gcn)

    hp, d_col = pl.pallas_call(
        _tc1b_body,
        grid=(grid,),
        in_specs=[
            pl.BlockSpec((bs, d_out), lambda i: (i, 0)),
            pl.BlockSpec((bs, NW), lambda i: (i, 0)),
        ],
        out_specs=[
            pl.BlockSpec((NC, bs, dh), lambda i: (0, i, 0)),
            pl.BlockSpec((bs, 1), lambda i: (i, 0)),
        ],
        out_shape=[
            jax.ShapeDtypeStruct((NC, n, dh), jnp.float32),
            jax.ShapeDtypeStruct((n, 1), jnp.float32),
        ],
    )(h, cnt_t)

    partials = _make_scatter_kernel(pt, R, dh, nb)(
        hp, src_e, dst_e, zeros_blk)

    out = pl.pallas_call(
        _tc2_body,
        grid=(grid,),
        in_specs=[
            pl.BlockSpec((NC, bs, dh), lambda i: (0, i, 0)),
            pl.BlockSpec((NC, bs, dh), lambda i: (0, i, 0)),
            pl.BlockSpec((bs, 1), lambda i: (i, 0)),
            pl.BlockSpec((d_out,), lambda i: (0,)),
            pl.BlockSpec((d_out, 1), lambda i: (0, 0)),
            pl.BlockSpec((1,), lambda i: (0,)),
        ],
        out_specs=pl.BlockSpec((bs, 1), lambda i: (i, 0)),
        out_shape=jax.ShapeDtypeStruct((n, 1), jnp.float32),
    )(partials, hp, d_col, b_gcn, W_fc, b_fc)

    return out

# --- scband reference (transcript-rebuilt; emitter-appended) ---
"""Pipeline reference for scband-gcnlink-predictor-77481210020188 (READ-ONLY COPY).

The authoritative reference and input builder live on the scoring server;
editing this copy changes nothing except your own understanding.
"""

import jax, jax.numpy as jnp
import numpy as np

N = 10000
E = 320000
D_IN = 128
D_OUT = 128


def setup_inputs(seed: int = 0) -> dict:
    key = jax.random.key(seed)
    k1, k2, k3, k4, k5, k6 = jax.random.split(key, 6)
    x = jax.random.normal(k1, (N, D_IN), dtype=jnp.float32)
    edge_index = jax.random.randint(k2, (2, E), 0, N)
    # GCNConv parameters (glorot-style init)
    W_gcn = jax.random.normal(k3, (D_IN, D_OUT), dtype=jnp.float32) * (1.0 / np.sqrt(D_IN))
    b_gcn = jnp.zeros((D_OUT,), dtype=jnp.float32)
    # Final linear layer parameters
    W_fc = jax.random.normal(k4, (D_OUT, 1), dtype=jnp.float32) * (1.0 / np.sqrt(D_OUT))
    b_fc = jnp.zeros((1,), dtype=jnp.float32)
    return {"x": x, "edge_index": edge_index, "W_gcn": W_gcn, "b_gcn": b_gcn, "W_fc": W_fc, "b_fc": b_fc}


def reference(x, edge_index, W_gcn, b_gcn, W_fc, b_fc):
    n = x.shape[0]
    src = edge_index[0]
    dst = edge_index[1]
    # add self-loops (PyG GCNConv default add_self_loops=True)
    loop = jnp.arange(n, dtype=src.dtype)
    src = jnp.concatenate([src, loop])
    dst = jnp.concatenate([dst, loop])
    # linear transform first (PyG applies lin before propagate)
    h = x @ W_gcn
    # symmetric normalization: deg computed on dst (col) for source_to_target flow
    deg = jnp.zeros((n,), dtype=h.dtype).at[dst].add(1.0)
    deg_inv_sqrt = jnp.where(deg > 0, 1.0 / jnp.sqrt(deg), 0.0)
    norm = deg_inv_sqrt[src] * deg_inv_sqrt[dst]
    # gather messages from src, scale, scatter-add into dst
    msg = h[src] * norm[:, None]
    agg = jnp.zeros((n, h.shape[1]), dtype=h.dtype).at[dst].add(msg)
    out = agg + b_gcn
    # F.relu
    out = jax.nn.relu(out)
    # fc + sigmoid
    logits = out @ W_fc + b_fc
    return jax.nn.sigmoid(logits)

if __name__ == "__main__":
    import jax
    _d = setup_inputs()
    print(jax.jit(kernel)(*tuple(_d.values())))

</pallas_src>

<mosaic_0001>
#map = affine_map<(d0, d1) -> (0)>
#map1 = affine_map<(d0, d1) -> (0, 0)>
module attributes {stable_mosaic.version = 14 : i64} {
  func.func @deg_kernel(%arg0: i32, %arg1: i32, %arg2: memref<320000xi32, #tpu.memory_space<hbm>>, %arg3: memref<32x10112xf32, #tpu.memory_space<hbm>>, %arg4: memref<10000xi32, #tpu.memory_space<vmem>>, %arg5: memref<10112xf32, #tpu.memory_space<vmem>>) attributes {dimension_semantics = [#tpu.dimension_semantics<core_parallel>, #tpu.dimension_semantics<subcore_parallel>], iteration_bounds = array<i64: 2, 16>, scalar_prefetch = 0 : i64, scratch_operands = 2 : i64, tpu.core_type = #tpu.core_type<sc_vector_subcore>, window_params = [{transform_indices = #map}, {transform_indices = #map1}]} {
    %mul3A = arith.constant 2 : i32
    %mul3A_0 = arith.muli %arg1, %mul3A : i32
    %add3A = arith.addi %mul3A_0, %arg0 : i32
    %mul3A_1 = arith.constant 10000 : i32
    %mul3A_2 = arith.muli %add3A, %mul3A_1 : i32
    "tpu.region"() ({
      %run_scoped3A = tpu.sem_alloc : memref<!tpu.dma_semaphore, #tpu.memory_space<semaphore_mem>>
      %dma_start3A = tpu.memref_slice %arg2[%mul3A_2] : memref<320000xi32, #tpu.memory_space<hbm>> -> memref<10000xi32, #tpu.memory_space<hbm>>
      %dma_start3A_16 = tpu.memref_slice %arg2[%mul3A_2] : memref<320000xi32, #tpu.memory_space<hbm>> -> memref<10000xi32, #tpu.memory_space<hbm>>
      tpu.enqueue_dma source(%dma_start3A_16 : memref<10000xi32, #tpu.memory_space<hbm>>) target(%arg4 : memref<10000xi32, #tpu.memory_space<vmem>>) target_semaphore(%run_scoped3A : memref<!tpu.dma_semaphore, #tpu.memory_space<semaphore_mem>>)
      %dma_wait3A = tpu.memref_slice %arg2[%mul3A_2] : memref<320000xi32, #tpu.memory_space<hbm>> -> memref<10000xi32, #tpu.memory_space<hbm>>
      %dma_wait3A_17 = tpu.memref_slice %arg2[%mul3A_2] : memref<320000xi32, #tpu.memory_space<hbm>> -> memref<10000xi32, #tpu.memory_space<hbm>>
      tpu.wait_dma2 semaphore(%run_scoped3A : memref<!tpu.dma_semaphore, #tpu.memory_space<semaphore_mem>>) src(%dma_wait3A_17 : memref<10000xi32, #tpu.memory_space<hbm>>) dst(%arg4 : memref<10000xi32, #tpu.memory_space<vmem>>)
      tpu.yield
    }) : () -> ()
    %scan3A = arith.constant 0 : i32
    %scan3A_3 = arith.constant 0 : i32
    %scan3A_4 = arith.constant 632 : i32
    %scan3A_5 = arith.addi %scan3A_3, %scan3A_4 : i32
    %scan3A_6 = arith.constant 1 : i32
    scf.for %scan3A_16 = %scan3A_3 to %scan3A_5 step %scan3A_6  : i32 {
      %broadcast_in_dim3A_17 = arith.constant 0.000000e+00 : f32
      %broadcast_in_dim3A_18 = vector.broadcast %broadcast_in_dim3A_17 : f32 to vector<16xf32>
      %mul3A_19 = arith.constant 16 : i32
      %mul3A_20 = arith.muli %scan3A_16, %mul3A_19 : i32
      %swap3A = arith.index_cast %mul3A_20 : i32 to index
      %swap3A_21 = tpu.vector_load %arg5[%swap3A] {strides = array<i32>} : memref<10112xf32, #tpu.memory_space<vmem>>, vector<16xf32>,
      tpu.vector_store %arg5[%swap3A], %broadcast_in_dim3A_18 {strides = array<i32>} : memref<10112xf32, #tpu.memory_space<vmem>>, vector<16xf32>,
    }
    %scan3A_7 = arith.constant 632 : i32
    %broadcast_in_dim3A = arith.constant 1.000000e+00 : f32
    %broadcast_in_dim3A_8 = vector.broadcast %broadcast_in_dim3A : f32 to vector<16xf32>
    %scan3A_9 = arith.constant 0 : i32
    %scan3A_10 = arith.constant 0 : i32
    %scan3A_11 = arith.constant 156 : i32
    %scan3A_12 = arith.addi %scan3A_10, %scan3A_11 : i32
    %scan3A_13 = arith.constant 1 : i32
    scf.for %scan3A_16 = %scan3A_10 to %scan3A_12 step %scan3A_13  : i32 {
      %mul3A_17 = arith.constant 4 : i32
      %mul3A_18 = arith.muli %scan3A_16, %mul3A_17 : i32
      %add3A_19 = arith.constant 0 : i32
      %add3A_20 = arith.addi %mul3A_18, %add3A_19 : i32
      %mul3A_21 = arith.constant 16 : i32
      %mul3A_22 = arith.muli %add3A_20, %mul3A_21 : i32
      %get3A_23 = arith.index_cast %mul3A_22 : i32 to index
      %get3A_24 = tpu.vector_load %arg4[%get3A_23] {strides = array<i32>} : memref<10000xi32, #tpu.memory_space<vmem>>, vector<16xi32>,
      tpu.vector_store_idx %arg5[%get3A_24], %broadcast_in_dim3A_8 {add = true} : memref<10112xf32, #tpu.memory_space<vmem>>[vector<16xi32>], vector<16xf32>,
      %mul3A_25 = arith.constant 4 : i32
      %mul3A_26 = arith.muli %scan3A_16, %mul3A_25 : i32
      %add3A_27 = arith.constant 1 : i32
      %add3A_28 = arith.addi %mul3A_26, %add3A_27 : i32
      %mul3A_29 = arith.constant 16 : i32
      %mul3A_30 = arith.muli %add3A_28, %mul3A_29 : i32
      %get3A_31 = arith.index_cast %mul3A_30 : i32 to index
      %get3A_32 = tpu.vector_load %arg4[%get3A_31] {strides = array<i32>} : memref<10000xi32, #tpu.memory_space<vmem>>, vector<16xi32>,
      tpu.vector_store_idx %arg5[%get3A_32], %broadcast_in_dim3A_8 {add = true} : memref<10112xf32, #tpu.memory_space<vmem>>[vector<16xi32>], vector<16xf32>,
      %mul3A_33 = arith.constant 4 : i32
      %mul3A_34 = arith.muli %scan3A_16, %mul3A_33 : i32
      %add3A_35 = arith.constant 2 : i32
      %add3A_36 = arith.addi %mul3A_34, %add3A_35 : i32
      %mul3A_37 = arith.constant 16 : i32
      %mul3A_38 = arith.muli %add3A_36, %mul3A_37 : i32
      %get3A_39 = arith.index_cast %mul3A_38 : i32 to index
      %get3A_40 = tpu.vector_load %arg4[%get3A_39] {strides = array<i32>} : memref<10000xi32, #tpu.memory_space<vmem>>, vector<16xi32>,
      tpu.vector_store_idx %arg5[%get3A_40], %broadcast_in_dim3A_8 {add = true} : memref<10112xf32, #tpu.memory_space<vmem>>[vector<16xi32>], vector<16xf32>,
      %mul3A_41 = arith.constant 4 : i32
      %mul3A_42 = arith.muli %scan3A_16, %mul3A_41 : i32
      %add3A_43 = arith.constant 3 : i32
      %add3A_44 = arith.addi %mul3A_42, %add3A_43 : i32
      %mul3A_45 = arith.constant 16 : i32
      %mul3A_46 = arith.muli %add3A_44, %mul3A_45 : i32
      %get3A_47 = arith.index_cast %mul3A_46 : i32 to index
      %get3A_48 = tpu.vector_load %arg4[%get3A_47] {strides = array<i32>} : memref<10000xi32, #tpu.memory_space<vmem>>, vector<16xi32>,
      tpu.vector_store_idx %arg5[%get3A_48], %broadcast_in_dim3A_8 {add = true} : memref<10112xf32, #tpu.memory_space<vmem>>[vector<16xi32>], vector<16xf32>,
    }
    %scan3A_14 = arith.constant 156 : i32
    %get3A = arith.constant 9984 : index
    %get3A_15 = tpu.vector_load %arg4[%get3A] {strides = array<i32>} : memref<10000xi32, #tpu.memory_space<vmem>>, vector<16xi32>,
    tpu.vector_store_idx %arg5[%get3A_15], %broadcast_in_dim3A_8 {add = true} : memref<10112xf32, #tpu.memory_space<vmem>>[vector<16xi32>], vector<16xf32>,
    "tpu.region"() ({
      %run_scoped3A = tpu.sem_alloc : memref<!tpu.dma_semaphore, #tpu.memory_space<semaphore_mem>>
      %dma_start3A = arith.constant 0 : i32
      %dma_start3A_16 = tpu.memref_slice %arg3[%add3A, %dma_start3A] : memref<32x10112xf32, #tpu.memory_space<hbm>> -> memref<1x10112xf32, #tpu.memory_space<hbm>>
      %dma_start3A_17 = tpu.memref_squeeze %dma_start3A_16 : memref<1x10112xf32, #tpu.memory_space<hbm>> -> memref<10112xf32, #tpu.memory_space<hbm>>
      %dma_start3A_18 = arith.constant 0 : i32
      %dma_start3A_19 = tpu.memref_slice %arg3[%add3A, %dma_start3A_18] : memref<32x10112xf32, #tpu.memory_space<hbm>> -> memref<1x10112xf32, #tpu.memory_space<hbm>>
      %dma_start3A_20 = tpu.memref_squeeze %dma_start3A_19 : memref<1x10112xf32, #tpu.memory_space<hbm>> -> memref<10112xf32, #tpu.memory_space<hbm>>
      tpu.enqueue_dma source(%arg5 : memref<10112xf32, #tpu.memory_space<vmem>>) target(%dma_start3A_20 : memref<10112xf32, #tpu.memory_space<hbm>>) target_semaphore(%run_scoped3A : memref<!tpu.dma_semaphore, #tpu.memory_space<semaphore_mem>>)
      %dma_wait3A = arith.constant 0 : i32
      %dma_wait3A_21 = tpu.memref_slice %arg3[%add3A, %dma_wait3A] : memref<32x10112xf32, #tpu.memory_space<hbm>> -> memref<1x10112xf32, #tpu.memory_space<hbm>>
      %dma_wait3A_22 = tpu.memref_squeeze %dma_wait3A_21 : memref<1x10112xf32, #tpu.memory_space<hbm>> -> memref<10112xf32, #tpu.memory_space<hbm>>
      %dma_wait3A_23 = arith.constant 0 : i32
      %dma_wait3A_24 = tpu.memref_slice %arg3[%add3A, %dma_wait3A_23] : memref<32x10112xf32, #tpu.memory_space<hbm>> -> memref<1x10112xf32, #tpu.memory_space<hbm>>
      %dma_wait3A_25 = tpu.memref_squeeze %dma_wait3A_24 : memref<1x10112xf32, #tpu.memory_space<hbm>> -> memref<10112xf32, #tpu.memory_space<hbm>>
      tpu.wait_dma2 semaphore(%run_scoped3A : memref<!tpu.dma_semaphore, #tpu.memory_space<semaphore_mem>>) src(%arg5 : memref<10112xf32, #tpu.memory_space<vmem>>) dst(%dma_wait3A_25 : memref<10112xf32, #tpu.memory_space<hbm>>)
      tpu.yield
    }) : () -> ()
    return
  }
}

#map = affine_map<(d0, d1) -> (0, 0, 0)>
#map1 = affine_map<(d0, d1) -> (0)>
#map2 = affine_map<(d0, d1) -> (0, 0)>
module attributes {stable_mosaic.version = 14 : i64} {
  func.func @scatter_kernel(%arg0: i32, %arg1: i32, %arg2: memref<2x10000x64xf32, #tpu.memory_space<hbm>>, %arg3: memref<320000xi32, #tpu.memory_space<hbm>>, %arg4: memref<320000xi32, #tpu.memory_space<hbm>>, %arg5: memref<632x64xf32, #tpu.memory_space<hbm>>, %arg6: memref<2x10112x64xf32, #tpu.memory_space<hbm>>, %arg7: memref<20000xi32, #tpu.memory_space<vmem>>, %arg8: memref<20000xi32, #tpu.memory_space<vmem>>, %arg9: memref<128xi32, #tpu.memory_space<vmem>>, %arg10: memref<128x64xf32, #tpu.memory_space<vmem>>, %arg11: memref<128x64xf32, #tpu.memory_space<vmem>>, %arg12: memref<128x64xf32, #tpu.memory_space<vmem>>, %arg13: memref<128x64xf32, #tpu.memory_space<vmem>>, %arg14: memref<128x64xf32, #tpu.memory_space<vmem>>, %arg15: memref<128xi32, #tpu.memory_space<vmem>>, %arg16: memref<128xi32, #tpu.memory_space<vmem>>, %arg17: memref<128xi32, #tpu.memory_space<vmem>>, %arg18: memref<128xi32, #tpu.memory_space<vmem>>, %arg19: memref<128xi32, #tpu.memory_space<vmem>>, %arg20: memref<32x64xf32, #tpu.memory_space<vmem>>, %arg21: memref<32xi32, #tpu.memory_space<vmem>>, %arg22: memref<32xi32, #tpu.memory_space<vmem>>, %arg23: memref<10112x64xf32, #tpu.memory_space<vmem_shared>>, %arg24: memref<!tpu.dma_semaphore, #tpu.memory_space<semaphore_mem>>, %arg25: memref<!tpu.dma_semaphore, #tpu.memory_space<semaphore_mem>>, %arg26: memref<!tpu.dma_semaphore, #tpu.memory_space<semaphore_mem>>, %arg27: memref<!tpu.dma_semaphore, #tpu.memory_space<semaphore_mem>>, %arg28: memref<!tpu.dma_semaphore, #tpu.memory_space<semaphore_mem>>) attributes {dimension_semantics = [#tpu.dimension_semantics<core_parallel>, #tpu.dimension_semantics<subcore_parallel>], iteration_bounds = array<i64: 2, 16>, scalar_prefetch = 0 : i64, scratch_operands = 22 : i64, tpu.core_type = #tpu.core_type<sc_vector_subcore>, window_params = [{transform_indices = #map}, {transform_indices = #map1}, {transform_indices = #map1}, {transform_indices = #map2}, {transform_indices = #map}]} {
    %mul3A = arith.constant 632 : i32
    %mul3A_0 = arith.muli %arg1, %mul3A : i32
    "tpu.region"() ({
      %run_scoped3A = tpu.sem_alloc : memref<!tpu.dma_semaphore, #tpu.memory_space<semaphore_mem>>
      %dma_start3A_509 = arith.constant 0 : i32
      %dma_start3A_510 = tpu.memref_slice %arg23[%mul3A_0, %dma_start3A_509] : memref<10112x64xf32, #tpu.memory_space<vmem_shared>> -> memref<632x64xf32, #tpu.memory_space<vmem_shared>>
      tpu.enqueue_dma source(%arg5 : memref<632x64xf32, #tpu.memory_space<hbm>>) target(%dma_start3A_510 : memref<632x64xf32, #tpu.memory_space<vmem_shared>>) target_semaphore(%run_scoped3A : memref<!tpu.dma_semaphore, #tpu.memory_space<semaphore_mem>>)
      %dma_wait3A_511 = arith.constant 0 : i32
      %dma_wait3A_512 = tpu.memref_slice %arg23[%mul3A_0, %dma_wait3A_511] : memref<10112x64xf32, #tpu.memory_space<vmem_shared>> -> memref<632x64xf32, #tpu.memory_space<vmem_shared>>
      tpu.wait_dma2 semaphore(%run_scoped3A : memref<!tpu.dma_semaphore, #tpu.memory_space<semaphore_mem>>) src(%arg5 : memref<632x64xf32, #tpu.memory_space<hbm>>) dst(%dma_wait3A_512 : memref<632x64xf32, #tpu.memory_space<vmem_shared>>)
      tpu.yield
    }) : () -> ()
    %mul3A_1 = arith.constant 20000 : i32
    %mul3A_2 = arith.muli %arg1, %mul3A_1 : i32
    "tpu.region"() ({
      %run_scoped3A = tpu.sem_alloc : memref<!tpu.dma_semaphore, #tpu.memory_space<semaphore_mem>>
      %dma_start3A_509 = tpu.memref_slice %arg3[%mul3A_2] : memref<320000xi32, #tpu.memory_space<hbm>> -> memref<20000xi32, #tpu.memory_space<hbm>>
      %dma_start3A_510 = tpu.memref_slice %arg3[%mul3A_2] : memref<320000xi32, #tpu.memory_space<hbm>> -> memref<20000xi32, #tpu.memory_space<hbm>>
      tpu.enqueue_dma source(%dma_start3A_510 : memref<20000xi32, #tpu.memory_space<hbm>>) target(%arg7 : memref<20000xi32, #tpu.memory_space<vmem>>) target_semaphore(%run_scoped3A : memref<!tpu.dma_semaphore, #tpu.memory_space<semaphore_mem>>)
      %dma_wait3A_511 = tpu.memref_slice %arg3[%mul3A_2] : memref<320000xi32, #tpu.memory_space<hbm>> -> memref<20000xi32, #tpu.memory_space<hbm>>
      %dma_wait3A_512 = tpu.memref_slice %arg3[%mul3A_2] : memref<320000xi32, #tpu.memory_space<hbm>> -> memref<20000xi32, #tpu.memory_space<hbm>>
      tpu.wait_dma2 semaphore(%run_scoped3A : memref<!tpu.dma_semaphore, #tpu.memory_space<semaphore_mem>>) src(%dma_wait3A_512 : memref<20000xi32, #tpu.memory_space<hbm>>) dst(%arg7 : memref<20000xi32, #tpu.memory_space<vmem>>)
      tpu.yield
    }) : () -> ()
    %mul3A_3 = arith.constant 20000 : i32
    %mul3A_4 = arith.muli %arg1, %mul3A_3 : i32
    "tpu.region"() ({
      %run_scoped3A = tpu.sem_alloc : memref<!tpu.dma_semaphore, #tpu.memory_space<semaphore_mem>>
      %dma_start3A_509 = tpu.memref_slice %arg4[%mul3A_4] : memref<320000xi32, #tpu.memory_space<hbm>> -> memref<20000xi32, #tpu.memory_space<hbm>>
      %dma_start3A_510 = tpu.memref_slice %arg4[%mul3A_4] : memref<320000xi32, #tpu.memory_space<hbm>> -> memref<20000xi32, #tpu.memory_space<hbm>>
      tpu.enqueue_dma source(%dma_start3A_510 : memref<20000xi32, #tpu.memory_space<hbm>>) target(%arg8 : memref<20000xi32, #tpu.memory_space<vmem>>) target_semaphore(%run_scoped3A : memref<!tpu.dma_semaphore, #tpu.memory_space<semaphore_mem>>)
      %dma_wait3A_511 = tpu.memref_slice %arg4[%mul3A_4] : memref<320000xi32, #tpu.memory_space<hbm>> -> memref<20000xi32, #tpu.memory_space<hbm>>
      %dma_wait3A_512 = tpu.memref_slice %arg4[%mul3A_4] : memref<320000xi32, #tpu.memory_space<hbm>> -> memref<20000xi32, #tpu.memory_space<hbm>>
      tpu.wait_dma2 semaphore(%run_scoped3A : memref<!tpu.dma_semaphore, #tpu.memory_space<semaphore_mem>>) src(%dma_wait3A_512 : memref<20000xi32, #tpu.memory_space<hbm>>) dst(%arg8 : memref<20000xi32, #tpu.memory_space<vmem>>)
      tpu.yield
    }) : () -> ()
    %barrier3A = arith.constant 0 : index
    tpu.barrier barrier_id(%barrier3A)
    %get3A = arith.constant 0 : index
    %get3A_5 = tpu.vector_load %arg7[%get3A] {strides = array<i32>} : memref<20000xi32, #tpu.memory_space<vmem>>, vector<16xi32>,
    %swap3A = arith.constant 0 : index
    %swap3A_6 = tpu.vector_load %arg15[%swap3A] {strides = array<i32>} : memref<128xi32, #tpu.memory_space<vmem>>, vector<16xi32>,
    tpu.vector_store %arg15[%swap3A], %get3A_5 {strides = array<i32>} : memref<128xi32, #tpu.memory_space<vmem>>, vector<16xi32>,
    %get3A_7 = arith.constant 16 : index
    %get3A_8 = tpu.vector_load %arg7[%get3A_7] {strides = array<i32>} : memref<20000xi32, #tpu.memory_space<vmem>>, vector<16xi32>,
    %swap3A_9 = arith.constant 16 : index
    %swap3A_10 = tpu.vector_load %arg15[%swap3A_9] {strides = array<i32>} : memref<128xi32, #tpu.memory_space<vmem>>, vector<16xi32>,
    tpu.vector_store %arg15[%swap3A_9], %get3A_8 {strides = array<i32>} : memref<128xi32, #tpu.memory_space<vmem>>, vector<16xi32>,
    %get3A_11 = arith.constant 32 : index
    %get3A_12 = tpu.vector_load %arg7[%get3A_11] {strides = array<i32>} : memref<20000xi32, #tpu.memory_space<vmem>>, vector<16xi32>,
    %swap3A_13 = arith.constant 32 : index
    %swap3A_14 = tpu.vector_load %arg15[%swap3A_13] {strides = array<i32>} : memref<128xi32, #tpu.memory_space<vmem>>, vector<16xi32>,
    tpu.vector_store %arg15[%swap3A_13], %get3A_12 {strides = array<i32>} : memref<128xi32, #tpu.memory_space<vmem>>, vector<16xi32>,
    %get3A_15 = arith.constant 48 : index
    %get3A_16 = tpu.vector_load %arg7[%get3A_15] {strides = array<i32>} : memref<20000xi32, #tpu.memory_space<vmem>>, vector<16xi32>,
    %swap3A_17 = arith.constant 48 : index
    %swap3A_18 = tpu.vector_load %arg15[%swap3A_17] {strides = array<i32>} : memref<128xi32, #tpu.memory_space<vmem>>, vector<16xi32>,
    tpu.vector_store %arg15[%swap3A_17], %get3A_16 {strides = array<i32>} : memref<128xi32, #tpu.memory_space<vmem>>, vector<16xi32>,
    %get3A_19 = arith.constant 64 : index
    %get3A_20 = tpu.vector_load %arg7[%get3A_19] {strides = array<i32>} : memref<20000xi32, #tpu.memory_space<vmem>>, vector<16xi32>,
    %swap3A_21 = arith.constant 64 : index
    %swap3A_22 = tpu.vector_load %arg15[%swap3A_21] {strides = array<i32>} : memref<128xi32, #tpu.memory_space<vmem>>, vector<16xi32>,
    tpu.vector_store %arg15[%swap3A_21], %get3A_20 {strides = array<i32>} : memref<128xi32, #tpu.memory_space<vmem>>, vector<16xi32>,
    %get3A_23 = arith.constant 80 : index
    %get3A_24 = tpu.vector_load %arg7[%get3A_23] {strides = array<i32>} : memref<20000xi32, #tpu.memory_space<vmem>>, vector<16xi32>,
    %swap3A_25 = arith.constant 80 : index
    %swap3A_26 = tpu.vector_load %arg15[%swap3A_25] {strides = array<i32>} : memref<128xi32, #tpu.memory_space<vmem>>, vector<16xi32>,
    tpu.vector_store %arg15[%swap3A_25], %get3A_24 {strides = array<i32>} : memref<128xi32, #tpu.memory_space<vmem>>, vector<16xi32>,
    %get3A_27 = arith.constant 96 : index
    %get3A_28 = tpu.vector_load %arg7[%get3A_27] {strides = array<i32>} : memref<20000xi32, #tpu.memory_space<vmem>>, vector<16xi32>,
    %swap3A_29 = arith.constant 96 : index
    %swap3A_30 = tpu.vector_load %arg15[%swap3A_29] {strides = array<i32>} : memref<128xi32, #tpu.memory_space<vmem>>, vector<16xi32>,
    tpu.vector_store %arg15[%swap3A_29], %get3A_28 {strides = array<i32>} : memref<128xi32, #tpu.memory_space<vmem>>, vector<16xi32>,
    %get3A_31 = arith.constant 112 : index
    %get3A_32 = tpu.vector_load %arg7[%get3A_31] {strides = array<i32>} : memref<20000xi32, #tpu.memory_space<vmem>>, vector<16xi32>,
    %swap3A_33 = arith.constant 112 : index
    %swap3A_34 = tpu.vector_load %arg15[%swap3A_33] {strides = array<i32>} : memref<128xi32, #tpu.memory_space<vmem>>, vector<16xi32>,
    tpu.vector_store %arg15[%swap3A_33], %get3A_32 {strides = array<i32>} : memref<128xi32, #tpu.memory_space<vmem>>, vector<16xi32>,
    %dma_start3A = arith.constant 0 : i32
    %dma_start3A_35 = arith.constant 0 : i32
    %dma_start3A_36 = tpu.memref_slice %arg2[%arg0, %dma_start3A, %dma_start3A_35] : memref<2x10000x64xf32, #tpu.memory_space<hbm>> -> memref<1x10000x64xf32, #tpu.memory_space<hbm>>
    %dma_start3A_37 = tpu.memref_squeeze %dma_start3A_36 : memref<1x10000x64xf32, #tpu.memory_space<hbm>> -> memref<10000x64xf32, #tpu.memory_space<hbm>>
    %dma_start3A_38 = arith.constant 0 : i32
    %dma_start3A_39 = arith.constant 0 : i32
    %dma_start3A_40 = tpu.memref_slice %dma_start3A_37[%dma_start3A_38, %dma_start3A_39] : memref<10000x64xf32, #tpu.memory_space<hbm>> -> memref<10000x64xf32, #tpu.memory_space<hbm>>
    tpu.enqueue_indirect_dma source(%dma_start3A_40 : memref<10000x64xf32, #tpu.memory_space<hbm>>) target(%arg10 : memref<128x64xf32, #tpu.memory_space<vmem>>) offsets(%arg15 : memref<128xi32, #tpu.memory_space<vmem>>) semaphore(%arg24 : memref<!tpu.dma_semaphore, #tpu.memory_space<semaphore_mem>>)
    %get3A_41 = arith.constant 128 : index
    %get3A_42 = tpu.vector_load %arg7[%get3A_41] {strides = array<i32>} : memref<20000xi32, #tpu.memory_space<vmem>>, vector<16xi32>,
    %swap3A_43 = arith.constant 0 : index
    %swap3A_44 = tpu.vector_load %arg16[%swap3A_43] {strides = array<i32>} : memref<128xi32, #tpu.memory_space<vmem>>, vector<16xi32>,
    tpu.vector_store %arg16[%swap3A_43], %get3A_42 {strides = array<i32>} : memref<128xi32, #tpu.memory_space<vmem>>, vector<16xi32>,
    %get3A_45 = arith.constant 144 : index
    %get3A_46 = tpu.vector_load %arg7[%get3A_45] {strides = array<i32>} : memref<20000xi32, #tpu.memory_space<vmem>>, vector<16xi32>,
    %swap3A_47 = arith.constant 16 : index
    %swap3A_48 = tpu.vector_load %arg16[%swap3A_47] {strides = array<i32>} : memref<128xi32, #tpu.memory_space<vmem>>, vector<16xi32>,
    tpu.vector_store %arg16[%swap3A_47], %get3A_46 {strides = array<i32>} : memref<128xi32, #tpu.memory_space<vmem>>, vector<16xi32>,
    %get3A_49 = arith.constant 160 : index
    %get3A_50 = tpu.vector_load %arg7[%get3A_49] {strides = array<i32>} : memref<20000xi32, #tpu.memory_space<vmem>>, vector<16xi32>,
    %swap3A_51 = arith.constant 32 : index
    %swap3A_52 = tpu.vector_load %arg16[%swap3A_51] {strides = array<i32>} : memref<128xi32, #tpu.memory_space<vmem>>, vector<16xi32>,
    tpu.vector_store %arg16[%swap3A_51], %get3A_50 {strides = array<i32>} : memref<128xi32, #tpu.memory_space<vmem>>, vector<16xi32>,
    %get3A_53 = arith.constant 176 : index
    %get3A_54 = tpu.vector_load %arg7[%get3A_53] {strides = array<i32>} : memref<20000xi32, #tpu.memory_space<vmem>>, vector<16xi32>,
    %swap3A_55 = arith.constant 48 : index
    %swap3A_56 = tpu.vector_load %arg16[%swap3A_55] {strides = array<i32>} : memref<128xi32, #tpu.memory_space<vmem>>, vector<16xi32>,
    tpu.vector_store %arg16[%swap3A_55], %get3A_54 {strides = array<i32>} : memref<128xi32, #tpu.memory_space<vmem>>, vector<16xi32>,
    %get3A_57 = arith.constant 192 : index
    %get3A_58 = tpu.vector_load %arg7[%get3A_57] {strides = array<i32>} : memref<20000xi32, #tpu.memory_space<vmem>>, vector<16xi32>,
    %swap3A_59 = arith.constant 64 : index
    %swap3A_60 = tpu.vector_load %arg16[%swap3A_59] {strides = array<i32>} : memref<128xi32, #tpu.memory_space<vmem>>, vector<16xi32>,
    tpu.vector_store %arg16[%swap3A_59], %get3A_58 {strides = array<i32>} : memref<128xi32, #tpu.memory_space<vmem>>, vector<16xi32>,
    %get3A_61 = arith.constant 208 : index
    %get3A_62 = tpu.vector_load %arg7[%get3A_61] {strides = array<i32>} : memref<20000xi32, #tpu.memory_space<vmem>>, vector<16xi32>,
    %swap3A_63 = arith.constant 80 : index
    %swap3A_64 = tpu.vector_load %arg16[%swap3A_63] {strides = array<i32>} : memref<128xi32, #tpu.memory_space<vmem>>, vector<16xi32>,
    tpu.vector_store %arg16[%swap3A_63], %get3A_62 {strides = array<i32>} : memref<128xi32, #tpu.memory_space<vmem>>, vector<16xi32>,
    %get3A_65 = arith.constant 224 : index
    %get3A_66 = tpu.vector_load %arg7[%get3A_65] {strides = array<i32>} : memref<20000xi32, #tpu.memory_space<vmem>>, vector<16xi32>,
    %swap3A_67 = arith.constant 96 : index
    %swap3A_68 = tpu.vector_load %arg16[%swap3A_67] {strides = array<i32>} : memref<128xi32, #tpu.memory_space<vmem>>, vector<16xi32>,
    tpu.vector_store %arg16[%swap3A_67], %get3A_66 {strides = array<i32>} : memref<128xi32, #tpu.memory_space<vmem>>, vector<16xi32>,
    %get3A_69 = arith.constant 240 : index
    %get3A_70 = tpu.vector_load %arg7[%get3A_69] {strides = array<i32>} : memref<20000xi32, #tpu.memory_space<vmem>>, vector<16xi32>,
    %swap3A_71 = arith.constant 112 : index
    %swap3A_72 = tpu.vector_load %arg16[%swap3A_71] {strides = array<i32>} : memref<128xi32, #tpu.memory_space<vmem>>, vector<16xi32>,
    tpu.vector_store %arg16[%swap3A_71], %get3A_70 {strides = array<i32>} : memref<128xi32, #tpu.memory_space<vmem>>, vector<16xi32>,
    %dma_start3A_73 = arith.constant 0 : i32
    %dma_start3A_74 = arith.constant 0 : i32
    %dma_start3A_75 = tpu.memref_slice %arg2[%arg0, %dma_start3A_73, %dma_start3A_74] : memref<2x10000x64xf32, #tpu.memory_space<hbm>> -> memref<1x10000x64xf32, #tpu.memory_space<hbm>>
    %dma_start3A_76 = tpu.memref_squeeze %dma_start3A_75 : memref<1x10000x64xf32, #tpu.memory_space<hbm>> -> memref<10000x64xf32, #tpu.memory_space<hbm>>
    %dma_start3A_77 = arith.constant 0 : i32
    %dma_start3A_78 = arith.constant 0 : i32
    %dma_start3A_79 = tpu.memref_slice %dma_start3A_76[%dma_start3A_77, %dma_start3A_78] : memref<10000x64xf32, #tpu.memory_space<hbm>> -> memref<10000x64xf32, #tpu.memory_space<hbm>>
    tpu.enqueue_indirect_dma source(%dma_start3A_79 : memref<10000x64xf32, #tpu.memory_space<hbm>>) target(%arg11 : memref<128x64xf32, #tpu.memory_space<vmem>>) offsets(%arg16 : memref<128xi32, #tpu.memory_space<vmem>>) semaphore(%arg25 : memref<!tpu.dma_semaphore, #tpu.memory_space<semaphore_mem>>)
    %get3A_80 = arith.constant 256 : index
    %get3A_81 = tpu.vector_load %arg7[%get3A_80] {strides = array<i32>} : memref<20000xi32, #tpu.memory_space<vmem>>, vector<16xi32>,
    %swap3A_82 = arith.constant 0 : index
    %swap3A_83 = tpu.vector_load %arg17[%swap3A_82] {strides = array<i32>} : memref<128xi32, #tpu.memory_space<vmem>>, vector<16xi32>,
    tpu.vector_store %arg17[%swap3A_82], %get3A_81 {strides = array<i32>} : memref<128xi32, #tpu.memory_space<vmem>>, vector<16xi32>,
    %get3A_84 = arith.constant 272 : index
    %get3A_85 = tpu.vector_load %arg7[%get3A_84] {strides = array<i32>} : memref<20000xi32, #tpu.memory_space<vmem>>, vector<16xi32>,
    %swap3A_86 = arith.constant 16 : index
    %swap3A_87 = tpu.vector_load %arg17[%swap3A_86] {strides = array<i32>} : memref<128xi32, #tpu.memory_space<vmem>>, vector<16xi32>,
    tpu.vector_store %arg17[%swap3A_86], %get3A_85 {strides = array<i32>} : memref<128xi32, #tpu.memory_space<vmem>>, vector<16xi32>,
    %get3A_88 = arith.constant 288 : index
    %get3A_89 = tpu.vector_load %arg7[%get3A_88] {strides = array<i32>} : memref<20000xi32, #tpu.memory_space<vmem>>, vector<16xi32>,
    %swap3A_90 = arith.constant 32 : index
    %swap3A_91 = tpu.vector_load %arg17[%swap3A_90] {strides = array<i32>} : memref<128xi32, #tpu.memory_space<vmem>>, vector<16xi32>,
    tpu.vector_store %arg17[%swap3A_90], %get3A_89 {strides = array<i32>} : memref<128xi32, #tpu.memory_space<vmem>>, vector<16xi32>,
    %get3A_92 = arith.constant 304 : index
    %get3A_93 = tpu.vector_load %arg7[%get3A_92] {strides = array<i32>} : memref<20000xi32, #tpu.memory_space<vmem>>, vector<16xi32>,
    %swap3A_94 = arith.constant 48 : index
    %swap3A_95 = tpu.vector_load %arg17[%swap3A_94] {strides = array<i32>} : memref<128xi32, #tpu.memory_space<vmem>>, vector<16xi32>,
    tpu.vector_store %arg17[%swap3A_94], %get3A_93 {strides = array<i32>} : memref<128xi32, #tpu.memory_space<vmem>>, vector<16xi32>,
    %get3A_96 = arith.constant 320 : index
    %get3A_97 = tpu.vector_load %arg7[%get3A_96] {strides = array<i32>} : memref<20000xi32, #tpu.memory_space<vmem>>, vector<16xi32>,
    %swap3A_98 = arith.constant 64 : index
    %swap3A_99 = tpu.vector_load %arg17[%swap3A_98] {strides = array<i32>} : memref<128xi32, #tpu.memory_space<vmem>>, vector<16xi32>,
    tpu.vector_store %arg17[%swap3A_98], %get3A_97 {strides = array<i32>} : memref<128xi32, #tpu.memory_space<vmem>>, vector<16xi32>,
    %get3A_100 = arith.constant 336 : index
    %get3A_101 = tpu.vector_load %arg7[%get3A_100] {strides = array<i32>} : memref<20000xi32, #tpu.memory_space<vmem>>, vector<16xi32>,
    %swap3A_102 = arith.constant 80 : index
    %swap3A_103 = tpu.vector_load %arg17[%swap3A_102] {strides = array<i32>} : memref<128xi32, #tpu.memory_space<vmem>>, vector<16xi32>,
    tpu.vector_store %arg17[%swap3A_102], %get3A_101 {strides = array<i32>} : memref<128xi32, #tpu.memory_space<vmem>>, vector<16xi32>,
    %get3A_104 = arith.constant 352 : index
    %get3A_105 = tpu.vector_load %arg7[%get3A_104] {strides = array<i32>} : memref<20000xi32, #tpu.memory_space<vmem>>, vector<16xi32>,
    %swap3A_106 = arith.constant 96 : index
    %swap3A_107 = tpu.vector_load %arg17[%swap3A_106] {strides = array<i32>} : memref<128xi32, #tpu.memory_space<vmem>>, vector<16xi32>,
    tpu.vector_store %arg17[%swap3A_106], %get3A_105 {strides = array<i32>} : memref<128xi32, #tpu.memory_space<vmem>>, vector<16xi32>,
    %get3A_108 = arith.constant 368 : index
    %get3A_109 = tpu.vector_load %arg7[%get3A_108] {strides = array<i32>} : memref<20000xi32, #tpu.memory_space<vmem>>, vector<16xi32>,
    %swap3A_110 = arith.constant 112 : index
    %swap3A_111 = tpu.vector_load %arg17[%swap3A_110] {strides = array<i32>} : memref<128xi32, #tpu.memory_space<vmem>>, vector<16xi32>,
    tpu.vector_store %arg17[%swap3A_110], %get3A_109 {strides = array<i32>} : memref<128xi32, #tpu.memory_space<vmem>>, vector<16xi32>,
    %dma_start3A_112 = arith.constant 0 : i32
    %dma_start3A_113 = arith.constant 0 : i32
    %dma_start3A_114 = tpu.memref_slice %arg2[%arg0, %dma_start3A_112, %dma_start3A_113] : memref<2x10000x64xf32, #tpu.memory_space<hbm>> -> memref<1x10000x64xf32, #tpu.memory_space<hbm>>
    %dma_start3A_115 = tpu.memref_squeeze %dma_start3A_114 : memref<1x10000x64xf32, #tpu.memory_space<hbm>> -> memref<10000x64xf32, #tpu.memory_space<hbm>>
    %dma_start3A_116 = arith.constant 0 : i32
    %dma_start3A_117 = arith.constant 0 : i32
    %dma_start3A_118 = tpu.memref_slice %dma_start3A_115[%dma_start3A_116, %dma_start3A_117] : memref<10000x64xf32, #tpu.memory_space<hbm>> -> memref<10000x64xf32, #tpu.memory_space<hbm>>
    tpu.enqueue_indirect_dma source(%dma_start3A_118 : memref<10000x64xf32, #tpu.memory_space<hbm>>) target(%arg12 : memref<128x64xf32, #tpu.memory_space<vmem>>) offsets(%arg17 : memref<128xi32, #tpu.memory_space<vmem>>) semaphore(%arg26 : memref<!tpu.dma_semaphore, #tpu.memory_space<semaphore_mem>>)
    %scan3A = arith.constant 0 : i32
    %scan3A_119 = arith.constant 0 : i32
    %scan3A_120 = arith.constant 30 : i32
    %scan3A_121 = arith.addi %scan3A_119, %scan3A_120 : i32
    %scan3A_122 = arith.constant 1 : i32
    scf.for %scan3A_509 = %scan3A_119 to %scan3A_121 step %scan3A_122  : i32 {
      %mul3A_510 = arith.constant 5 : i32
      %mul3A_511 = arith.muli %scan3A_509, %mul3A_510 : i32
      %add3A = arith.constant 0 : i32
      %add3A_512 = arith.addi %mul3A_511, %add3A : i32
      %dma_wait3A_513 = arith.constant 0 : i32
      %dma_wait3A_514 = arith.constant 0 : i32
      %dma_wait3A_515 = tpu.memref_slice %arg2[%arg0, %dma_wait3A_513, %dma_wait3A_514] : memref<2x10000x64xf32, #tpu.memory_space<hbm>> -> memref<1x10000x64xf32, #tpu.memory_space<hbm>>
      %dma_wait3A_516 = tpu.memref_squeeze %dma_wait3A_515 : memref<1x10000x64xf32, #tpu.memory_space<hbm>> -> memref<10000x64xf32, #tpu.memory_space<hbm>>
      %dma_wait3A_517 = arith.constant 0 : i32
      %dma_wait3A_518 = arith.constant 0 : i32
      %dma_wait3A_519 = tpu.memref_slice %dma_wait3A_516[%dma_wait3A_517, %dma_wait3A_518] : memref<10000x64xf32, #tpu.memory_space<hbm>> -> memref<10000x64xf32, #tpu.memory_space<hbm>>
      tpu.wait_indirect_dma semaphore(%arg24 : memref<!tpu.dma_semaphore, #tpu.memory_space<semaphore_mem>>) src(%dma_wait3A_519 : memref<10000x64xf32, #tpu.memory_space<hbm>>) dst(%arg10 : memref<128x64xf32, #tpu.memory_space<vmem>>)
      %mul3A_520 = arith.constant 128 : i32
      %mul3A_521 = arith.muli %add3A_512, %mul3A_520 : i32
      %add3A_522 = arith.constant 0 : i32
      %add3A_523 = arith.addi %mul3A_521, %add3A_522 : i32
      %get3A_524 = arith.index_cast %add3A_523 : i32 to index
      %get3A_525 = tpu.vector_load %arg8[%get3A_524] {strides = array<i32>} : memref<20000xi32, #tpu.memory_space<vmem>>, vector<16xi32>,
      %swap3A_526 = arith.constant 0 : index
      %swap3A_527 = tpu.vector_load %arg9[%swap3A_526] {strides = array<i32>} : memref<128xi32, #tpu.memory_space<vmem>>, vector<16xi32>,
      tpu.vector_store %arg9[%swap3A_526], %get3A_525 {strides = array<i32>} : memref<128xi32, #tpu.memory_space<vmem>>, vector<16xi32>,
      %mul3A_528 = arith.constant 128 : i32
      %mul3A_529 = arith.muli %add3A_512, %mul3A_528 : i32
      %add3A_530 = arith.constant 16 : i32
      %add3A_531 = arith.addi %mul3A_529, %add3A_530 : i32
      %get3A_532 = arith.index_cast %add3A_531 : i32 to index
      %get3A_533 = tpu.vector_load %arg8[%get3A_532] {strides = array<i32>} : memref<20000xi32, #tpu.memory_space<vmem>>, vector<16xi32>,
      %swap3A_534 = arith.constant 16 : index
      %swap3A_535 = tpu.vector_load %arg9[%swap3A_534] {strides = array<i32>} : memref<128xi32, #tpu.memory_space<vmem>>, vector<16xi32>,
      tpu.vector_store %arg9[%swap3A_534], %get3A_533 {strides = array<i32>} : memref<128xi32, #tpu.memory_space<vmem>>, vector<16xi32>,
      %mul3A_536 = arith.constant 128 : i32
      %mul3A_537 = arith.muli %add3A_512, %mul3A_536 : i32
      %add3A_538 = arith.constant 32 : i32
      %add3A_539 = arith.addi %mul3A_537, %add3A_538 : i32
      %get3A_540 = arith.index_cast %add3A_539 : i32 to index
      %get3A_541 = tpu.vector_load %arg8[%get3A_540] {strides = array<i32>} : memref<20000xi32, #tpu.memory_space<vmem>>, vector<16xi32>,
      %swap3A_542 = arith.constant 32 : index
      %swap3A_543 = tpu.vector_load %arg9[%swap3A_542] {strides = array<i32>} : memref<128xi32, #tpu.memory_space<vmem>>, vector<16xi32>,
      tpu.vector_store %arg9[%swap3A_542], %get3A_541 {strides = array<i32>} : memref<128xi32, #tpu.memory_space<vmem>>, vector<16xi32>,
      %mul3A_544 = arith.constant 128 : i32
      %mul3A_545 = arith.muli %add3A_512, %mul3A_544 : i32
      %add3A_546 = arith.constant 48 : i32
      %add3A_547 = arith.addi %mul3A_545, %add3A_546 : i32
      %get3A_548 = arith.index_cast %add3A_547 : i32 to index
      %get3A_549 = tpu.vector_load %arg8[%get3A_548] {strides = array<i32>} : memref<20000xi32, #tpu.memory_space<vmem>>, vector<16xi32>,
      %swap3A_550 = arith.constant 48 : index
      %swap3A_551 = tpu.vector_load %arg9[%swap3A_550] {strides = array<i32>} : memref<128xi32, #tpu.memory_space<vmem>>, vector<16xi32>,
      tpu.vector_store %arg9[%swap3A_550], %get3A_549 {strides = array<i32>} : memref<128xi32, #tpu.memory_space<vmem>>, vector<16xi32>,
      %mul3A_552 = arith.constant 128 : i32
      %mul3A_553 = arith.muli %add3A_512, %mul3A_552 : i32
      %add3A_554 = arith.constant 64 : i32
      %add3A_555 = arith.addi %mul3A_553, %add3A_554 : i32
      %get3A_556 = arith.index_cast %add3A_555 : i32 to index
      %get3A_557 = tpu.vector_load %arg8[%get3A_556] {strides = array<i32>} : memref<20000xi32, #tpu.memory_space<vmem>>, vector<16xi32>,
      %swap3A_558 = arith.constant 64 : index
      %swap3A_559 = tpu.vector_load %arg9[%swap3A_558] {strides = array<i32>} : memref<128xi32, #tpu.memory_space<vmem>>, vector<16xi32>,
      tpu.vector_store %arg9[%swap3A_558], %get3A_557 {strides = array<i32>} : memref<128xi32, #tpu.memory_space<vmem>>, vector<16xi32>,
      %mul3A_560 = arith.constant 128 : i32
      %mul3A_561 = arith.muli %add3A_512, %mul3A_560 : i32
      %add3A_562 = arith.constant 80 : i32
      %add3A_563 = arith.addi %mul3A_561, %add3A_562 : i32
      %get3A_564 = arith.index_cast %add3A_563 : i32 to index
      %get3A_565 = tpu.vector_load %arg8[%get3A_564] {strides = array<i32>} : memref<20000xi32, #tpu.memory_space<vmem>>, vector<16xi32>,
      %swap3A_566 = arith.constant 80 : index
      %swap3A_567 = tpu.vector_load %arg9[%swap3A_566] {strides = array<i32>} : memref<128xi32, #tpu.memory_space<vmem>>, vector<16xi32>,
      tpu.vector_store %arg9[%swap3A_566], %get3A_565 {strides = array<i32>} : memref<128xi32, #tpu.memory_space<vmem>>, vector<16xi32>,
      %mul3A_568 = arith.constant 128 : i32
      %mul3A_569 = arith.muli %add3A_512, %mul3A_568 : i32
      %add3A_570 = arith.constant 96 : i32
      %add3A_571 = arith.addi %mul3A_569, %add3A_570 : i32
      %get3A_572 = arith.index_cast %add3A_571 : i32 to index
      %get3A_573 = tpu.vector_load %arg8[%get3A_572] {strides = array<i32>} : memref<20000xi32, #tpu.memory_space<vmem>>, vector<16xi32>,
      %swap3A_574 = arith.constant 96 : index
      %swap3A_575 = tpu.vector_load %arg9[%swap3A_574] {strides = array<i32>} : memref<128xi32, #tpu.memory_space<vmem>>, vector<16xi32>,
      tpu.vector_store %arg9[%swap3A_574], %get3A_573 {strides = array<i32>} : memref<128xi32, #tpu.memory_space<vmem>>, vector<16xi32>,
      %mul3A_576 = arith.constant 128 : i32
      %mul3A_577 = arith.muli %add3A_512, %mul3A_576 : i32
      %add3A_578 = arith.constant 112 : i32
      %add3A_579 = arith.addi %mul3A_577, %add3A_578 : i32
      %get3A_580 = arith.index_cast %add3A_579 : i32 to index
      %get3A_581 = tpu.vector_load %arg8[%get3A_580] {strides = array<i32>} : memref<20000xi32, #tpu.memory_space<vmem>>, vector<16xi32>,
      %swap3A_582 = arith.constant 112 : index
      %swap3A_583 = tpu.vector_load %arg9[%swap3A_582] {strides = array<i32>} : memref<128xi32, #tpu.memory_space<vmem>>, vector<16xi32>,
      tpu.vector_store %arg9[%swap3A_582], %get3A_581 {strides = array<i32>} : memref<128xi32, #tpu.memory_space<vmem>>, vector<16xi32>,
      "tpu.region"() ({
        %run_scoped3A = tpu.sem_alloc : memref<!tpu.dma_semaphore, #tpu.memory_space<semaphore_mem>>
        %dma_start3A_1249 = arith.constant 0 : i32
        %dma_start3A_1250 = arith.constant 0 : i32
        %dma_start3A_1251 = tpu.memref_slice %arg23[%dma_start3A_1249, %dma_start3A_1250] : memref<10112x64xf32, #tpu.memory_space<vmem_shared>> -> memref<10112x64xf32, #tpu.memory_space<vmem_shared>>
        tpu.enqueue_indirect_dma source(%arg10 : memref<128x64xf32, #tpu.memory_space<vmem>>) target(%dma_start3A_1251 : memref<10112x64xf32, #tpu.memory_space<vmem_shared>>) offsets(%arg9 : memref<128xi32, #tpu.memory_space<vmem>>) semaphore(%run_scoped3A : memref<!tpu.dma_semaphore, #tpu.memory_space<semaphore_mem>>) {add = true}
        %dma_wait3A_1252 = arith.constant 0 : i32
        %dma_wait3A_1253 = arith.constant 0 : i32
        %dma_wait3A_1254 = tpu.memref_slice %arg23[%dma_wait3A_1252, %dma_wait3A_1253] : memref<10112x64xf32, #tpu.memory_space<vmem_shared>> -> memref<10112x64xf32, #tpu.memory_space<vmem_shared>>
        tpu.wait_indirect_dma semaphore(%run_scoped3A : memref<!tpu.dma_semaphore, #tpu.memory_space<semaphore_mem>>) src(%arg10 : memref<128x64xf32, #tpu.memory_space<vmem>>) dst(%dma_wait3A_1254 : memref<10112x64xf32, #tpu.memory_space<vmem_shared>>)
        tpu.yield
      }) : () -> ()
      %add3A_584 = arith.constant 3 : i32
      %add3A_585 = arith.addi %add3A_512, %add3A_584 : i32
      %mul3A_586 = arith.constant 128 : i32
      %mul3A_587 = arith.muli %add3A_585, %mul3A_586 : i32
      %add3A_588 = arith.constant 0 : i32
      %add3A_589 = arith.addi %mul3A_587, %add3A_588 : i32
      %get3A_590 = arith.index_cast %add3A_589 : i32 to index
      %get3A_591 = tpu.vector_load %arg7[%get3A_590] {strides = array<i32>} : memref<20000xi32, #tpu.memory_space<vmem>>, vector<16xi32>,
      %swap3A_592 = arith.constant 0 : index
      %swap3A_593 = tpu.vector_load %arg18[%swap3A_592] {strides = array<i32>} : memref<128xi32, #tpu.memory_space<vmem>>, vector<16xi32>,
      tpu.vector_store %arg18[%swap3A_592], %get3A_591 {strides = array<i32>} : memref<128xi32, #tpu.memory_space<vmem>>, vector<16xi32>,
      %mul3A_594 = arith.constant 128 : i32
      %mul3A_595 = arith.muli %add3A_585, %mul3A_594 : i32
      %add3A_596 = arith.constant 16 : i32
      %add3A_597 = arith.addi %mul3A_595, %add3A_596 : i32
      %get3A_598 = arith.index_cast %add3A_597 : i32 to index
      %get3A_599 = tpu.vector_load %arg7[%get3A_598] {strides = array<i32>} : memref<20000xi32, #tpu.memory_space<vmem>>, vector<16xi32>,
      %swap3A_600 = arith.constant 16 : index
      %swap3A_601 = tpu.vector_load %arg18[%swap3A_600] {strides = array<i32>} : memref<128xi32, #tpu.memory_space<vmem>>, vector<16xi32>,
      tpu.vector_store %arg18[%swap3A_600], %get3A_599 {strides = array<i32>} : memref<128xi32, #tpu.memory_space<vmem>>, vector<16xi32>,
      %mul3A_602 = arith.constant 128 : i32
      %mul3A_603 = arith.muli %add3A_585, %mul3A_602 : i32
      %add3A_604 = arith.constant 32 : i32
      %add3A_605 = arith.addi %mul3A_603, %add3A_604 : i32
      %get3A_606 = arith.index_cast %add3A_605 : i32 to index
      %get3A_607 = tpu.vector_load %arg7[%get3A_606] {strides = array<i32>} : memref<20000xi32, #tpu.memory_space<vmem>>, vector<16xi32>,
      %swap3A_608 = arith.constant 32 : index
      %swap3A_609 = tpu.vector_load %arg18[%swap3A_608] {strides = array<i32>} : memref<128xi32, #tpu.memory_space<vmem>>, vector<16xi32>,
      tpu.vector_store %arg18[%swap3A_608], %get3A_607 {strides = array<i32>} : memref<128xi32, #tpu.memory_space<vmem>>, vector<16xi32>,
      %mul3A_610 = arith.constant 128 : i32
      %mul3A_611 = arith.muli %add3A_585, %mul3A_610 : i32
      %add3A_612 = arith.constant 48 : i32
      %add3A_613 = arith.addi %mul3A_611, %add3A_612 : i32
      %get3A_614 = arith.index_cast %add3A_613 : i32 to index
      %get3A_615 = tpu.vector_load %arg7[%get3A_614] {strides = array<i32>} : memref<20000xi32, #tpu.memory_space<vmem>>, vector<16xi32>,
      %swap3A_616 = arith.constant 48 : index
      %swap3A_617 = tpu.vector_load %arg18[%swap3A_616] {strides = array<i32>} : memref<128xi32, #tpu.memory_space<vmem>>, vector<16xi32>,
      tpu.vector_store %arg18[%swap3A_616], %get3A_615 {strides = array<i32>} : memref<128xi32, #tpu.memory_space<vmem>>, vector<16xi32>,
      %mul3A_618 = arith.constant 128 : i32
      %mul3A_619 = arith.muli %add3A_585, %mul3A_618 : i32
      %add3A_620 = arith.constant 64 : i32
      %add3A_621 = arith.addi %mul3A_619, %add3A_620 : i32
      %get3A_622 = arith.index_cast %add3A_621 : i32 to index
      %get3A_623 = tpu.vector_load %arg7[%get3A_622] {strides = array<i32>} : memref<20000xi32, #tpu.memory_space<vmem>>, vector<16xi32>,
      %swap3A_624 = arith.constant 64 : index
      %swap3A_625 = tpu.vector_load %arg18[%swap3A_624] {strides = array<i32>} : memref<128xi32, #tpu.memory_space<vmem>>, vector<16xi32>,
      tpu.vector_store %arg18[%swap3A_624], %get3A_623 {strides = array<i32>} : memref<128xi32, #tpu.memory_space<vmem>>, vector<16xi32>,
      %mul3A_626 = arith.constant 128 : i32
      %mul3A_627 = arith.muli %add3A_585, %mul3A_626 : i32
      %add3A_628 = arith.constant 80 : i32
      %add3A_629 = arith.addi %mul3A_627, %add3A_628 : i32
      %get3A_630 = arith.index_cast %add3A_629 : i32 to index
      %get3A_631 = tpu.vector_load %arg7[%get3A_630] {strides = array<i32>} : memref<20000xi32, #tpu.memory_space<vmem>>, vector<16xi32>,
      %swap3A_632 = arith.constant 80 : index
      %swap3A_633 = tpu.vector_load %arg18[%swap3A_632] {strides = array<i32>} : memref<128xi32, #tpu.memory_space<vmem>>, vector<16xi32>,
      tpu.vector_store %arg18[%swap3A_632], %get3A_631 {strides = array<i32>} : memref<128xi32, #tpu.memory_space<vmem>>, vector<16xi32>,
      %mul3A_634 = arith.constant 128 : i32
      %mul3A_635 = arith.muli %add3A_585, %mul3A_634 : i32
      %add3A_636 = arith.constant 96 : i32
      %add3A_637 = arith.addi %mul3A_635, %add3A_636 : i32
      %get3A_638 = arith.index_cast %add3A_637 : i32 to index
      %get3A_639 = tpu.vector_load %arg7[%get3A_638] {strides = array<i32>} : memref<20000xi32, #tpu.memory_space<vmem>>, vector<16xi32>,
      %swap3A_640 = arith.constant 96 : index
      %swap3A_641 = tpu.vector_load %arg18[%swap3A_640] {strides = array<i32>} : memref<128xi32, #tpu.memory_space<vmem>>, vector<16xi32>,
      tpu.vector_store %arg18[%swap3A_640], %get3A_639 {strides = array<i32>} : memref<128xi32, #tpu.memory_space<vmem>>, vector<16xi32>,
      %mul3A_642 = arith.constant 128 : i32
      %mul3A_643 = arith.muli %add3A_585, %mul3A_642 : i32
      %add3A_644 = arith.constant 112 : i32
      %add3A_645 = arith.addi %mul3A_643, %add3A_644 : i32
      %get3A_646 = arith.index_cast %add3A_645 : i32 to index
      %get3A_647 = tpu.vector_load %arg7[%get3A_646] {strides = array<i32>} : memref<20000xi32, #tpu.memory_space<vmem>>, vector<16xi32>,
      %swap3A_648 = arith.constant 112 : index
      %swap3A_649 = tpu.vector_load %arg18[%swap3A_648] {strides = array<i32>} : memref<128xi32, #tpu.memory_space<vmem>>, vector<16xi32>,
      tpu.vector_store %arg18[%swap3A_648], %get3A_647 {strides = array<i32>} : memref<128xi32, #tpu.memory_space<vmem>>, vector<16xi32>,
      %dma_start3A_650 = arith.constant 0 : i32
      %dma_start3A_651 = arith.constant 0 : i32
      %dma_start3A_652 = tpu.memref_slice %arg2[%arg0, %dma_start3A_650, %dma_start3A_651] : memref<2x10000x64xf32, #tpu.memory_space<hbm>> -> memref<1x10000x64xf32, #tpu.memory_space<hbm>>
      %dma_start3A_653 = tpu.memref_squeeze %dma_start3A_652 : memref<1x10000x64xf32, #tpu.memory_space<hbm>> -> memref<10000x64xf32, #tpu.memory_space<hbm>>
      %dma_start3A_654 = arith.constant 0 : i32
      %dma_start3A_655 = arith.constant 0 : i32
      %dma_start3A_656 = tpu.memref_slice %dma_start3A_653[%dma_start3A_654, %dma_start3A_655] : memref<10000x64xf32, #tpu.memory_space<hbm>> -> memref<10000x64xf32, #tpu.memory_space<hbm>>
      tpu.enqueue_indirect_dma source(%dma_start3A_656 : memref<10000x64xf32, #tpu.memory_space<hbm>>) target(%arg13 : memref<128x64xf32, #tpu.memory_space<vmem>>) offsets(%arg18 : memref<128xi32, #tpu.memory_space<vmem>>) semaphore(%arg27 : memref<!tpu.dma_semaphore, #tpu.memory_space<semaphore_mem>>)
      %mul3A_657 = arith.constant 5 : i32
      %mul3A_658 = arith.muli %scan3A_509, %mul3A_657 : i32
      %add3A_659 = arith.constant 1 : i32
      %add3A_660 = arith.addi %mul3A_658, %add3A_659 : i32
      %dma_wait3A_661 = arith.constant 0 : i32
      %dma_wait3A_662 = arith.constant 0 : i32
      %dma_wait3A_663 = tpu.memref_slice %arg2[%arg0, %dma_wait3A_661, %dma_wait3A_662] : memref<2x10000x64xf32, #tpu.memory_space<hbm>> -> memref<1x10000x64xf32, #tpu.memory_space<hbm>>
      %dma_wait3A_664 = tpu.memref_squeeze %dma_wait3A_663 : memref<1x10000x64xf32, #tpu.memory_space<hbm>> -> memref<10000x64xf32, #tpu.memory_space<hbm>>
      %dma_wait3A_665 = arith.constant 0 : i32
      %dma_wait3A_666 = arith.constant 0 : i32
      %dma_wait3A_667 = tpu.memref_slice %dma_wait3A_664[%dma_wait3A_665, %dma_wait3A_666] : memref<10000x64xf32, #tpu.memory_space<hbm>> -> memref<10000x64xf32, #tpu.memory_space<hbm>>
      tpu.wait_indirect_dma semaphore(%arg25 : memref<!tpu.dma_semaphore, #tpu.memory_space<semaphore_mem>>) src(%dma_wait3A_667 : memref<10000x64xf32, #tpu.memory_space<hbm>>) dst(%arg11 : memref<128x64xf32, #tpu.memory_space<vmem>>)
      %mul3A_668 = arith.constant 128 : i32
      %mul3A_669 = arith.muli %add3A_660, %mul3A_668 : i32
      %add3A_670 = arith.constant 0 : i32
      %add3A_671 = arith.addi %mul3A_669, %add3A_670 : i32
      %get3A_672 = arith.index_cast %add3A_671 : i32 to index
      %get3A_673 = tpu.vector_load %arg8[%get3A_672] {strides = array<i32>} : memref<20000xi32, #tpu.memory_space<vmem>>, vector<16xi32>,
      %swap3A_674 = arith.constant 0 : index
      %swap3A_675 = tpu.vector_load %arg9[%swap3A_674] {strides = array<i32>} : memref<128xi32, #tpu.memory_space<vmem>>, vector<16xi32>,
      tpu.vector_store %arg9[%swap3A_674], %get3A_673 {strides = array<i32>} : memref<128xi32, #tpu.memory_space<vmem>>, vector<16xi32>,
      %mul3A_676 = arith.constant 128 : i32
      %mul3A_677 = arith.muli %add3A_660, %mul3A_676 : i32
      %add3A_678 = arith.constant 16 : i32
      %add3A_679 = arith.addi %mul3A_677, %add3A_678 : i32
      %get3A_680 = arith.index_cast %add3A_679 : i32 to index
      %get3A_681 = tpu.vector_load %arg8[%get3A_680] {strides = array<i32>} : memref<20000xi32, #tpu.memory_space<vmem>>, vector<16xi32>,
      %swap3A_682 = arith.constant 16 : index
      %swap3A_683 = tpu.vector_load %arg9[%swap3A_682] {strides = array<i32>} : memref<128xi32, #tpu.memory_space<vmem>>, vector<16xi32>,
      tpu.vector_store %arg9[%swap3A_682], %get3A_681 {strides = array<i32>} : memref<128xi32, #tpu.memory_space<vmem>>, vector<16xi32>,
      %mul3A_684 = arith.constant 128 : i32
      %mul3A_685 = arith.muli %add3A_660, %mul3A_684 : i32
      %add3A_686 = arith.constant 32 : i32
      %add3A_687 = arith.addi %mul3A_685, %add3A_686 : i32
      %get3A_688 = arith.index_cast %add3A_687 : i32 to index
      %get3A_689 = tpu.vector_load %arg8[%get3A_688] {strides = array<i32>} : memref<20000xi32, #tpu.memory_space<vmem>>, vector<16xi32>,
      %swap3A_690 = arith.constant 32 : index
      %swap3A_691 = tpu.vector_load %arg9[%swap3A_690] {strides = array<i32>} : memref<128xi32, #tpu.memory_space<vmem>>, vector<16xi32>,
      tpu.vector_store %arg9[%swap3A_690], %get3A_689 {strides = array<i32>} : memref<128xi32, #tpu.memory_space<vmem>>, vector<16xi32>,
      %mul3A_692 = arith.constant 128 : i32
      %mul3A_693 = arith.muli %add3A_660, %mul3A_692 : i32
      %add3A_694 = arith.constant 48 : i32
      %add3A_695 = arith.addi %mul3A_693, %add3A_694 : i32
      %get3A_696 = arith.index_cast %add3A_695 : i32 to index
      %get3A_697 = tpu.vector_load %arg8[%get3A_696] {strides = array<i32>} : memref<20000xi32, #tpu.memory_space<vmem>>, vector<16xi32>,
      %swap3A_698 = arith.constant 48 : index
      %swap3A_699 = tpu.vector_load %arg9[%swap3A_698] {strides = array<i32>} : memref<128xi32, #tpu.memory_space<vmem>>, vector<16xi32>,
      tpu.vector_store %arg9[%swap3A_698], %get3A_697 {strides = array<i32>} : memref<128xi32, #tpu.memory_space<vmem>>, vector<16xi32>,
      %mul3A_700 = arith.constant 128 : i32
      %mul3A_701 = arith.muli %add3A_660, %mul3A_700 : i32
      %add3A_702 = arith.constant 64 : i32
      %add3A_703 = arith.addi %mul3A_701, %add3A_702 : i32
      %get3A_704 = arith.index_cast %add3A_703 : i32 to index
      %get3A_705 = tpu.vector_load %arg8[%get3A_704] {strides = array<i32>} : memref<20000xi32, #tpu.memory_space<vmem>>, vector<16xi32>,
      %swap3A_706 = arith.constant 64 : index
      %swap3A_707 = tpu.vector_load %arg9[%swap3A_706] {strides = array<i32>} : memref<128xi32, #tpu.memory_space<vmem>>, vector<16xi32>,
      tpu.vector_store %arg9[%swap3A_706], %get3A_705 {strides = array<i32>} : memref<128xi32, #tpu.memory_space<vmem>>, vector<16xi32>,
      %mul3A_708 = arith.constant 128 : i32
      %mul3A_709 = arith.muli %add3A_660, %mul3A_708 : i32
      %add3A_710 = arith.constant 80 : i32
      %add3A_711 = arith.addi %mul3A_709, %add3A_710 : i32
      %get3A_712 = arith.index_cast %add3A_711 : i32 to index
      %get3A_713 = tpu.vector_load %arg8[%get3A_712] {strides = array<i32>} : memref<20000xi32, #tpu.memory_space<vmem>>, vector<16xi32>,
      %swap3A_714 = arith.constant 80 : index
      %swap3A_715 = tpu.vector_load %arg9[%swap3A_714] {strides = array<i32>} : memref<128xi32, #tpu.memory_space<vmem>>, vector<16xi32>,
      tpu.vector_store %arg9[%swap3A_714], %get3A_713 {strides = array<i32>} : memref<128xi32, #tpu.memory_space<vmem>>, vector<16xi32>,
      %mul3A_716 = arith.constant 128 : i32
      %mul3A_717 = arith.muli %add3A_660, %mul3A_716 : i32
      %add3A_718 = arith.constant 96 : i32
      %add3A_719 = arith.addi %mul3A_717, %add3A_718 : i32
      %get3A_720 = arith.index_cast %add3A_719 : i32 to index
      %get3A_721 = tpu.vector_load %arg8[%get3A_720] {strides = array<i32>} : memref<20000xi32, #tpu.memory_space<vmem>>, vector<16xi32>,
      %swap3A_722 = arith.constant 96 : index
      %swap3A_723 = tpu.vector_load %arg9[%swap3A_722] {strides = array<i32>} : memref<128xi32, #tpu.memory_space<vmem>>, vector<16xi32>,
      tpu.vector_store %arg9[%swap3A_722], %get3A_721 {strides = array<i32>} : memref<128xi32, #tpu.memory_space<vmem>>, vector<16xi32>,
      %mul3A_724 = arith.constant 128 : i32
      %mul3A_725 = arith.muli %add3A_660, %mul3A_724 : i32
      %add3A_726 = arith.constant 112 : i32
      %add3A_727 = arith.addi %mul3A_725, %add3A_726 : i32
      %get3A_728 = arith.index_cast %add3A_727 : i32 to index
      %get3A_729 = tpu.vector_load %arg8[%get3A_728] {strides = array<i32>} : memref<20000xi32, #tpu.memory_space<vmem>>, vector<16xi32>,
      %swap3A_730 = arith.constant 112 : index
      %swap3A_731 = tpu.vector_load %arg9[%swap3A_730] {strides = array<i32>} : memref<128xi32, #tpu.memory_space<vmem>>, vector<16xi32>,
      tpu.vector_store %arg9[%swap3A_730], %get3A_729 {strides = array<i32>} : memref<128xi32, #tpu.memory_space<vmem>>, vector<16xi32>,
      "tpu.region"() ({
        %run_scoped3A = tpu.sem_alloc : memref<!tpu.dma_semaphore, #tpu.memory_space<semaphore_mem>>
        %dma_start3A_1249 = arith.constant 0 : i32
        %dma_start3A_1250 = arith.constant 0 : i32
        %dma_start3A_1251 = tpu.memref_slice %arg23[%dma_start3A_1249, %dma_start3A_1250] : memref<10112x64xf32, #tpu.memory_space<vmem_shared>> -> memref<10112x64xf32, #tpu.memory_space<vmem_shared>>
        tpu.enqueue_indirect_dma source(%arg11 : memref<128x64xf32, #tpu.memory_space<vmem>>) target(%dma_start3A_1251 : memref<10112x64xf32, #tpu.memory_space<vmem_shared>>) offsets(%arg9 : memref<128xi32, #tpu.memory_space<vmem>>) semaphore(%run_scoped3A : memref<!tpu.dma_semaphore, #tpu.memory_space<semaphore_mem>>) {add = true}
        %dma_wait3A_1252 = arith.constant 0 : i32
        %dma_wait3A_1253 = arith.constant 0 : i32
        %dma_wait3A_1254 = tpu.memref_slice %arg23[%dma_wait3A_1252, %dma_wait3A_1253] : memref<10112x64xf32, #tpu.memory_space<vmem_shared>> -> memref<10112x64xf32, #tpu.memory_space<vmem_shared>>
        tpu.wait_indirect_dma semaphore(%run_scoped3A : memref<!tpu.dma_semaphore, #tpu.memory_space<semaphore_mem>>) src(%arg11 : memref<128x64xf32, #tpu.memory_space<vmem>>) dst(%dma_wait3A_1254 : memref<10112x64xf32, #tpu.memory_space<vmem_shared>>)
        tpu.yield
      }) : () -> ()
      %add3A_732 = arith.constant 3 : i32
      %add3A_733 = arith.addi %add3A_660, %add3A_732 : i32
      %mul3A_734 = arith.constant 128 : i32
      %mul3A_735 = arith.muli %add3A_733, %mul3A_734 : i32
      %add3A_736 = arith.constant 0 : i32
      %add3A_737 = arith.addi %mul3A_735, %add3A_736 : i32
      %get3A_738 = arith.index_cast %add3A_737 : i32 to index
      %get3A_739 = tpu.vector_load %arg7[%get3A_738] {strides = array<i32>} : memref<20000xi32, #tpu.memory_space<vmem>>, vector<16xi32>,
      %swap3A_740 = arith.constant 0 : index
      %swap3A_741 = tpu.vector_load %arg19[%swap3A_740] {strides = array<i32>} : memref<128xi32, #tpu.memory_space<vmem>>, vector<16xi32>,
      tpu.vector_store %arg19[%swap3A_740], %get3A_739 {strides = array<i32>} : memref<128xi32, #tpu.memory_space<vmem>>, vector<16xi32>,
      %mul3A_742 = arith.constant 128 : i32
      %mul3A_743 = arith.muli %add3A_733, %mul3A_742 : i32
      %add3A_744 = arith.constant 16 : i32
      %add3A_745 = arith.addi %mul3A_743, %add3A_744 : i32
      %get3A_746 = arith.index_cast %add3A_745 : i32 to index
      %get3A_747 = tpu.vector_load %arg7[%get3A_746] {strides = array<i32>} : memref<20000xi32, #tpu.memory_space<vmem>>, vector<16xi32>,
      %swap3A_748 = arith.constant 16 : index
      %swap3A_749 = tpu.vector_load %arg19[%swap3A_748] {strides = array<i32>} : memref<128xi32, #tpu.memory_space<vmem>>, vector<16xi32>,
      tpu.vector_store %arg19[%swap3A_748], %get3A_747 {strides = array<i32>} : memref<128xi32, #tpu.memory_space<vmem>>, vector<16xi32>,
      %mul3A_750 = arith.constant 128 : i32
      %mul3A_751 = arith.muli %add3A_733, %mul3A_750 : i32
      %add3A_752 = arith.constant 32 : i32
      %add3A_753 = arith.addi %mul3A_751, %add3A_752 : i32
      %get3A_754 = arith.index_cast %add3A_753 : i32 to index
      %get3A_755 = tpu.vector_load %arg7[%get3A_754] {strides = array<i32>} : memref<20000xi32, #tpu.memory_space<vmem>>, vector<16xi32>,
      %swap3A_756 = arith.constant 32 : index
      %swap3A_757 = tpu.vector_load %arg19[%swap3A_756] {strides = array<i32>} : memref<128xi32, #tpu.memory_space<vmem>>, vector<16xi32>,
      tpu.vector_store %arg19[%swap3A_756], %get3A_755 {strides = array<i32>} : memref<128xi32, #tpu.memory_space<vmem>>, vector<16xi32>,
      %mul3A_758 = arith.constant 128 : i32
      %mul3A_759 = arith.muli %add3A_733, %mul3A_758 : i32
      %add3A_760 = arith.constant 48 : i32
      %add3A_761 = arith.addi %mul3A_759, %add3A_760 : i32
      %get3A_762 = arith.index_cast %add3A_761 : i32 to index
      %get3A_763 = tpu.vector_load %arg7[%get3A_762] {strides = array<i32>} : memref<20000xi32, #tpu.memory_space<vmem>>, vector<16xi32>,
      %swap3A_764 = arith.constant 48 : index
      %swap3A_765 = tpu.vector_load %arg19[%swap3A_764] {strides = array<i32>} : memref<128xi32, #tpu.memory_space<vmem>>, vector<16xi32>,
      tpu.vector_store %arg19[%swap3A_764], %get3A_763 {strides = array<i32>} : memref<128xi32, #tpu.memory_space<vmem>>, vector<16xi32>,
      %mul3A_766 = arith.constant 128 : i32
      %mul3A_767 = arith.muli %add3A_733, %mul3A_766 : i32
      %add3A_768 = arith.constant 64 : i32
      %add3A_769 = arith.addi %mul3A_767, %add3A_768 : i32
      %get3A_770 = arith.index_cast %add3A_769 : i32 to index
      %get3A_771 = tpu.vector_load %arg7[%get3A_770] {strides = array<i32>} : memref<20000xi32, #tpu.memory_space<vmem>>, vector<16xi32>,
      %swap3A_772 = arith.constant 64 : index
      %swap3A_773 = tpu.vector_load %arg19[%swap3A_772] {strides = array<i32>} : memref<128xi32, #tpu.memory_space<vmem>>, vector<16xi32>,
      tpu.vector_store %arg19[%swap3A_772], %get3A_771 {strides = array<i32>} : memref<128xi32, #tpu.memory_space<vmem>>, vector<16xi32>,
      %mul3A_774 = arith.constant 128 : i32
      %mul3A_775 = arith.muli %add3A_733, %mul3A_774 : i32
      %add3A_776 = arith.constant 80 : i32
      %add3A_777 = arith.addi %mul3A_775, %add3A_776 : i32
      %get3A_778 = arith.index_cast %add3A_777 : i32 to index
      %get3A_779 = tpu.vector_load %arg7[%get3A_778] {strides = array<i32>} : memref<20000xi32, #tpu.memory_space<vmem>>, vector<16xi32>,
      %swap3A_780 = arith.constant 80 : index
      %swap3A_781 = tpu.vector_load %arg19[%swap3A_780] {strides = array<i32>} : memref<128xi32, #tpu.memory_space<vmem>>, vector<16xi32>,
      tpu.vector_store %arg19[%swap3A_780], %get3A_779 {strides = array<i32>} : memref<128xi32, #tpu.memory_space<vmem>>, vector<16xi32>,
      %mul3A_782 = arith.constant 128 : i32
      %mul3A_783 = arith.muli %add3A_733, %mul3A_782 : i32
      %add3A_784 = arith.constant 96 : i32
      %add3A_785 = arith.addi %mul3A_783, %add3A_784 : i32
      %get3A_786 = arith.index_cast %add3A_785 : i32 to index
      %get3A_787 = tpu.vector_load %arg7[%get3A_786] {strides = array<i32>} : memref<20000xi32, #tpu.memory_space<vmem>>, vector<16xi32>,
      %swap3A_788 = arith.constant 96 : index
      %swap3A_789 = tpu.vector_load %arg19[%swap3A_788] {strides = array<i32>} : memref<128xi32, #tpu.memory_space<vmem>>, vector<16xi32>,
      tpu.vector_store %arg19[%swap3A_788], %get3A_787 {strides = array<i32>} : memref<128xi32, #tpu.memory_space<vmem>>, vector<16xi32>,
      %mul3A_790 = arith.constant 128 : i32
      %mul3A_791 = arith.muli %add3A_733, %mul3A_790 : i32
      %add3A_792 = arith.constant 112 : i32
      %add3A_793 = arith.addi %mul3A_791, %add3A_792 : i32
      %get3A_794 = arith.index_cast %add3A_793 : i32 to index
      %get3A_795 = tpu.vector_load %arg7[%get3A_794] {strides = array<i32>} : memref<20000xi32, #tpu.memory_space<vmem>>, vector<16xi32>,
      %swap3A_796 = arith.constant 112 : index
      %swap3A_797 = tpu.vector_load %arg19[%swap3A_796] {strides = array<i32>} : memref<128xi32, #tpu.memory_space<vmem>>, vector<16xi32>,
      tpu.vector_store %arg19[%swap3A_796], %get3A_795 {strides = array<i32>} : memref<128xi32, #tpu.memory_space<vmem>>, vector<16xi32>,
      %dma_start3A_798 = arith.constant 0 : i32
      %dma_start3A_799 = arith.constant 0 : i32
      %dma_start3A_800 = tpu.memref_slice %arg2[%arg0, %dma_start3A_798, %dma_start3A_799] : memref<2x10000x64xf32, #tpu.memory_space<hbm>> -> memref<1x10000x64xf32, #tpu.memory_space<hbm>>
      %dma_start3A_801 = tpu.memref_squeeze %dma_start3A_800 : memref<1x10000x64xf32, #tpu.memory_space<hbm>> -> memref<10000x64xf32, #tpu.memory_space<hbm>>
      %dma_start3A_802 = arith.constant 0 : i32
      %dma_start3A_803 = arith.constant 0 : i32
      %dma_start3A_804 = tpu.memref_slice %dma_start3A_801[%dma_start3A_802, %dma_start3A_803] : memref<10000x64xf32, #tpu.memory_space<hbm>> -> memref<10000x64xf32, #tpu.memory_space<hbm>>
      tpu.enqueue_indirect_dma source(%dma_start3A_804 : memref<10000x64xf32, #tpu.memory_space<hbm>>) target(%arg14 : memref<128x64xf32, #tpu.memory_space<vmem>>) offsets(%arg19 : memref<128xi32, #tpu.memory_space<vmem>>) semaphore(%arg28 : memref<!tpu.dma_semaphore, #tpu.memory_space<semaphore_mem>>)
      %mul3A_805 = arith.constant 5 : i32
      %mul3A_806 = arith.muli %scan3A_509, %mul3A_805 : i32
      %add3A_807 = arith.constant 2 : i32
      %add3A_808 = arith.addi %mul3A_806, %add3A_807 : i32
      %dma_wait3A_809 = arith.constant 0 : i32
      %dma_wait3A_810 = arith.constant 0 : i32
      %dma_wait3A_811 = tpu.memref_slice %arg2[%arg0, %dma_wait3A_809, %dma_wait3A_810] : memref<2x10000x64xf32, #tpu.memory_space<hbm>> -> memref<1x10000x64xf32, #tpu.memory_space<hbm>>
      %dma_wait3A_812 = tpu.memref_squeeze %dma_wait3A_811 : memref<1x10000x64xf32, #tpu.memory_space<hbm>> -> memref<10000x64xf32, #tpu.memory_space<hbm>>
      %dma_wait3A_813 = arith.constant 0 : i32
      %dma_wait3A_814 = arith.constant 0 : i32
      %dma_wait3A_815 = tpu.memref_slice %dma_wait3A_812[%dma_wait3A_813, %dma_wait3A_814] : memref<10000x64xf32, #tpu.memory_space<hbm>> -> memref<10000x64xf32, #tpu.memory_space<hbm>>
      tpu.wait_indirect_dma semaphore(%arg26 : memref<!tpu.dma_semaphore, #tpu.memory_space<semaphore_mem>>) src(%dma_wait3A_815 : memref<10000x64xf32, #tpu.memory_space<hbm>>) dst(%arg12 : memref<128x64xf32, #tpu.memory_space<vmem>>)
      %mul3A_816 = arith.constant 128 : i32
      %mul3A_817 = arith.muli %add3A_808, %mul3A_816 : i32
      %add3A_818 = arith.constant 0 : i32
      %add3A_819 = arith.addi %mul3A_817, %add3A_818 : i32
      %get3A_820 = arith.index_cast %add3A_819 : i32 to index
      %get3A_821 = tpu.vector_load %arg8[%get3A_820] {strides = array<i32>} : memref<20000xi32, #tpu.memory_space<vmem>>, vector<16xi32>,
      %swap3A_822 = arith.constant 0 : index
      %swap3A_823 = tpu.vector_load %arg9[%swap3A_822] {strides = array<i32>} : memref<128xi32, #tpu.memory_space<vmem>>, vector<16xi32>,
      tpu.vector_store %arg9[%swap3A_822], %get3A_821 {strides = array<i32>} : memref<128xi32, #tpu.memory_space<vmem>>, vector<16xi32>,
      %mul3A_824 = arith.constant 128 : i32
      %mul3A_825 = arith.muli %add3A_808, %mul3A_824 : i32
      %add3A_826 = arith.constant 16 : i32
      %add3A_827 = arith.addi %mul3A_825, %add3A_826 : i32
      %get3A_828 = arith.index_cast %add3A_827 : i32 to index
      %get3A_829 = tpu.vector_load %arg8[%get3A_828] {strides = array<i32>} : memref<20000xi32, #tpu.memory_space<vmem>>, vector<16xi32>,
      %swap3A_830 = arith.constant 16 : index
      %swap3A_831 = tpu.vector_load %arg9[%swap3A_830] {strides = array<i32>} : memref<128xi32, #tpu.memory_space<vmem>>, vector<16xi32>,
      tpu.vector_store %arg9[%swap3A_830], %get3A_829 {strides = array<i32>} : memref<128xi32, #tpu.memory_space<vmem>>, vector<16xi32>,
      %mul3A_832 = arith.constant 128 : i32
      %mul3A_833 = arith.muli %add3A_808, %mul3A_832 : i32
      %add3A_834 = arith.constant 32 : i32
      %add3A_835 = arith.addi %mul3A_833, %add3A_834 : i32
      %get3A_836 = arith.index_cast %add3A_835 : i32 to index
      %get3A_837 = tpu.vector_load %arg8[%get3A_836] {strides = array<i32>} : memref<20000xi32, #tpu.memory_space<vmem>>, vector<16xi32>,
      %swap3A_838 = arith.constant 32 : index
      %swap3A_839 = tpu.vector_load %arg9[%swap3A_838] {strides = array<i32>} : memref<128xi32, #tpu.memory_space<vmem>>, vector<16xi32>,
      tpu.vector_store %arg9[%swap3A_838], %get3A_837 {strides = array<i32>} : memref<128xi32, #tpu.memory_space<vmem>>, vector<16xi32>,
      %mul3A_840 = arith.constant 128 : i32
      %mul3A_841 = arith.muli %add3A_808, %mul3A_840 : i32
      %add3A_842 = arith.constant 48 : i32
      %add3A_843 = arith.addi %mul3A_841, %add3A_842 : i32
      %get3A_844 = arith.index_cast %add3A_843 : i32 to index
      %get3A_845 = tpu.vector_load %arg8[%get3A_844] {strides = array<i32>} : memref<20000xi32, #tpu.memory_space<vmem>>, vector<16xi32>,
      %swap3A_846 = arith.constant 48 : index
      %swap3A_847 = tpu.vector_load %arg9[%swap3A_846] {strides = array<i32>} : memref<128xi32, #tpu.memory_space<vmem>>, vector<16xi32>,
      tpu.vector_store %arg9[%swap3A_846], %get3A_845 {strides = array<i32>} : memref<128xi32, #tpu.memory_space<vmem>>, vector<16xi32>,
      %mul3A_848 = arith.constant 128 : i32
      %mul3A_849 = arith.muli %add3A_808, %mul3A_848 : i32
      %add3A_850 = arith.constant 64 : i32
      %add3A_851 = arith.addi %mul3A_849, %add3A_850 : i32
      %get3A_852 = arith.index_cast %add3A_851 : i32 to index
      %get3A_853 = tpu.vector_load %arg8[%get3A_852] {strides = array<i32>} : memref<20000xi32, #tpu.memory_space<vmem>>, vector<16xi32>,
      %swap3A_854 = arith.constant 64 : index
      %swap3A_855 = tpu.vector_load %arg9[%swap3A_854] {strides = array<i32>} : memref<128xi32, #tpu.memory_space<vmem>>, vector<16xi32>,
      tpu.vector_store %arg9[%swap3A_854], %get3A_853 {strides = array<i32>} : memref<128xi32, #tpu.memory_space<vmem>>, vector<16xi32>,
      %mul3A_856 = arith.constant 128 : i32
      %mul3A_857 = arith.muli %add3A_808, %mul3A_856 : i32
      %add3A_858 = arith.constant 80 : i32
      %add3A_859 = arith.addi %mul3A_857, %add3A_858 : i32
      %get3A_860 = arith.index_cast %add3A_859 : i32 to index
      %get3A_861 = tpu.vector_load %arg8[%get3A_860] {strides = array<i32>} : memref<20000xi32, #tpu.memory_space<vmem>>, vector<16xi32>,
      %swap3A_862 = arith.constant 80 : index
      %swap3A_863 = tpu.vector_load %arg9[%swap3A_862] {strides = array<i32>} : memref<128xi32, #tpu.memory_space<vmem>>, vector<16xi32>,
      tpu.vector_store %arg9[%swap3A_862], %get3A_861 {strides = array<i32>} : memref<128xi32, #tpu.memory_space<vmem>>, vector<16xi32>,
      %mul3A_864 = arith.constant 128 : i32
      %mul3A_865 = arith.muli %add3A_808, %mul3A_864 : i32
      %add3A_866 = arith.constant 96 : i32
      %add3A_867 = arith.addi %mul3A_865, %add3A_866 : i32
      %get3A_868 = arith.index_cast %add3A_867 : i32 to index
      %get3A_869 = tpu.vector_load %arg8[%get3A_868] {strides = array<i32>} : memref<20000xi32, #tpu.memory_space<vmem>>, vector<16xi32>,
      %swap3A_870 = arith.constant 96 : index
      %swap3A_871 = tpu.vector_load %arg9[%swap3A_870] {strides = array<i32>} : memref<128xi32, #tpu.memory_space<vmem>>, vector<16xi32>,
      tpu.vector_store %arg9[%swap3A_870], %get3A_869 {strides = array<i32>} : memref<128xi32, #tpu.memory_space<vmem>>, vector<16xi32>,
      %mul3A_872 = arith.constant 128 : i32
      %mul3A_873 = arith.muli %add3A_808, %mul3A_872 : i32
      %add3A_874 = arith.constant 112 : i32
      %add3A_875 = arith.addi %mul3A_873, %add3A_874 : i32
      %get3A_876 = arith.index_cast %add3A_875 : i32 to index
      %get3A_877 = tpu.vector_load %arg8[%get3A_876] {strides = array<i32>} : memref<20000xi32, #tpu.memory_space<vmem>>, vector<16xi32>,
      %swap3A_878 = arith.constant 112 : index
      %swap3A_879 = tpu.vector_load %arg9[%swap3A_878] {strides = array<i32>} : memref<128xi32, #tpu.memory_space<vmem>>, vector<16xi32>,
      tpu.vector_store %arg9[%swap3A_878], %get3A_877 {strides = array<i32>} : memref<128xi32, #tpu.memory_space<vmem>>, vector<16xi32>,
      "tpu.region"() ({
        %run_scoped3A = tpu.sem_alloc : memref<!tpu.dma_semaphore, #tpu.memory_space<semaphore_mem>>
        %dma_start3A_1249 = arith.constant 0 : i32
        %dma_start3A_1250 = arith.constant 0 : i32
        %dma_start3A_1251 = tpu.memref_slice %arg23[%dma_start3A_1249, %dma_start3A_1250] : memref<10112x64xf32, #tpu.memory_space<vmem_shared>> -> memref<10112x64xf32, #tpu.memory_space<vmem_shared>>
        tpu.enqueue_indirect_dma source(%arg12 : memref<128x64xf32, #tpu.memory_space<vmem>>) target(%dma_start3A_1251 : memref<10112x64xf32, #tpu.memory_space<vmem_shared>>) offsets(%arg9 : memref<128xi32, #tpu.memory_space<vmem>>) semaphore(%run_scoped3A : memref<!tpu.dma_semaphore, #tpu.memory_space<semaphore_mem>>) {add = true}
        %dma_wait3A_1252 = arith.constant 0 : i32
        %dma_wait3A_1253 = arith.constant 0 : i32
        %dma_wait3A_1254 = tpu.memref_slice %arg23[%dma_wait3A_1252, %dma_wait3A_1253] : memref<10112x64xf32, #tpu.memory_space<vmem_shared>> -> memref<10112x64xf32, #tpu.memory_space<vmem_shared>>
        tpu.wait_indirect_dma semaphore(%run_scoped3A : memref<!tpu.dma_semaphore, #tpu.memory_space<semaphore_mem>>) src(%arg12 : memref<128x64xf32, #tpu.memory_space<vmem>>) dst(%dma_wait3A_1254 : memref<10112x64xf32, #tpu.memory_space<vmem_shared>>)
        tpu.yield
      }) : () -> ()
      %add3A_880 = arith.constant 3 : i32
      %add3A_881 = arith.addi %add3A_808, %add3A_880 : i32
      %mul3A_882 = arith.constant 128 : i32
      %mul3A_883 = arith.muli %add3A_881, %mul3A_882 : i32
      %add3A_884 = arith.constant 0 : i32
      %add3A_885 = arith.addi %mul3A_883, %add3A_884 : i32
      %get3A_886 = arith.index_cast %add3A_885 : i32 to index
      %get3A_887 = tpu.vector_load %arg7[%get3A_886] {strides = array<i32>} : memref<20000xi32, #tpu.memory_space<vmem>>, vector<16xi32>,
      %swap3A_888 = arith.constant 0 : index
      %swap3A_889 = tpu.vector_load %arg15[%swap3A_888] {strides = array<i32>} : memref<128xi32, #tpu.memory_space<vmem>>, vector<16xi32>,
      tpu.vector_store %arg15[%swap3A_888], %get3A_887 {strides = array<i32>} : memref<128xi32, #tpu.memory_space<vmem>>, vector<16xi32>,
      %mul3A_890 = arith.constant 128 : i32
      %mul3A_891 = arith.muli %add3A_881, %mul3A_890 : i32
      %add3A_892 = arith.constant 16 : i32
      %add3A_893 = arith.addi %mul3A_891, %add3A_892 : i32
      %get3A_894 = arith.index_cast %add3A_893 : i32 to index
      %get3A_895 = tpu.vector_load %arg7[%get3A_894] {strides = array<i32>} : memref<20000xi32, #tpu.memory_space<vmem>>, vector<16xi32>,
      %swap3A_896 = arith.constant 16 : index
      %swap3A_897 = tpu.vector_load %arg15[%swap3A_896] {strides = array<i32>} : memref<128xi32, #tpu.memory_space<vmem>>, vector<16xi32>,
      tpu.vector_store %arg15[%swap3A_896], %get3A_895 {strides = array<i32>} : memref<128xi32, #tpu.memory_space<vmem>>, vector<16xi32>,
      %mul3A_898 = arith.constant 128 : i32
      %mul3A_899 = arith.muli %add3A_881, %mul3A_898 : i32
      %add3A_900 = arith.constant 32 : i32
      %add3A_901 = arith.addi %mul3A_899, %add3A_900 : i32
      %get3A_902 = arith.index_cast %add3A_901 : i32 to index
      %get3A_903 = tpu.vector_load %arg7[%get3A_902] {strides = array<i32>} : memref<20000xi32, #tpu.memory_space<vmem>>, vector<16xi32>,
      %swap3A_904 = arith.constant 32 : index
      %swap3A_905 = tpu.vector_load %arg15[%swap3A_904] {strides = array<i32>} : memref<128xi32, #tpu.memory_space<vmem>>, vector<16xi32>,
      tpu.vector_store %arg15[%swap3A_904], %get3A_903 {strides = array<i32>} : memref<128xi32, #tpu.memory_space<vmem>>, vector<16xi32>,
      %mul3A_906 = arith.constant 128 : i32
      %mul3A_907 = arith.muli %add3A_881, %mul3A_906 : i32
      %add3A_908 = arith.constant 48 : i32
      %add3A_909 = arith.addi %mul3A_907, %add3A_908 : i32
      %get3A_910 = arith.index_cast %add3A_909 : i32 to index
      %get3A_911 = tpu.vector_load %arg7[%get3A_910] {strides = array<i32>} : memref<20000xi32, #tpu.memory_space<vmem>>, vector<16xi32>,
      %swap3A_912 = arith.constant 48 : index
      %swap3A_913 = tpu.vector_load %arg15[%swap3A_912] {strides = array<i32>} : memref<128xi32, #tpu.memory_space<vmem>>, vector<16xi32>,
      tpu.vector_store %arg15[%swap3A_912], %get3A_911 {strides = array<i32>} : memref<128xi32, #tpu.memory_space<vmem>>, vector<16xi32>,
      %mul3A_914 = arith.constant 128 : i32
      %mul3A_915 = arith.muli %add3A_881, %mul3A_914 : i32
      %add3A_916 = arith.constant 64 : i32
      %add3A_917 = arith.addi %mul3A_915, %add3A_916 : i32
      %get3A_918 = arith.index_cast %add3A_917 : i32 to index
      %get3A_919 = tpu.vector_load %arg7[%get3A_918] {strides = array<i32>} : memref<20000xi32, #tpu.memory_space<vmem>>, vector<16xi32>,
      %swap3A_920 = arith.constant 64 : index
      %swap3A_921 = tpu.vector_load %arg15[%swap3A_920] {strides = array<i32>} : memref<128xi32, #tpu.memory_space<vmem>>, vector<16xi32>,
      tpu.vector_store %arg15[%swap3A_920], %get3A_919 {strides = array<i32>} : memref<128xi32, #tpu.memory_space<vmem>>, vector<16xi32>,
      %mul3A_922 = arith.constant 128 : i32
      %mul3A_923 = arith.muli %add3A_881, %mul3A_922 : i32
      %add3A_924 = arith.constant 80 : i32
      %add3A_925 = arith.addi %mul3A_923, %add3A_924 : i32
      %get3A_926 = arith.index_cast %add3A_925 : i32 to index
      %get3A_927 = tpu.vector_load %arg7[%get3A_926] {strides = array<i32>} : memref<20000xi32, #tpu.memory_space<vmem>>, vector<16xi32>,
      %swap3A_928 = arith.constant 80 : index
      %swap3A_929 = tpu.vector_load %arg15[%swap3A_928] {strides = array<i32>} : memref<128xi32, #tpu.memory_space<vmem>>, vector<16xi32>,
      tpu.vector_store %arg15[%swap3A_928], %get3A_927 {strides = array<i32>} : memref<128xi32, #tpu.memory_space<vmem>>, vector<16xi32>,
      %mul3A_930 = arith.constant 128 : i32
      %mul3A_931 = arith.muli %add3A_881, %mul3A_930 : i32
      %add3A_932 = arith.constant 96 : i32
      %add3A_933 = arith.addi %mul3A_931, %add3A_932 : i32
      %get3A_934 = arith.index_cast %add3A_933 : i32 to index
      %get3A_935 = tpu.vector_load %arg7[%get3A_934] {strides = array<i32>} : memref<20000xi32, #tpu.memory_space<vmem>>, vector<16xi32>,
      %swap3A_936 = arith.constant 96 : index
      %swap3A_937 = tpu.vector_load %arg15[%swap3A_936] {strides = array<i32>} : memref<128xi32, #tpu.memory_space<vmem>>, vector<16xi32>,
      tpu.vector_store %arg15[%swap3A_936], %get3A_935 {strides = array<i32>} : memref<128xi32, #tpu.memory_space<vmem>>, vector<16xi32>,
      %mul3A_938 = arith.constant 128 : i32
      %mul3A_939 = arith.muli %add3A_881, %mul3A_938 : i32
      %add3A_940 = arith.constant 112 : i32
      %add3A_941 = arith.addi %mul3A_939, %add3A_940 : i32
      %get3A_942 = arith.index_cast %add3A_941 : i32 to index
      %get3A_943 = tpu.vector_load %arg7[%get3A_942] {strides = array<i32>} : memref<20000xi32, #tpu.memory_space<vmem>>, vector<16xi32>,
      %swap3A_944 = arith.constant 112 : index
      %swap3A_945 = tpu.vector_load %arg15[%swap3A_944] {strides = array<i32>} : memref<128xi32, #tpu.memory_space<vmem>>, vector<16xi32>,
      tpu.vector_store %arg15[%swap3A_944], %get3A_943 {strides = array<i32>} : memref<128xi32, #tpu.memory_space<vmem>>, vector<16xi32>,
      %dma_start3A_946 = arith.constant 0 : i32
      %dma_start3A_947 = arith.constant 0 : i32
      %dma_start3A_948 = tpu.memref_slice %arg2[%arg0, %dma_start3A_946, %dma_start3A_947] : memref<2x10000x64xf32, #tpu.memory_space<hbm>> -> memref<1x10000x64xf32, #tpu.memory_space<hbm>>
      %dma_start3A_949 = tpu.memref_squeeze %dma_start3A_948 : memref<1x10000x64xf32, #tpu.memory_space<hbm>> -> memref<10000x64xf32, #tpu.memory_space<hbm>>
      %dma_start3A_950 = arith.constant 0 : i32
      %dma_start3A_951 = arith.constant 0 : i32
      %dma_start3A_952 = tpu.memref_slice %dma_start3A_949[%dma_start3A_950, %dma_start3A_951] : memref<10000x64xf32, #tpu.memory_space<hbm>> -> memref<10000x64xf32, #tpu.memory_space<hbm>>
      tpu.enqueue_indirect_dma source(%dma_start3A_952 : memref<10000x64xf32, #tpu.memory_space<hbm>>) target(%arg10 : memref<128x64xf32, #tpu.memory_space<vmem>>) offsets(%arg15 : memref<128xi32, #tpu.memory_space<vmem>>) semaphore(%arg24 : memref<!tpu.dma_semaphore, #tpu.memory_space<semaphore_mem>>)
      %mul3A_953 = arith.constant 5 : i32
      %mul3A_954 = arith.muli %scan3A_509, %mul3A_953 : i32
      %add3A_955 = arith.constant 3 : i32
      %add3A_956 = arith.addi %mul3A_954, %add3A_955 : i32
      %dma_wait3A_957 = arith.constant 0 : i32
      %dma_wait3A_958 = arith.constant 0 : i32
      %dma_wait3A_959 = tpu.memref_slice %arg2[%arg0, %dma_wait3A_957, %dma_wait3A_958] : memref<2x10000x64xf32, #tpu.memory_space<hbm>> -> memref<1x10000x64xf32, #tpu.memory_space<hbm>>
      %dma_wait3A_960 = tpu.memref_squeeze %dma_wait3A_959 : memref<1x10000x64xf32, #tpu.memory_space<hbm>> -> memref<10000x64xf32, #tpu.memory_space<hbm>>
      %dma_wait3A_961 = arith.constant 0 : i32
      %dma_wait3A_962 = arith.constant 0 : i32
      %dma_wait3A_963 = tpu.memref_slice %dma_wait3A_960[%dma_wait3A_961, %dma_wait3A_962] : memref<10000x64xf32, #tpu.memory_space<hbm>> -> memref<10000x64xf32, #tpu.memory_space<hbm>>
      tpu.wait_indirect_dma semaphore(%arg27 : memref<!tpu.dma_semaphore, #tpu.memory_space<semaphore_mem>>) src(%dma_wait3A_963 : memref<10000x64xf32, #tpu.memory_space<hbm>>) dst(%arg13 : memref<128x64xf32, #tpu.memory_space<vmem>>)
      %mul3A_964 = arith.constant 128 : i32
      %mul3A_965 = arith.muli %add3A_956, %mul3A_964 : i32
      %add3A_966 = arith.constant 0 : i32
      %add3A_967 = arith.addi %mul3A_965, %add3A_966 : i32
      %get3A_968 = arith.index_cast %add3A_967 : i32 to index
      %get3A_969 = tpu.vector_load %arg8[%get3A_968] {strides = array<i32>} : memref<20000xi32, #tpu.memory_space<vmem>>, vector<16xi32>,
      %swap3A_970 = arith.constant 0 : index
      %swap3A_971 = tpu.vector_load %arg9[%swap3A_970] {strides = array<i32>} : memref<128xi32, #tpu.memory_space<vmem>>, vector<16xi32>,
      tpu.vector_store %arg9[%swap3A_970], %get3A_969 {strides = array<i32>} : memref<128xi32, #tpu.memory_space<vmem>>, vector<16xi32>,
      %mul3A_972 = arith.constant 128 : i32
      %mul3A_973 = arith.muli %add3A_956, %mul3A_972 : i32
      %add3A_974 = arith.constant 16 : i32
      %add3A_975 = arith.addi %mul3A_973, %add3A_974 : i32
      %get3A_976 = arith.index_cast %add3A_975 : i32 to index
      %get3A_977 = tpu.vector_load %arg8[%get3A_976] {strides = array<i32>} : memref<20000xi32, #tpu.memory_space<vmem>>, vector<16xi32>,
      %swap3A_978 = arith.constant 16 : index
      %swap3A_979 = tpu.vector_load %arg9[%swap3A_978] {strides = array<i32>} : memref<128xi32, #tpu.memory_space<vmem>>, vector<16xi32>,
      tpu.vector_store %arg9[%swap3A_978], %get3A_977 {strides = array<i32>} : memref<128xi32, #tpu.memory_space<vmem>>, vector<16xi32>,
      %mul3A_980 = arith.constant 128 : i32
      %mul3A_981 = arith.muli %add3A_956, %mul3A_980 : i32
      %add3A_982 = arith.constant 32 : i32
      %add3A_983 = arith.addi %mul3A_981, %add3A_982 : i32
      %get3A_984 = arith.index_cast %add3A_983 : i32 to index
      %get3A_985 = tpu.vector_load %arg8[%get3A_984] {strides = array<i32>} : memref<20000xi32, #tpu.memory_space<vmem>>, vector<16xi32>,
      %swap3A_986 = arith.constant 32 : index
      %swap3A_987 = tpu.vector_load %arg9[%swap3A_986] {strides = array<i32>} : memref<128xi32, #tpu.memory_space<vmem>>, vector<16xi32>,
      tpu.vector_store %arg9[%swap3A_986], %get3A_985 {strides = array<i32>} : memref<128xi32, #tpu.memory_space<vmem>>, vector<16xi32>,
      %mul3A_988 = arith.constant 128 : i32
      %mul3A_989 = arith.muli %add3A_956, %mul3A_988 : i32
      %add3A_990 = arith.constant 48 : i32
      %add3A_991 = arith.addi %mul3A_989, %add3A_990 : i32
      %get3A_992 = arith.index_cast %add3A_991 : i32 to index
      %get3A_993 = tpu.vector_load %arg8[%get3A_992] {strides = array<i32>} : memref<20000xi32, #tpu.memory_space<vmem>>, vector<16xi32>,
      %swap3A_994 = arith.constant 48 : index
      %swap3A_995 = tpu.vector_load %arg9[%swap3A_994] {strides = array<i32>} : memref<128xi32, #tpu.memory_space<vmem>>, vector<16xi32>,
      tpu.vector_store %arg9[%swap3A_994], %get3A_993 {strides = array<i32>} : memref<128xi32, #tpu.memory_space<vmem>>, vector<16xi32>,
      %mul3A_996 = arith.constant 128 : i32
      %mul3A_997 = arith.muli %add3A_956, %mul3A_996 : i32
      %add3A_998 = arith.constant 64 : i32
      %add3A_999 = arith.addi %mul3A_997, %add3A_998 : i32
      %get3A_1000 = arith.index_cast %add3A_999 : i32 to index
      %get3A_1001 = tpu.vector_load %arg8[%get3A_1000] {strides = array<i32>} : memref<20000xi32, #tpu.memory_space<vmem>>, vector<16xi32>,
      %swap3A_1002 = arith.constant 64 : index
      %swap3A_1003 = tpu.vector_load %arg9[%swap3A_1002] {strides = array<i32>} : memref<128xi32, #tpu.memory_space<vmem>>, vector<16xi32>,
      tpu.vector_store %arg9[%swap3A_1002], %get3A_1001 {strides = array<i32>} : memref<128xi32, #tpu.memory_space<vmem>>, vector<16xi32>,
      %mul3A_1004 = arith.constant 128 : i32
      %mul3A_1005 = arith.muli %add3A_956, %mul3A_1004 : i32
      %add3A_1006 = arith.constant 80 : i32
      %add3A_1007 = arith.addi %mul3A_1005, %add3A_1006 : i32
      %get3A_1008 = arith.index_cast %add3A_1007 : i32 to index
      %get3A_1009 = tpu.vector_load %arg8[%get3A_1008] {strides = array<i32>} : memref<20000xi32, #tpu.memory_space<vmem>>, vector<16xi32>,
      %swap3A_1010 = arith.constant 80 : index
      %swap3A_1011 = tpu.vector_load %arg9[%swap3A_1010] {strides = array<i32>} : memref<128xi32, #tpu.memory_space<vmem>>, vector<16xi32>,
      tpu.vector_store %arg9[%swap3A_1010], %get3A_1009 {strides = array<i32>} : memref<128xi32, #tpu.memory_space<vmem>>, vector<16xi32>,
      %mul3A_1012 = arith.constant 128 : i32
      %mul3A_1013 = arith.muli %add3A_956, %mul3A_1012 : i32
      %add3A_1014 = arith.constant 96 : i32
      %add3A_1015 = arith.addi %mul3A_1013, %add3A_1014 : i32
      %get3A_1016 = arith.index_cast %add3A_1015 : i32 to index
      %get3A_1017 = tpu.vector_load %arg8[%get3A_1016] {strides = array<i32>} : memref<20000xi32, #tpu.memory_space<vmem>>, vector<16xi32>,
      %swap3A_1018 = arith.constant 96 : index
      %swap3A_1019 = tpu.vector_load %arg9[%swap3A_1018] {strides = array<i32>} : memref<128xi32, #tpu.memory_space<vmem>>, vector<16xi32>,
      tpu.vector_store %arg9[%swap3A_1018], %get3A_1017 {strides = array<i32>} : memref<128xi32, #tpu.memory_space<vmem>>, vector<16xi32>,
      %mul3A_1020 = arith.constant 128 : i32
      %mul3A_1021 = arith.muli %add3A_956, %mul3A_1020 : i32
      %add3A_1022 = arith.constant 112 : i32
      %add3A_1023 = arith.addi %mul3A_1021, %add3A_1022 : i32
      %get3A_1024 = arith.index_cast %add3A_1023 : i32 to index
      %get3A_1025 = tpu.vector_load %arg8[%get3A_1024] {strides = array<i32>} : memref<20000xi32, #tpu.memory_space<vmem>>, vector<16xi32>,
      %swap3A_1026 = arith.constant 112 : index
      %swap3A_1027 = tpu.vector_load %arg9[%swap3A_1026] {strides = array<i32>} : memref<128xi32, #tpu.memory_space<vmem>>, vector<16xi32>,
      tpu.vector_store %arg9[%swap3A_1026], %get3A_1025 {strides = array<i32>} : memref<128xi32, #tpu.memory_space<vmem>>, vector<16xi32>,
      "tpu.region"() ({
        %run_scoped3A = tpu.sem_alloc : memref<!tpu.dma_semaphore, #tpu.memory_space<semaphore_mem>>
        %dma_start3A_1249 = arith.constant 0 : i32
        %dma_start3A_1250 = arith.constant 0 : i32
        %dma_start3A_1251 = tpu.memref_slice %arg23[%dma_start3A_1249, %dma_start3A_1250] : memref<10112x64xf32, #tpu.memory_space<vmem_shared>> -> memref<10112x64xf32, #tpu.memory_space<vmem_shared>>
        tpu.enqueue_indirect_dma source(%arg13 : memref<128x64xf32, #tpu.memory_space<vmem>>) target(%dma_start3A_1251 : memref<10112x64xf32, #tpu.memory_space<vmem_shared>>) offsets(%arg9 : memref<128xi32, #tpu.memory_space<vmem>>) semaphore(%run_scoped3A : memref<!tpu.dma_semaphore, #tpu.memory_space<semaphore_mem>>) {add = true}
        %dma_wait3A_1252 = arith.constant 0 : i32
        %dma_wait3A_1253 = arith.constant 0 : i32
        %dma_wait3A_1254 = tpu.memref_slice %arg23[%dma_wait3A_1252, %dma_wait3A_1253] : memref<10112x64xf32, #tpu.memory_space<vmem_shared>> -> memref<10112x64xf32, #tpu.memory_space<vmem_shared>>
        tpu.wait_indirect_dma semaphore(%run_scoped3A : memref<!tpu.dma_semaphore, #tpu.memory_space<semaphore_mem>>) src(%arg13 : memref<128x64xf32, #tpu.memory_space<vmem>>) dst(%dma_wait3A_1254 : memref<10112x64xf32, #tpu.memory_space<vmem_shared>>)
        tpu.yield
      }) : () -> ()
      %add3A_1028 = arith.constant 3 : i32
      %add3A_1029 = arith.addi %add3A_956, %add3A_1028 : i32
      %mul3A_1030 = arith.constant 128 : i32
      %mul3A_1031 = arith.muli %add3A_1029, %mul3A_1030 : i32
      %add3A_1032 = arith.constant 0 : i32
      %add3A_1033 = arith.addi %mul3A_1031, %add3A_1032 : i32
      %get3A_1034 = arith.index_cast %add3A_1033 : i32 to index
      %get3A_1035 = tpu.vector_load %arg7[%get3A_1034] {strides = array<i32>} : memref<20000xi32, #tpu.memory_space<vmem>>, vector<16xi32>,
      %swap3A_1036 = arith.constant 0 : index
      %swap3A_1037 = tpu.vector_load %arg16[%swap3A_1036] {strides = array<i32>} : memref<128xi32, #tpu.memory_space<vmem>>, vector<16xi32>,
      tpu.vector_store %arg16[%swap3A_1036], %get3A_1035 {strides = array<i32>} : memref<128xi32, #tpu.memory_space<vmem>>, vector<16xi32>,
      %mul3A_1038 = arith.constant 128 : i32
      %mul3A_1039 = arith.muli %add3A_1029, %mul3A_1038 : i32
      %add3A_1040 = arith.constant 16 : i32
      %add3A_1041 = arith.addi %mul3A_1039, %add3A_1040 : i32
      %get3A_1042 = arith.index_cast %add3A_1041 : i32 to index
      %get3A_1043 = tpu.vector_load %arg7[%get3A_1042] {strides = array<i32>} : memref<20000xi32, #tpu.memory_space<vmem>>, vector<16xi32>,
      %swap3A_1044 = arith.constant 16 : index
      %swap3A_1045 = tpu.vector_load %arg16[%swap3A_1044] {strides = array<i32>} : memref<128xi32, #tpu.memory_space<vmem>>, vector<16xi32>,
      tpu.vector_store %arg16[%swap3A_1044], %get3A_1043 {strides = array<i32>} : memref<128xi32, #tpu.memory_space<vmem>>, vector<16xi32>,
      %mul3A_1046 = arith.constant 128 : i32
      %mul3A_1047 = arith.muli %add3A_1029, %mul3A_1046 : i32
      %add3A_1048 = arith.constant 32 : i32
      %add3A_1049 = arith.addi %mul3A_1047, %add3A_1048 : i32
      %get3A_1050 = arith.index_cast %add3A_1049 : i32 to index
      %get3A_1051 = tpu.vector_load %arg7[%get3A_1050] {strides = array<i32>} : memref<20000xi32, #tpu.memory_space<vmem>>, vector<16xi32>,
      %swap3A_1052 = arith.constant 32 : index
      %swap3A_1053 = tpu.vector_load %arg16[%swap3A_1052] {strides = array<i32>} : memref<128xi32, #tpu.memory_space<vmem>>, vector<16xi32>,
      tpu.vector_store %arg16[%swap3A_1052], %get3A_1051 {strides = array<i32>} : memref<128xi32, #tpu.memory_space<vmem>>, vector<16xi32>,
      %mul3A_1054 = arith.constant 128 : i32
      %mul3A_1055 = arith.muli %add3A_1029, %mul3A_1054 : i32
      %add3A_1056 = arith.constant 48 : i32
      %add3A_1057 = arith.addi %mul3A_1055, %add3A_1056 : i32
      %get3A_1058 = arith.index_cast %add3A_1057 : i32 to index
      %get3A_1059 = tpu.vector_load %arg7[%get3A_1058] {strides = array<i32>} : memref<20000xi32, #tpu.memory_space<vmem>>, vector<16xi32>,
      %swap3A_1060 = arith.constant 48 : index
      %swap3A_1061 = tpu.vector_load %arg16[%swap3A_1060] {strides = array<i32>} : memref<128xi32, #tpu.memory_space<vmem>>, vector<16xi32>,
      tpu.vector_store %arg16[%swap3A_1060], %get3A_1059 {strides = array<i32>} : memref<128xi32, #tpu.memory_space<vmem>>, vector<16xi32>,
      %mul3A_1062 = arith.constant 128 : i32
      %mul3A_1063 = arith.muli %add3A_1029, %mul3A_1062 : i32
      %add3A_1064 = arith.constant 64 : i32
      %add3A_1065 = arith.addi %mul3A_1063, %add3A_1064 : i32
      %get3A_1066 = arith.index_cast %add3A_1065 : i32 to index
      %get3A_1067 = tpu.vector_load %arg7[%get3A_1066] {strides = array<i32>} : memref<20000xi32, #tpu.memory_space<vmem>>, vector<16xi32>,
      %swap3A_1068 = arith.constant 64 : index
      %swap3A_1069 = tpu.vector_load %arg16[%swap3A_1068] {strides = array<i32>} : memref<128xi32, #tpu.memory_space<vmem>>, vector<16xi32>,
      tpu.vector_store %arg16[%swap3A_1068], %get3A_1067 {strides = array<i32>} : memref<128xi32, #tpu.memory_space<vmem>>, vector<16xi32>,
      %mul3A_1070 = arith.constant 128 : i32
      %mul3A_1071 = arith.muli %add3A_1029, %mul3A_1070 : i32
      %add3A_1072 = arith.constant 80 : i32
      %add3A_1073 = arith.addi %mul3A_1071, %add3A_1072 : i32
      %get3A_1074 = arith.index_cast %add3A_1073 : i32 to index
      %get3A_1075 = tpu.vector_load %arg7[%get3A_1074] {strides = array<i32>} : memref<20000xi32, #tpu.memory_space<vmem>>, vector<16xi32>,
      %swap3A_1076 = arith.constant 80 : index
      %swap3A_1077 = tpu.vector_load %arg16[%swap3A_1076] {strides = array<i32>} : memref<128xi32, #tpu.memory_space<vmem>>, vector<16xi32>,
      tpu.vector_store %arg16[%swap3A_1076], %get3A_1075 {strides = array<i32>} : memref<128xi32, #tpu.memory_space<vmem>>, vector<16xi32>,
      %mul3A_1078 = arith.constant 128 : i32
      %mul3A_1079 = arith.muli %add3A_1029, %mul3A_1078 : i32
      %add3A_1080 = arith.constant 96 : i32
      %add3A_1081 = arith.addi %mul3A_1079, %add3A_1080 : i32
      %get3A_1082 = arith.index_cast %add3A_1081 : i32 to index
      %get3A_1083 = tpu.vector_load %arg7[%get3A_1082] {strides = array<i32>} : memref<20000xi32, #tpu.memory_space<vmem>>, vector<16xi32>,
      %swap3A_1084 = arith.constant 96 : index
      %swap3A_1085 = tpu.vector_load %arg16[%swap3A_1084] {strides = array<i32>} : memref<128xi32, #tpu.memory_space<vmem>>, vector<16xi32>,
      tpu.vector_store %arg16[%swap3A_1084], %get3A_1083 {strides = array<i32>} : memref<128xi32, #tpu.memory_space<vmem>>, vector<16xi32>,
      %mul3A_1086 = arith.constant 128 : i32
      %mul3A_1087 = arith.muli %add3A_1029, %mul3A_1086 : i32
      %add3A_1088 = arith.constant 112 : i32
      %add3A_1089 = arith.addi %mul3A_1087, %add3A_1088 : i32
      %get3A_1090 = arith.index_cast %add3A_1089 : i32 to index
      %get3A_1091 = tpu.vector_load %arg7[%get3A_1090] {strides = array<i32>} : memref<20000xi32, #tpu.memory_space<vmem>>, vector<16xi32>,
      %swap3A_1092 = arith.constant 112 : index
      %swap3A_1093 = tpu.vector_load %arg16[%swap3A_1092] {strides = array<i32>} : memref<128xi32, #tpu.memory_space<vmem>>, vector<16xi32>,
      tpu.vector_store %arg16[%swap3A_1092], %get3A_1091 {strides = array<i32>} : memref<128xi32, #tpu.memory_space<vmem>>, vector<16xi32>,
      %dma_start3A_1094 = arith.constant 0 : i32
      %dma_start3A_1095 = arith.constant 0 : i32
      %dma_start3A_1096 = tpu.memref_slice %arg2[%arg0, %dma_start3A_1094, %dma_start3A_1095] : memref<2x10000x64xf32, #tpu.memory_space<hbm>> -> memref<1x10000x64xf32, #tpu.memory_space<hbm>>
      %dma_start3A_1097 = tpu.memref_squeeze %dma_start3A_1096 : memref<1x10000x64xf32, #tpu.memory_space<hbm>> -> memref<10000x64xf32, #tpu.memory_space<hbm>>
      %dma_start3A_1098 = arith.constant 0 : i32
      %dma_start3A_1099 = arith.constant 0 : i32
      %dma_start3A_1100 = tpu.memref_slice %dma_start3A_1097[%dma_start3A_1098, %dma_start3A_1099] : memref<10000x64xf32, #tpu.memory_space<hbm>> -> memref<10000x64xf32, #tpu.memory_space<hbm>>
      tpu.enqueue_indirect_dma source(%dma_start3A_1100 : memref<10000x64xf32, #tpu.memory_space<hbm>>) target(%arg11 : memref<128x64xf32, #tpu.memory_space<vmem>>) offsets(%arg16 : memref<128xi32, #tpu.memory_space<vmem>>) semaphore(%arg25 : memref<!tpu.dma_semaphore, #tpu.memory_space<semaphore_mem>>)
      %mul3A_1101 = arith.constant 5 : i32
      %mul3A_1102 = arith.muli %scan3A_509, %mul3A_1101 : i32
      %add3A_1103 = arith.constant 4 : i32
      %add3A_1104 = arith.addi %mul3A_1102, %add3A_1103 : i32
      %dma_wait3A_1105 = arith.constant 0 : i32
      %dma_wait3A_1106 = arith.constant 0 : i32
      %dma_wait3A_1107 = tpu.memref_slice %arg2[%arg0, %dma_wait3A_1105, %dma_wait3A_1106] : memref<2x10000x64xf32, #tpu.memory_space<hbm>> -> memref<1x10000x64xf32, #tpu.memory_space<hbm>>
      %dma_wait3A_1108 = tpu.memref_squeeze %dma_wait3A_1107 : memref<1x10000x64xf32, #tpu.memory_space<hbm>> -> memref<10000x64xf32, #tpu.memory_space<hbm>>
      %dma_wait3A_1109 = arith.constant 0 : i32
      %dma_wait3A_1110 = arith.constant 0 : i32
      %dma_wait3A_1111 = tpu.memref_slice %dma_wait3A_1108[%dma_wait3A_1109, %dma_wait3A_1110] : memref<10000x64xf32, #tpu.memory_space<hbm>> -> memref<10000x64xf32, #tpu.memory_space<hbm>>
      tpu.wait_indirect_dma semaphore(%arg28 : memref<!tpu.dma_semaphore, #tpu.memory_space<semaphore_mem>>) src(%dma_wait3A_1111 : memref<10000x64xf32, #tpu.memory_space<hbm>>) dst(%arg14 : memref<128x64xf32, #tpu.memory_space<vmem>>)
      %mul3A_1112 = arith.constant 128 : i32
      %mul3A_1113 = arith.muli %add3A_1104, %mul3A_1112 : i32
      %add3A_1114 = arith.constant 0 : i32
      %add3A_1115 = arith.addi %mul3A_1113, %add3A_1114 : i32
      %get3A_1116 = arith.index_cast %add3A_1115 : i32 to index
      %get3A_1117 = tpu.vector_load %arg8[%get3A_1116] {strides = array<i32>} : memref<20000xi32, #tpu.memory_space<vmem>>, vector<16xi32>,
      %swap3A_1118 = arith.constant 0 : index
      %swap3A_1119 = tpu.vector_load %arg9[%swap3A_1118] {strides = array<i32>} : memref<128xi32, #tpu.memory_space<vmem>>, vector<16xi32>,
      tpu.vector_store %arg9[%swap3A_1118], %get3A_1117 {strides = array<i32>} : memref<128xi32, #tpu.memory_space<vmem>>, vector<16xi32>,
      %mul3A_1120 = arith.constant 128 : i32
      %mul3A_1121 = arith.muli %add3A_1104, %mul3A_1120 : i32
      %add3A_1122 = arith.constant 16 : i32
      %add3A_1123 = arith.addi %mul3A_1121, %add3A_1122 : i32
      %get3A_1124 = arith.index_cast %add3A_1123 : i32 to index
      %get3A_1125 = tpu.vector_load %arg8[%get3A_1124] {strides = array<i32>} : memref<20000xi32, #tpu.memory_space<vmem>>, vector<16xi32>,
      %swap3A_1126 = arith.constant 16 : index
      %swap3A_1127 = tpu.vector_load %arg9[%swap3A_1126] {strides = array<i32>} : memref<128xi32, #tpu.memory_space<vmem>>, vector<16xi32>,
      tpu.vector_store %arg9[%swap3A_1126], %get3A_1125 {strides = array<i32>} : memref<128xi32, #tpu.memory_space<vmem>>, vector<16xi32>,
      %mul3A_1128 = arith.constant 128 : i32
      %mul3A_1129 = arith.muli %add3A_1104, %mul3A_1128 : i32
      %add3A_1130 = arith.constant 32 : i32
      %add3A_1131 = arith.addi %mul3A_1129, %add3A_1130 : i32
      %get3A_1132 = arith.index_cast %add3A_1131 : i32 to index
      %get3A_1133 = tpu.vector_load %arg8[%get3A_1132] {strides = array<i32>} : memref<20000xi32, #tpu.memory_space<vmem>>, vector<16xi32>,
      %swap3A_1134 = arith.constant 32 : index
      %swap3A_1135 = tpu.vector_load %arg9[%swap3A_1134] {strides = array<i32>} : memref<128xi32, #tpu.memory_space<vmem>>, vector<16xi32>,
      tpu.vector_store %arg9[%swap3A_1134], %get3A_1133 {strides = array<i32>} : memref<128xi32, #tpu.memory_space<vmem>>, vector<16xi32>,
      %mul3A_1136 = arith.constant 128 : i32
      %mul3A_1137 = arith.muli %add3A_1104, %mul3A_1136 : i32
      %add3A_1138 = arith.constant 48 : i32
      %add3A_1139 = arith.addi %mul3A_1137, %add3A_1138 : i32
      %get3A_1140 = arith.index_cast %add3A_1139 : i32 to index
      %get3A_1141 = tpu.vector_load %arg8[%get3A_1140] {strides = array<i32>} : memref<20000xi32, #tpu.memory_space<vmem>>, vector<16xi32>,
      %swap3A_1142 = arith.constant 48 : index
      %swap3A_1143 = tpu.vector_load %arg9[%swap3A_1142] {strides = array<i32>} : memref<128xi32, #tpu.memory_space<vmem>>, vector<16xi32>,
      tpu.vector_store %arg9[%swap3A_1142], %get3A_1141 {strides = array<i32>} : memref<128xi32, #tpu.memory_space<vmem>>, vector<16xi32>,
      %mul3A_1144 = arith.constant 128 : i32
      %mul3A_1145 = arith.muli %add3A_1104, %mul3A_1144 : i32
      %add3A_1146 = arith.constant 64 : i32
      %add3A_1147 = arith.addi %mul3A_1145, %add3A_1146 : i32
      %get3A_1148 = arith.index_cast %add3A_1147 : i32 to index
      %get3A_1149 = tpu.vector_load %arg8[%get3A_1148] {strides = array<i32>} : memref<20000xi32, #tpu.memory_space<vmem>>, vector<16xi32>,
      %swap3A_1150 = arith.constant 64 : index
      %swap3A_1151 = tpu.vector_load %arg9[%swap3A_1150] {strides = array<i32>} : memref<128xi32, #tpu.memory_space<vmem>>, vector<16xi32>,
      tpu.vector_store %arg9[%swap3A_1150], %get3A_1149 {strides = array<i32>} : memref<128xi32, #tpu.memory_space<vmem>>, vector<16xi32>,
      %mul3A_1152 = arith.constant 128 : i32
      %mul3A_1153 = arith.muli %add3A_1104, %mul3A_1152 : i32
      %add3A_1154 = arith.constant 80 : i32
      %add3A_1155 = arith.addi %mul3A_1153, %add3A_1154 : i32
      %get3A_1156 = arith.index_cast %add3A_1155 : i32 to index
      %get3A_1157 = tpu.vector_load %arg8[%get3A_1156] {strides = array<i32>} : memref<20000xi32, #tpu.memory_space<vmem>>, vector<16xi32>,
      %swap3A_1158 = arith.constant 80 : index
      %swap3A_1159 = tpu.vector_load %arg9[%swap3A_1158] {strides = array<i32>} : memref<128xi32, #tpu.memory_space<vmem>>, vector<16xi32>,
      tpu.vector_store %arg9[%swap3A_1158], %get3A_1157 {strides = array<i32>} : memref<128xi32, #tpu.memory_space<vmem>>, vector<16xi32>,
      %mul3A_1160 = arith.constant 128 : i32
      %mul3A_1161 = arith.muli %add3A_1104, %mul3A_1160 : i32
      %add3A_1162 = arith.constant 96 : i32
      %add3A_1163 = arith.addi %mul3A_1161, %add3A_1162 : i32
      %get3A_1164 = arith.index_cast %add3A_1163 : i32 to index
      %get3A_1165 = tpu.vector_load %arg8[%get3A_1164] {strides = array<i32>} : memref<20000xi32, #tpu.memory_space<vmem>>, vector<16xi32>,
      %swap3A_1166 = arith.constant 96 : index
      %swap3A_1167 = tpu.vector_load %arg9[%swap3A_1166] {strides = array<i32>} : memref<128xi32, #tpu.memory_space<vmem>>, vector<16xi32>,
      tpu.vector_store %arg9[%swap3A_1166], %get3A_1165 {strides = array<i32>} : memref<128xi32, #tpu.memory_space<vmem>>, vector<16xi32>,
      %mul3A_1168 = arith.constant 128 : i32
      %mul3A_1169 = arith.muli %add3A_1104, %mul3A_1168 : i32
      %add3A_1170 = arith.constant 112 : i32
      %add3A_1171 = arith.addi %mul3A_1169, %add3A_1170 : i32
      %get3A_1172 = arith.index_cast %add3A_1171 : i32 to index
      %get3A_1173 = tpu.vector_load %arg8[%get3A_1172] {strides = array<i32>} : memref<20000xi32, #tpu.memory_space<vmem>>, vector<16xi32>,
      %swap3A_1174 = arith.constant 112 : index
      %swap3A_1175 = tpu.vector_load %arg9[%swap3A_1174] {strides = array<i32>} : memref<128xi32, #tpu.memory_space<vmem>>, vector<16xi32>,
      tpu.vector_store %arg9[%swap3A_1174], %get3A_1173 {strides = array<i32>} : memref<128xi32, #tpu.memory_space<vmem>>, vector<16xi32>,
      "tpu.region"() ({
        %run_scoped3A = tpu.sem_alloc : memref<!tpu.dma_semaphore, #tpu.memory_space<semaphore_mem>>
        %dma_start3A_1249 = arith.constant 0 : i32
        %dma_start3A_1250 = arith.constant 0 : i32
        %dma_start3A_1251 = tpu.memref_slice %arg23[%dma_start3A_1249, %dma_start3A_1250] : memref<10112x64xf32, #tpu.memory_space<vmem_shared>> -> memref<10112x64xf32, #tpu.memory_space<vmem_shared>>
        tpu.enqueue_indirect_dma source(%arg14 : memref<128x64xf32, #tpu.memory_space<vmem>>) target(%dma_start3A_1251 : memref<10112x64xf32, #tpu.memory_space<vmem_shared>>) offsets(%arg9 : memref<128xi32, #tpu.memory_space<vmem>>) semaphore(%run_scoped3A : memref<!tpu.dma_semaphore, #tpu.memory_space<semaphore_mem>>) {add = true}
        %dma_wait3A_1252 = arith.constant 0 : i32
        %dma_wait3A_1253 = arith.constant 0 : i32
        %dma_wait3A_1254 = tpu.memref_slice %arg23[%dma_wait3A_1252, %dma_wait3A_1253] : memref<10112x64xf32, #tpu.memory_space<vmem_shared>> -> memref<10112x64xf32, #tpu.memory_space<vmem_shared>>
        tpu.wait_indirect_dma semaphore(%run_scoped3A : memref<!tpu.dma_semaphore, #tpu.memory_space<semaphore_mem>>) src(%arg14 : memref<128x64xf32, #tpu.memory_space<vmem>>) dst(%dma_wait3A_1254 : memref<10112x64xf32, #tpu.memory_space<vmem_shared>>)
        tpu.yield
      }) : () -> ()
      %add3A_1176 = arith.constant 3 : i32
      %add3A_1177 = arith.addi %add3A_1104, %add3A_1176 : i32
      %mul3A_1178 = arith.constant 128 : i32
      %mul3A_1179 = arith.muli %add3A_1177, %mul3A_1178 : i32
      %add3A_1180 = arith.constant 0 : i32
      %add3A_1181 = arith.addi %mul3A_1179, %add3A_1180 : i32
      %get3A_1182 = arith.index_cast %add3A_1181 : i32 to index
      %get3A_1183 = tpu.vector_load %arg7[%get3A_1182] {strides = array<i32>} : memref<20000xi32, #tpu.memory_space<vmem>>, vector<16xi32>,
      %swap3A_1184 = arith.constant 0 : index
      %swap3A_1185 = tpu.vector_load %arg17[%swap3A_1184] {strides = array<i32>} : memref<128xi32, #tpu.memory_space<vmem>>, vector<16xi32>,
      tpu.vector_store %arg17[%swap3A_1184], %get3A_1183 {strides = array<i32>} : memref<128xi32, #tpu.memory_space<vmem>>, vector<16xi32>,
      %mul3A_1186 = arith.constant 128 : i32
      %mul3A_1187 = arith.muli %add3A_1177, %mul3A_1186 : i32
      %add3A_1188 = arith.constant 16 : i32
      %add3A_1189 = arith.addi %mul3A_1187, %add3A_1188 : i32
      %get3A_1190 = arith.index_cast %add3A_1189 : i32 to index
      %get3A_1191 = tpu.vector_load %arg7[%get3A_1190] {strides = array<i32>} : memref<20000xi32, #tpu.memory_space<vmem>>, vector<16xi32>,
      %swap3A_1192 = arith.constant 16 : index
      %swap3A_1193 = tpu.vector_load %arg17[%swap3A_1192] {strides = array<i32>} : memref<128xi32, #tpu.memory_space<vmem>>, vector<16xi32>,
      tpu.vector_store %arg17[%swap3A_1192], %get3A_1191 {strides = array<i32>} : memref<128xi32, #tpu.memory_space<vmem>>, vector<16xi32>,
      %mul3A_1194 = arith.constant 128 : i32
      %mul3A_1195 = arith.muli %add3A_1177, %mul3A_1194 : i32
      %add3A_1196 = arith.constant 32 : i32
      %add3A_1197 = arith.addi %mul3A_1195, %add3A_1196 : i32
      %get3A_1198 = arith.index_cast %add3A_1197 : i32 to index
      %get3A_1199 = tpu.vector_load %arg7[%get3A_1198] {strides = array<i32>} : memref<20000xi32, #tpu.memory_space<vmem>>, vector<16xi32>,
      %swap3A_1200 = arith.constant 32 : index
      %swap3A_1201 = tpu.vector_load %arg17[%swap3A_1200] {strides = array<i32>} : memref<128xi32, #tpu.memory_space<vmem>>, vector<16xi32>,
      tpu.vector_store %arg17[%swap3A_1200], %get3A_1199 {strides = array<i32>} : memref<128xi32, #tpu.memory_space<vmem>>, vector<16xi32>,
      %mul3A_1202 = arith.constant 128 : i32
      %mul3A_1203 = arith.muli %add3A_1177, %mul3A_1202 : i32
      %add3A_1204 = arith.constant 48 : i32
      %add3A_1205 = arith.addi %mul3A_1203, %add3A_1204 : i32
      %get3A_1206 = arith.index_cast %add3A_1205 : i32 to index
      %get3A_1207 = tpu.vector_load %arg7[%get3A_1206] {strides = array<i32>} : memref<20000xi32, #tpu.memory_space<vmem>>, vector<16xi32>,
      %swap3A_1208 = arith.constant 48 : index
      %swap3A_1209 = tpu.vector_load %arg17[%swap3A_1208] {strides = array<i32>} : memref<128xi32, #tpu.memory_space<vmem>>, vector<16xi32>,
      tpu.vector_store %arg17[%swap3A_1208], %get3A_1207 {strides = array<i32>} : memref<128xi32, #tpu.memory_space<vmem>>, vector<16xi32>,
      %mul3A_1210 = arith.constant 128 : i32
      %mul3A_1211 = arith.muli %add3A_1177, %mul3A_1210 : i32
      %add3A_1212 = arith.constant 64 : i32
      %add3A_1213 = arith.addi %mul3A_1211, %add3A_1212 : i32
      %get3A_1214 = arith.index_cast %add3A_1213 : i32 to index
      %get3A_1215 = tpu.vector_load %arg7[%get3A_1214] {strides = array<i32>} : memref<20000xi32, #tpu.memory_space<vmem>>, vector<16xi32>,
      %swap3A_1216 = arith.constant 64 : index
      %swap3A_1217 = tpu.vector_load %arg17[%swap3A_1216] {strides = array<i32>} : memref<128xi32, #tpu.memory_space<vmem>>, vector<16xi32>,
      tpu.vector_store %arg17[%swap3A_1216], %get3A_1215 {strides = array<i32>} : memref<128xi32, #tpu.memory_space<vmem>>, vector<16xi32>,
      %mul3A_1218 = arith.constant 128 : i32
      %mul3A_1219 = arith.muli %add3A_1177, %mul3A_1218 : i32
      %add3A_1220 = arith.constant 80 : i32
      %add3A_1221 = arith.addi %mul3A_1219, %add3A_1220 : i32
      %get3A_1222 = arith.index_cast %add3A_1221 : i32 to index
      %get3A_1223 = tpu.vector_load %arg7[%get3A_1222] {strides = array<i32>} : memref<20000xi32, #tpu.memory_space<vmem>>, vector<16xi32>,
      %swap3A_1224 = arith.constant 80 : index
      %swap3A_1225 = tpu.vector_load %arg17[%swap3A_1224] {strides = array<i32>} : memref<128xi32, #tpu.memory_space<vmem>>, vector<16xi32>,
      tpu.vector_store %arg17[%swap3A_1224], %get3A_1223 {strides = array<i32>} : memref<128xi32, #tpu.memory_space<vmem>>, vector<16xi32>,
      %mul3A_1226 = arith.constant 128 : i32
      %mul3A_1227 = arith.muli %add3A_1177, %mul3A_1226 : i32
      %add3A_1228 = arith.constant 96 : i32
      %add3A_1229 = arith.addi %mul3A_1227, %add3A_1228 : i32
      %get3A_1230 = arith.index_cast %add3A_1229 : i32 to index
      %get3A_1231 = tpu.vector_load %arg7[%get3A_1230] {strides = array<i32>} : memref<20000xi32, #tpu.memory_space<vmem>>, vector<16xi32>,
      %swap3A_1232 = arith.constant 96 : index
      %swap3A_1233 = tpu.vector_load %arg17[%swap3A_1232] {strides = array<i32>} : memref<128xi32, #tpu.memory_space<vmem>>, vector<16xi32>,
      tpu.vector_store %arg17[%swap3A_1232], %get3A_1231 {strides = array<i32>} : memref<128xi32, #tpu.memory_space<vmem>>, vector<16xi32>,
      %mul3A_1234 = arith.constant 128 : i32
      %mul3A_1235 = arith.muli %add3A_1177, %mul3A_1234 : i32
      %add3A_1236 = arith.constant 112 : i32
      %add3A_1237 = arith.addi %mul3A_1235, %add3A_1236 : i32
      %get3A_1238 = arith.index_cast %add3A_1237 : i32 to index
      %get3A_1239 = tpu.vector_load %arg7[%get3A_1238] {strides = array<i32>} : memref<20000xi32, #tpu.memory_space<vmem>>, vector<16xi32>,
      %swap3A_1240 = arith.constant 112 : index
      %swap3A_1241 = tpu.vector_load %arg17[%swap3A_1240] {strides = array<i32>} : memref<128xi32, #tpu.memory_space<vmem>>, vector<16xi32>,
      tpu.vector_store %arg17[%swap3A_1240], %get3A_1239 {strides = array<i32>} : memref<128xi32, #tpu.memory_space<vmem>>, vector<16xi32>,
      %dma_start3A_1242 = arith.constant 0 : i32
      %dma_start3A_1243 = arith.constant 0 : i32
      %dma_start3A_1244 = tpu.memref_slice %arg2[%arg0, %dma_start3A_1242, %dma_start3A_1243] : memref<2x10000x64xf32, #tpu.memory_space<hbm>> -> memref<1x10000x64xf32, #tpu.memory_space<hbm>>
      %dma_start3A_1245 = tpu.memref_squeeze %dma_start3A_1244 : memref<1x10000x64xf32, #tpu.memory_space<hbm>> -> memref<10000x64xf32, #tpu.memory_space<hbm>>
      %dma_start3A_1246 = arith.constant 0 : i32
      %dma_start3A_1247 = arith.constant 0 : i32
      %dma_start3A_1248 = tpu.memref_slice %dma_start3A_1245[%dma_start3A_1246, %dma_start3A_1247] : memref<10000x64xf32, #tpu.memory_space<hbm>> -> memref<10000x64xf32, #tpu.memory_space<hbm>>
      tpu.enqueue_indirect_dma source(%dma_start3A_1248 : memref<10000x64xf32, #tpu.memory_space<hbm>>) target(%arg12 : memref<128x64xf32, #tpu.memory_space<vmem>>) offsets(%arg17 : memref<128xi32, #tpu.memory_space<vmem>>) semaphore(%arg26 : memref<!tpu.dma_semaphore, #tpu.memory_space<semaphore_mem>>)
    }
    %scan3A_123 = arith.constant 30 : i32
    %dma_wait3A = arith.constant 0 : i32
    %dma_wait3A_124 = arith.constant 0 : i32
    %dma_wait3A_125 = tpu.memref_slice %arg2[%arg0, %dma_wait3A, %dma_wait3A_124] : memref<2x10000x64xf32, #tpu.memory_space<hbm>> -> memref<1x10000x64xf32, #tpu.memory_space<hbm>>
    %dma_wait3A_126 = tpu.memref_squeeze %dma_wait3A_125 : memref<1x10000x64xf32, #tpu.memory_space<hbm>> -> memref<10000x64xf32, #tpu.memory_space<hbm>>
    %dma_wait3A_127 = arith.constant 0 : i32
    %dma_wait3A_128 = arith.constant 0 : i32
    %dma_wait3A_129 = tpu.memref_slice %dma_wait3A_126[%dma_wait3A_127, %dma_wait3A_128] : memref<10000x64xf32, #tpu.memory_space<hbm>> -> memref<10000x64xf32, #tpu.memory_space<hbm>>
    tpu.wait_indirect_dma semaphore(%arg24 : memref<!tpu.dma_semaphore, #tpu.memory_space<semaphore_mem>>) src(%dma_wait3A_129 : memref<10000x64xf32, #tpu.memory_space<hbm>>) dst(%arg10 : memref<128x64xf32, #tpu.memory_space<vmem>>)
    %get3A_130 = arith.constant 19200 : index
    %get3A_131 = tpu.vector_load %arg8[%get3A_130] {strides = array<i32>} : memref<20000xi32, #tpu.memory_space<vmem>>, vector<16xi32>,
    %swap3A_132 = arith.constant 0 : index
    %swap3A_133 = tpu.vector_load %arg9[%swap3A_132] {strides = array<i32>} : memref<128xi32, #tpu.memory_space<vmem>>, vector<16xi32>,
    tpu.vector_store %arg9[%swap3A_132], %get3A_131 {strides = array<i32>} : memref<128xi32, #tpu.memory_space<vmem>>, vector<16xi32>,
    %get3A_134 = arith.constant 19216 : index
    %get3A_135 = tpu.vector_load %arg8[%get3A_134] {strides = array<i32>} : memref<20000xi32, #tpu.memory_space<vmem>>, vector<16xi32>,
    %swap3A_136 = arith.constant 16 : index
    %swap3A_137 = tpu.vector_load %arg9[%swap3A_136] {strides = array<i32>} : memref<128xi32, #tpu.memory_space<vmem>>, vector<16xi32>,
    tpu.vector_store %arg9[%swap3A_136], %get3A_135 {strides = array<i32>} : memref<128xi32, #tpu.memory_space<vmem>>, vector<16xi32>,
    %get3A_138 = arith.constant 19232 : index
    %get3A_139 = tpu.vector_load %arg8[%get3A_138] {strides = array<i32>} : memref<20000xi32, #tpu.memory_space<vmem>>, vector<16xi32>,
    %swap3A_140 = arith.constant 32 : index
    %swap3A_141 = tpu.vector_load %arg9[%swap3A_140] {strides = array<i32>} : memref<128xi32, #tpu.memory_space<vmem>>, vector<16xi32>,
    tpu.vector_store %arg9[%swap3A_140], %get3A_139 {strides = array<i32>} : memref<128xi32, #tpu.memory_space<vmem>>, vector<16xi32>,
    %get3A_142 = arith.constant 19248 : index
    %get3A_143 = tpu.vector_load %arg8[%get3A_142] {strides = array<i32>} : memref<20000xi32, #tpu.memory_space<vmem>>, vector<16xi32>,
    %swap3A_144 = arith.constant 48 : index
    %swap3A_145 = tpu.vector_load %arg9[%swap3A_144] {strides = array<i32>} : memref<128xi32, #tpu.memory_space<vmem>>, vector<16xi32>,
    tpu.vector_store %arg9[%swap3A_144], %get3A_143 {strides = array<i32>} : memref<128xi32, #tpu.memory_space<vmem>>, vector<16xi32>,
    %get3A_146 = arith.constant 19264 : index
    %get3A_147 = tpu.vector_load %arg8[%get3A_146] {strides = array<i32>} : memref<20000xi32, #tpu.memory_space<vmem>>, vector<16xi32>,
    %swap3A_148 = arith.constant 64 : index
    %swap3A_149 = tpu.vector_load %arg9[%swap3A_148] {strides = array<i32>} : memref<128xi32, #tpu.memory_space<vmem>>, vector<16xi32>,
    tpu.vector_store %arg9[%swap3A_148], %get3A_147 {strides = array<i32>} : memref<128xi32, #tpu.memory_space<vmem>>, vector<16xi32>,
    %get3A_150 = arith.constant 19280 : index
    %get3A_151 = tpu.vector_load %arg8[%get3A_150] {strides = array<i32>} : memref<20000xi32, #tpu.memory_space<vmem>>, vector<16xi32>,
    %swap3A_152 = arith.constant 80 : index
    %swap3A_153 = tpu.vector_load %arg9[%swap3A_152] {strides = array<i32>} : memref<128xi32, #tpu.memory_space<vmem>>, vector<16xi32>,
    tpu.vector_store %arg9[%swap3A_152], %get3A_151 {strides = array<i32>} : memref<128xi32, #tpu.memory_space<vmem>>, vector<16xi32>,
    %get3A_154 = arith.constant 19296 : index
    %get3A_155 = tpu.vector_load %arg8[%get3A_154] {strides = array<i32>} : memref<20000xi32, #tpu.memory_space<vmem>>, vector<16xi32>,
    %swap3A_156 = arith.constant 96 : index
    %swap3A_157 = tpu.vector_load %arg9[%swap3A_156] {strides = array<i32>} : memref<128xi32, #tpu.memory_space<vmem>>, vector<16xi32>,
    tpu.vector_store %arg9[%swap3A_156], %get3A_155 {strides = array<i32>} : memref<128xi32, #tpu.memory_space<vmem>>, vector<16xi32>,
    %get3A_158 = arith.constant 19312 : index
    %get3A_159 = tpu.vector_load %arg8[%get3A_158] {strides = array<i32>} : memref<20000xi32, #tpu.memory_space<vmem>>, vector<16xi32>,
    %swap3A_160 = arith.constant 112 : index
    %swap3A_161 = tpu.vector_load %arg9[%swap3A_160] {strides = array<i32>} : memref<128xi32, #tpu.memory_space<vmem>>, vector<16xi32>,
    tpu.vector_store %arg9[%swap3A_160], %get3A_159 {strides = array<i32>} : memref<128xi32, #tpu.memory_space<vmem>>, vector<16xi32>,
    "tpu.region"() ({
      %run_scoped3A = tpu.sem_alloc : memref<!tpu.dma_semaphore, #tpu.memory_space<semaphore_mem>>
      %dma_start3A_509 = arith.constant 0 : i32
      %dma_start3A_510 = arith.constant 0 : i32
      %dma_start3A_511 = tpu.memref_slice %arg23[%dma_start3A_509, %dma_start3A_510] : memref<10112x64xf32, #tpu.memory_space<vmem_shared>> -> memref<10112x64xf32, #tpu.memory_space<vmem_shared>>
      tpu.enqueue_indirect_dma source(%arg10 : memref<128x64xf32, #tpu.memory_space<vmem>>) target(%dma_start3A_511 : memref<10112x64xf32, #tpu.memory_space<vmem_shared>>) offsets(%arg9 : memref<128xi32, #tpu.memory_space<vmem>>) semaphore(%run_scoped3A : memref<!tpu.dma_semaphore, #tpu.memory_space<semaphore_mem>>) {add = true}
      %dma_wait3A_512 = arith.constant 0 : i32
      %dma_wait3A_513 = arith.constant 0 : i32
      %dma_wait3A_514 = tpu.memref_slice %arg23[%dma_wait3A_512, %dma_wait3A_513] : memref<10112x64xf32, #tpu.memory_space<vmem_shared>> -> memref<10112x64xf32, #tpu.memory_space<vmem_shared>>
      tpu.wait_indirect_dma semaphore(%run_scoped3A : memref<!tpu.dma_semaphore, #tpu.memory_space<semaphore_mem>>) src(%arg10 : memref<128x64xf32, #tpu.memory_space<vmem>>) dst(%dma_wait3A_514 : memref<10112x64xf32, #tpu.memory_space<vmem_shared>>)
      tpu.yield
    }) : () -> ()
    %get3A_162 = arith.constant 19584 : index
    %get3A_163 = tpu.vector_load %arg7[%get3A_162] {strides = array<i32>} : memref<20000xi32, #tpu.memory_space<vmem>>, vector<16xi32>,
    %swap3A_164 = arith.constant 0 : index
    %swap3A_165 = tpu.vector_load %arg18[%swap3A_164] {strides = array<i32>} : memref<128xi32, #tpu.memory_space<vmem>>, vector<16xi32>,
    tpu.vector_store %arg18[%swap3A_164], %get3A_163 {strides = array<i32>} : memref<128xi32, #tpu.memory_space<vmem>>, vector<16xi32>,
    %get3A_166 = arith.constant 19600 : index
    %get3A_167 = tpu.vector_load %arg7[%get3A_166] {strides = array<i32>} : memref<20000xi32, #tpu.memory_space<vmem>>, vector<16xi32>,
    %swap3A_168 = arith.constant 16 : index
    %swap3A_169 = tpu.vector_load %arg18[%swap3A_168] {strides = array<i32>} : memref<128xi32, #tpu.memory_space<vmem>>, vector<16xi32>,
    tpu.vector_store %arg18[%swap3A_168], %get3A_167 {strides = array<i32>} : memref<128xi32, #tpu.memory_space<vmem>>, vector<16xi32>,
    %get3A_170 = arith.constant 19616 : index
    %get3A_171 = tpu.vector_load %arg7[%get3A_170] {strides = array<i32>} : memref<20000xi32, #tpu.memory_space<vmem>>, vector<16xi32>,
    %swap3A_172 = arith.constant 32 : index
    %swap3A_173 = tpu.vector_load %arg18[%swap3A_172] {strides = array<i32>} : memref<128xi32, #tpu.memory_space<vmem>>, vector<16xi32>,
    tpu.vector_store %arg18[%swap3A_172], %get3A_171 {strides = array<i32>} : memref<128xi32, #tpu.memory_space<vmem>>, vector<16xi32>,
    %get3A_174 = arith.constant 19632 : index
    %get3A_175 = tpu.vector_load %arg7[%get3A_174] {strides = array<i32>} : memref<20000xi32, #tpu.memory_space<vmem>>, vector<16xi32>,
    %swap3A_176 = arith.constant 48 : index
    %swap3A_177 = tpu.vector_load %arg18[%swap3A_176] {strides = array<i32>} : memref<128xi32, #tpu.memory_space<vmem>>, vector<16xi32>,
    tpu.vector_store %arg18[%swap3A_176], %get3A_175 {strides = array<i32>} : memref<128xi32, #tpu.memory_space<vmem>>, vector<16xi32>,
    %get3A_178 = arith.constant 19648 : index
    %get3A_179 = tpu.vector_load %arg7[%get3A_178] {strides = array<i32>} : memref<20000xi32, #tpu.memory_space<vmem>>, vector<16xi32>,
    %swap3A_180 = arith.constant 64 : index
    %swap3A_181 = tpu.vector_load %arg18[%swap3A_180] {strides = array<i32>} : memref<128xi32, #tpu.memory_space<vmem>>, vector<16xi32>,
    tpu.vector_store %arg18[%swap3A_180], %get3A_179 {strides = array<i32>} : memref<128xi32, #tpu.memory_space<vmem>>, vector<16xi32>,
    %get3A_182 = arith.constant 19664 : index
    %get3A_183 = tpu.vector_load %arg7[%get3A_182] {strides = array<i32>} : memref<20000xi32, #tpu.memory_space<vmem>>, vector<16xi32>,
    %swap3A_184 = arith.constant 80 : index
    %swap3A_185 = tpu.vector_load %arg18[%swap3A_184] {strides = array<i32>} : memref<128xi32, #tpu.memory_space<vmem>>, vector<16xi32>,
    tpu.vector_store %arg18[%swap3A_184], %get3A_183 {strides = array<i32>} : memref<128xi32, #tpu.memory_space<vmem>>, vector<16xi32>,
    %get3A_186 = arith.constant 19680 : index
    %get3A_187 = tpu.vector_load %arg7[%get3A_186] {strides = array<i32>} : memref<20000xi32, #tpu.memory_space<vmem>>, vector<16xi32>,
    %swap3A_188 = arith.constant 96 : index
    %swap3A_189 = tpu.vector_load %arg18[%swap3A_188] {strides = array<i32>} : memref<128xi32, #tpu.memory_space<vmem>>, vector<16xi32>,
    tpu.vector_store %arg18[%swap3A_188], %get3A_187 {strides = array<i32>} : memref<128xi32, #tpu.memory_space<vmem>>, vector<16xi32>,
    %get3A_190 = arith.constant 19696 : index
    %get3A_191 = tpu.vector_load %arg7[%get3A_190] {strides = array<i32>} : memref<20000xi32, #tpu.memory_space<vmem>>, vector<16xi32>,
    %swap3A_192 = arith.constant 112 : index
    %swap3A_193 = tpu.vector_load %arg18[%swap3A_192] {strides = array<i32>} : memref<128xi32, #tpu.memory_space<vmem>>, vector<16xi32>,
    tpu.vector_store %arg18[%swap3A_192], %get3A_191 {strides = array<i32>} : memref<128xi32, #tpu.memory_space<vmem>>, vector<16xi32>,
    %dma_start3A_194 = arith.constant 0 : i32
    %dma_start3A_195 = arith.constant 0 : i32
    %dma_start3A_196 = tpu.memref_slice %arg2[%arg0, %dma_start3A_194, %dma_start3A_195] : memref<2x10000x64xf32, #tpu.memory_space<hbm>> -> memref<1x10000x64xf32, #tpu.memory_space<hbm>>
    %dma_start3A_197 = tpu.memref_squeeze %dma_start3A_196 : memref<1x10000x64xf32, #tpu.memory_space<hbm>> -> memref<10000x64xf32, #tpu.memory_space<hbm>>
    %dma_start3A_198 = arith.constant 0 : i32
    %dma_start3A_199 = arith.constant 0 : i32
    %dma_start3A_200 = tpu.memref_slice %dma_start3A_197[%dma_start3A_198, %dma_start3A_199] : memref<10000x64xf32, #tpu.memory_space<hbm>> -> memref<10000x64xf32, #tpu.memory_space<hbm>>
    tpu.enqueue_indirect_dma source(%dma_start3A_200 : memref<10000x64xf32, #tpu.memory_space<hbm>>) target(%arg13 : memref<128x64xf32, #tpu.memory_space<vmem>>) offsets(%arg18 : memref<128xi32, #tpu.memory_space<vmem>>) semaphore(%arg27 : memref<!tpu.dma_semaphore, #tpu.memory_space<semaphore_mem>>)
    %dma_wait3A_201 = arith.constant 0 : i32
    %dma_wait3A_202 = arith.constant 0 : i32
    %dma_wait3A_203 = tpu.memref_slice %arg2[%arg0, %dma_wait3A_201, %dma_wait3A_202] : memref<2x10000x64xf32, #tpu.memory_space<hbm>> -> memref<1x10000x64xf32, #tpu.memory_space<hbm>>
    %dma_wait3A_204 = tpu.memref_squeeze %dma_wait3A_203 : memref<1x10000x64xf32, #tpu.memory_space<hbm>> -> memref<10000x64xf32, #tpu.memory_space<hbm>>
    %dma_wait3A_205 = arith.constant 0 : i32
    %dma_wait3A_206 = arith.constant 0 : i32
    %dma_wait3A_207 = tpu.memref_slice %dma_wait3A_204[%dma_wait3A_205, %dma_wait3A_206] : memref<10000x64xf32, #tpu.memory_space<hbm>> -> memref<10000x64xf32, #tpu.memory_space<hbm>>
    tpu.wait_indirect_dma semaphore(%arg25 : memref<!tpu.dma_semaphore, #tpu.memory_space<semaphore_mem>>) src(%dma_wait3A_207 : memref<10000x64xf32, #tpu.memory_space<hbm>>) dst(%arg11 : memref<128x64xf32, #tpu.memory_space<vmem>>)
    %get3A_208 = arith.constant 19328 : index
    %get3A_209 = tpu.vector_load %arg8[%get3A_208] {strides = array<i32>} : memref<20000xi32, #tpu.memory_space<vmem>>, vector<16xi32>,
    %swap3A_210 = arith.constant 0 : index
    %swap3A_211 = tpu.vector_load %arg9[%swap3A_210] {strides = array<i32>} : memref<128xi32, #tpu.memory_space<vmem>>, vector<16xi32>,
    tpu.vector_store %arg9[%swap3A_210], %get3A_209 {strides = array<i32>} : memref<128xi32, #tpu.memory_space<vmem>>, vector<16xi32>,
    %get3A_212 = arith.constant 19344 : index
    %get3A_213 = tpu.vector_load %arg8[%get3A_212] {strides = array<i32>} : memref<20000xi32, #tpu.memory_space<vmem>>, vector<16xi32>,
    %swap3A_214 = arith.constant 16 : index
    %swap3A_215 = tpu.vector_load %arg9[%swap3A_214] {strides = array<i32>} : memref<128xi32, #tpu.memory_space<vmem>>, vector<16xi32>,
    tpu.vector_store %arg9[%swap3A_214], %get3A_213 {strides = array<i32>} : memref<128xi32, #tpu.memory_space<vmem>>, vector<16xi32>,
    %get3A_216 = arith.constant 19360 : index
    %get3A_217 = tpu.vector_load %arg8[%get3A_216] {strides = array<i32>} : memref<20000xi32, #tpu.memory_space<vmem>>, vector<16xi32>,
    %swap3A_218 = arith.constant 32 : index
    %swap3A_219 = tpu.vector_load %arg9[%swap3A_218] {strides = array<i32>} : memref<128xi32, #tpu.memory_space<vmem>>, vector<16xi32>,
    tpu.vector_store %arg9[%swap3A_218], %get3A_217 {strides = array<i32>} : memref<128xi32, #tpu.memory_space<vmem>>, vector<16xi32>,
    %get3A_220 = arith.constant 19376 : index
    %get3A_221 = tpu.vector_load %arg8[%get3A_220] {strides = array<i32>} : memref<20000xi32, #tpu.memory_space<vmem>>, vector<16xi32>,
    %swap3A_222 = arith.constant 48 : index
    %swap3A_223 = tpu.vector_load %arg9[%swap3A_222] {strides = array<i32>} : memref<128xi32, #tpu.memory_space<vmem>>, vector<16xi32>,
    tpu.vector_store %arg9[%swap3A_222], %get3A_221 {strides = array<i32>} : memref<128xi32, #tpu.memory_space<vmem>>, vector<16xi32>,
    %get3A_224 = arith.constant 19392 : index
    %get3A_225 = tpu.vector_load %arg8[%get3A_224] {strides = array<i32>} : memref<20000xi32, #tpu.memory_space<vmem>>, vector<16xi32>,
    %swap3A_226 = arith.constant 64 : index
    %swap3A_227 = tpu.vector_load %arg9[%swap3A_226] {strides = array<i32>} : memref<128xi32, #tpu.memory_space<vmem>>, vector<16xi32>,
    tpu.vector_store %arg9[%swap3A_226], %get3A_225 {strides = array<i32>} : memref<128xi32, #tpu.memory_space<vmem>>, vector<16xi32>,
    %get3A_228 = arith.constant 19408 : index
    %get3A_229 = tpu.vector_load %arg8[%get3A_228] {strides = array<i32>} : memref<20000xi32, #tpu.memory_space<vmem>>, vector<16xi32>,
    %swap3A_230 = arith.constant 80 : index
    %swap3A_231 = tpu.vector_load %arg9[%swap3A_230] {strides = array<i32>} : memref<128xi32, #tpu.memory_space<vmem>>, vector<16xi32>,
    tpu.vector_store %arg9[%swap3A_230], %get3A_229 {strides = array<i32>} : memref<128xi32, #tpu.memory_space<vmem>>, vector<16xi32>,
    %get3A_232 = arith.constant 19424 : index
    %get3A_233 = tpu.vector_load %arg8[%get3A_232] {strides = array<i32>} : memref<20000xi32, #tpu.memory_space<vmem>>, vector<16xi32>,
    %swap3A_234 = arith.constant 96 : index
    %swap3A_235 = tpu.vector_load %arg9[%swap3A_234] {strides = array<i32>} : memref<128xi32, #tpu.memory_space<vmem>>, vector<16xi32>,
    tpu.vector_store %arg9[%swap3A_234], %get3A_233 {strides = array<i32>} : memref<128xi32, #tpu.memory_space<vmem>>, vector<16xi32>,
    %get3A_236 = arith.constant 19440 : index
    %get3A_237 = tpu.vector_load %arg8[%get3A_236] {strides = array<i32>} : memref<20000xi32, #tpu.memory_space<vmem>>, vector<16xi32>,
    %swap3A_238 = arith.constant 112 : index
    %swap3A_239 = tpu.vector_load %arg9[%swap3A_238] {strides = array<i32>} : memref<128xi32, #tpu.memory_space<vmem>>, vector<16xi32>,
    tpu.vector_store %arg9[%swap3A_238], %get3A_237 {strides = array<i32>} : memref<128xi32, #tpu.memory_space<vmem>>, vector<16xi32>,
    "tpu.region"() ({
      %run_scoped3A = tpu.sem_alloc : memref<!tpu.dma_semaphore, #tpu.memory_space<semaphore_mem>>
      %dma_start3A_509 = arith.constant 0 : i32
      %dma_start3A_510 = arith.constant 0 : i32
      %dma_start3A_511 = tpu.memref_slice %arg23[%dma_start3A_509, %dma_start3A_510] : memref<10112x64xf32, #tpu.memory_space<vmem_shared>> -> memref<10112x64xf32, #tpu.memory_space<vmem_shared>>
      tpu.enqueue_indirect_dma source(%arg11 : memref<128x64xf32, #tpu.memory_space<vmem>>) target(%dma_start3A_511 : memref<10112x64xf32, #tpu.memory_space<vmem_shared>>) offsets(%arg9 : memref<128xi32, #tpu.memory_space<vmem>>) semaphore(%run_scoped3A : memref<!tpu.dma_semaphore, #tpu.memory_space<semaphore_mem>>) {add = true}
      %dma_wait3A_512 = arith.constant 0 : i32
      %dma_wait3A_513 = arith.constant 0 : i32
      %dma_wait3A_514 = tpu.memref_slice %arg23[%dma_wait3A_512, %dma_wait3A_513] : memref<10112x64xf32, #tpu.memory_space<vmem_shared>> -> memref<10112x64xf32, #tpu.memory_space<vmem_shared>>
      tpu.wait_indirect_dma semaphore(%run_scoped3A : memref<!tpu.dma_semaphore, #tpu.memory_space<semaphore_mem>>) src(%arg11 : memref<128x64xf32, #tpu.memory_space<vmem>>) dst(%dma_wait3A_514 : memref<10112x64xf32, #tpu.memory_space<vmem_shared>>)
      tpu.yield
    }) : () -> ()
    %get3A_240 = arith.constant 19712 : index
    %get3A_241 = tpu.vector_load %arg7[%get3A_240] {strides = array<i32>} : memref<20000xi32, #tpu.memory_space<vmem>>, vector<16xi32>,
    %swap3A_242 = arith.constant 0 : index
    %swap3A_243 = tpu.vector_load %arg19[%swap3A_242] {strides = array<i32>} : memref<128xi32, #tpu.memory_space<vmem>>, vector<16xi32>,
    tpu.vector_store %arg19[%swap3A_242], %get3A_241 {strides = array<i32>} : memref<128xi32, #tpu.memory_space<vmem>>, vector<16xi32>,
    %get3A_244 = arith.constant 19728 : index
    %get3A_245 = tpu.vector_load %arg7[%get3A_244] {strides = array<i32>} : memref<20000xi32, #tpu.memory_space<vmem>>, vector<16xi32>,
    %swap3A_246 = arith.constant 16 : index
    %swap3A_247 = tpu.vector_load %arg19[%swap3A_246] {strides = array<i32>} : memref<128xi32, #tpu.memory_space<vmem>>, vector<16xi32>,
    tpu.vector_store %arg19[%swap3A_246], %get3A_245 {strides = array<i32>} : memref<128xi32, #tpu.memory_space<vmem>>, vector<16xi32>,
    %get3A_248 = arith.constant 19744 : index
    %get3A_249 = tpu.vector_load %arg7[%get3A_248] {strides = array<i32>} : memref<20000xi32, #tpu.memory_space<vmem>>, vector<16xi32>,
    %swap3A_250 = arith.constant 32 : index
    %swap3A_251 = tpu.vector_load %arg19[%swap3A_250] {strides = array<i32>} : memref<128xi32, #tpu.memory_space<vmem>>, vector<16xi32>,
    tpu.vector_store %arg19[%swap3A_250], %get3A_249 {strides = array<i32>} : memref<128xi32, #tpu.memory_space<vmem>>, vector<16xi32>,
    %get3A_252 = arith.constant 19760 : index
    %get3A_253 = tpu.vector_load %arg7[%get3A_252] {strides = array<i32>} : memref<20000xi32, #tpu.memory_space<vmem>>, vector<16xi32>,
    %swap3A_254 = arith.constant 48 : index
    %swap3A_255 = tpu.vector_load %arg19[%swap3A_254] {strides = array<i32>} : memref<128xi32, #tpu.memory_space<vmem>>, vector<16xi32>,
    tpu.vector_store %arg19[%swap3A_254], %get3A_253 {strides = array<i32>} : memref<128xi32, #tpu.memory_space<vmem>>, vector<16xi32>,
    %get3A_256 = arith.constant 19776 : index
    %get3A_257 = tpu.vector_load %arg7[%get3A_256] {strides = array<i32>} : memref<20000xi32, #tpu.memory_space<vmem>>, vector<16xi32>,
    %swap3A_258 = arith.constant 64 : index
    %swap3A_259 = tpu.vector_load %arg19[%swap3A_258] {strides = array<i32>} : memref<128xi32, #tpu.memory_space<vmem>>, vector<16xi32>,
    tpu.vector_store %arg19[%swap3A_258], %get3A_257 {strides = array<i32>} : memref<128xi32, #tpu.memory_space<vmem>>, vector<16xi32>,
    %get3A_260 = arith.constant 19792 : index
    %get3A_261 = tpu.vector_load %arg7[%get3A_260] {strides = array<i32>} : memref<20000xi32, #tpu.memory_space<vmem>>, vector<16xi32>,
    %swap3A_262 = arith.constant 80 : index
    %swap3A_263 = tpu.vector_load %arg19[%swap3A_262] {strides = array<i32>} : memref<128xi32, #tpu.memory_space<vmem>>, vector<16xi32>,
    tpu.vector_store %arg19[%swap3A_262], %get3A_261 {strides = array<i32>} : memref<128xi32, #tpu.memory_space<vmem>>, vector<16xi32>,
    %get3A_264 = arith.constant 19808 : index
    %get3A_265 = tpu.vector_load %arg7[%get3A_264] {strides = array<i32>} : memref<20000xi32, #tpu.memory_space<vmem>>, vector<16xi32>,
    %swap3A_266 = arith.constant 96 : index
    %swap3A_267 = tpu.vector_load %arg19[%swap3A_266] {strides = array<i32>} : memref<128xi32, #tpu.memory_space<vmem>>, vector<16xi32>,
    tpu.vector_store %arg19[%swap3A_266], %get3A_265 {strides = array<i32>} : memref<128xi32, #tpu.memory_space<vmem>>, vector<16xi32>,
    %get3A_268 = arith.constant 19824 : index
    %get3A_269 = tpu.vector_load %arg7[%get3A_268] {strides = array<i32>} : memref<20000xi32, #tpu.memory_space<vmem>>, vector<16xi32>,
    %swap3A_270 = arith.constant 112 : index
    %swap3A_271 = tpu.vector_load %arg19[%swap3A_270] {strides = array<i32>} : memref<128xi32, #tpu.memory_space<vmem>>, vector<16xi32>,
    tpu.vector_store %arg19[%swap3A_270], %get3A_269 {strides = array<i32>} : memref<128xi32, #tpu.memory_space<vmem>>, vector<16xi32>,
    %dma_start3A_272 = arith.constant 0 : i32
    %dma_start3A_273 = arith.constant 0 : i32
    %dma_start3A_274 = tpu.memref_slice %arg2[%arg0, %dma_start3A_272, %dma_start3A_273] : memref<2x10000x64xf32, #tpu.memory_space<hbm>> -> memref<1x10000x64xf32, #tpu.memory_space<hbm>>
    %dma_start3A_275 = tpu.memref_squeeze %dma_start3A_274 : memref<1x10000x64xf32, #tpu.memory_space<hbm>> -> memref<10000x64xf32, #tpu.memory_space<hbm>>
    %dma_start3A_276 = arith.constant 0 : i32
    %dma_start3A_277 = arith.constant 0 : i32
    %dma_start3A_278 = tpu.memref_slice %dma_start3A_275[%dma_start3A_276, %dma_start3A_277] : memref<10000x64xf32, #tpu.memory_space<hbm>> -> memref<10000x64xf32, #tpu.memory_space<hbm>>
    tpu.enqueue_indirect_dma source(%dma_start3A_278 : memref<10000x64xf32, #tpu.memory_space<hbm>>) target(%arg14 : memref<128x64xf32, #tpu.memory_space<vmem>>) offsets(%arg19 : memref<128xi32, #tpu.memory_space<vmem>>) semaphore(%arg28 : memref<!tpu.dma_semaphore, #tpu.memory_space<semaphore_mem>>)
    %dma_wait3A_279 = arith.constant 0 : i32
    %dma_wait3A_280 = arith.constant 0 : i32
    %dma_wait3A_281 = tpu.memref_slice %arg2[%arg0, %dma_wait3A_279, %dma_wait3A_280] : memref<2x10000x64xf32, #tpu.memory_space<hbm>> -> memref<1x10000x64xf32, #tpu.memory_space<hbm>>
    %dma_wait3A_282 = tpu.memref_squeeze %dma_wait3A_281 : memref<1x10000x64xf32, #tpu.memory_space<hbm>> -> memref<10000x64xf32, #tpu.memory_space<hbm>>
    %dma_wait3A_283 = arith.constant 0 : i32
    %dma_wait3A_284 = arith.constant 0 : i32
    %dma_wait3A_285 = tpu.memref_slice %dma_wait3A_282[%dma_wait3A_283, %dma_wait3A_284] : memref<10000x64xf32, #tpu.memory_space<hbm>> -> memref<10000x64xf32, #tpu.memory_space<hbm>>
    tpu.wait_indirect_dma semaphore(%arg26 : memref<!tpu.dma_semaphore, #tpu.memory_space<semaphore_mem>>) src(%dma_wait3A_285 : memref<10000x64xf32, #tpu.memory_space<hbm>>) dst(%arg12 : memref<128x64xf32, #tpu.memory_space<vmem>>)
    %get3A_286 = arith.constant 19456 : index
    %get3A_287 = tpu.vector_load %arg8[%get3A_286] {strides = array<i32>} : memref<20000xi32, #tpu.memory_space<vmem>>, vector<16xi32>,
    %swap3A_288 = arith.constant 0 : index
    %swap3A_289 = tpu.vector_load %arg9[%swap3A_288] {strides = array<i32>} : memref<128xi32, #tpu.memory_space<vmem>>, vector<16xi32>,
    tpu.vector_store %arg9[%swap3A_288], %get3A_287 {strides = array<i32>} : memref<128xi32, #tpu.memory_space<vmem>>, vector<16xi32>,
    %get3A_290 = arith.constant 19472 : index
    %get3A_291 = tpu.vector_load %arg8[%get3A_290] {strides = array<i32>} : memref<20000xi32, #tpu.memory_space<vmem>>, vector<16xi32>,
    %swap3A_292 = arith.constant 16 : index
    %swap3A_293 = tpu.vector_load %arg9[%swap3A_292] {strides = array<i32>} : memref<128xi32, #tpu.memory_space<vmem>>, vector<16xi32>,
    tpu.vector_store %arg9[%swap3A_292], %get3A_291 {strides = array<i32>} : memref<128xi32, #tpu.memory_space<vmem>>, vector<16xi32>,
    %get3A_294 = arith.constant 19488 : index
    %get3A_295 = tpu.vector_load %arg8[%get3A_294] {strides = array<i32>} : memref<20000xi32, #tpu.memory_space<vmem>>, vector<16xi32>,
    %swap3A_296 = arith.constant 32 : index
    %swap3A_297 = tpu.vector_load %arg9[%swap3A_296] {strides = array<i32>} : memref<128xi32, #tpu.memory_space<vmem>>, vector<16xi32>,
    tpu.vector_store %arg9[%swap3A_296], %get3A_295 {strides = array<i32>} : memref<128xi32, #tpu.memory_space<vmem>>, vector<16xi32>,
    %get3A_298 = arith.constant 19504 : index
    %get3A_299 = tpu.vector_load %arg8[%get3A_298] {strides = array<i32>} : memref<20000xi32, #tpu.memory_space<vmem>>, vector<16xi32>,
    %swap3A_300 = arith.constant 48 : index
    %swap3A_301 = tpu.vector_load %arg9[%swap3A_300] {strides = array<i32>} : memref<128xi32, #tpu.memory_space<vmem>>, vector<16xi32>,
    tpu.vector_store %arg9[%swap3A_300], %get3A_299 {strides = array<i32>} : memref<128xi32, #tpu.memory_space<vmem>>, vector<16xi32>,
    %get3A_302 = arith.constant 19520 : index
    %get3A_303 = tpu.vector_load %arg8[%get3A_302] {strides = array<i32>} : memref<20000xi32, #tpu.memory_space<vmem>>, vector<16xi32>,
    %swap3A_304 = arith.constant 64 : index
    %swap3A_305 = tpu.vector_load %arg9[%swap3A_304] {strides = array<i32>} : memref<128xi32, #tpu.memory_space<vmem>>, vector<16xi32>,
    tpu.vector_store %arg9[%swap3A_304], %get3A_303 {strides = array<i32>} : memref<128xi32, #tpu.memory_space<vmem>>, vector<16xi32>,
    %get3A_306 = arith.constant 19536 : index
    %get3A_307 = tpu.vector_load %arg8[%get3A_306] {strides = array<i32>} : memref<20000xi32, #tpu.memory_space<vmem>>, vector<16xi32>,
    %swap3A_308 = arith.constant 80 : index
    %swap3A_309 = tpu.vector_load %arg9[%swap3A_308] {strides = array<i32>} : memref<128xi32, #tpu.memory_space<vmem>>, vector<16xi32>,
    tpu.vector_store %arg9[%swap3A_308], %get3A_307 {strides = array<i32>} : memref<128xi32, #tpu.memory_space<vmem>>, vector<16xi32>,
    %get3A_310 = arith.constant 19552 : index
    %get3A_311 = tpu.vector_load %arg8[%get3A_310] {strides = array<i32>} : memref<20000xi32, #tpu.memory_space<vmem>>, vector<16xi32>,
    %swap3A_312 = arith.constant 96 : index
    %swap3A_313 = tpu.vector_load %arg9[%swap3A_312] {strides = array<i32>} : memref<128xi32, #tpu.memory_space<vmem>>, vector<16xi32>,
    tpu.vector_store %arg9[%swap3A_312], %get3A_311 {strides = array<i32>} : memref<128xi32, #tpu.memory_space<vmem>>, vector<16xi32>,
    %get3A_314 = arith.constant 19568 : index
    %get3A_315 = tpu.vector_load %arg8[%get3A_314] {strides = array<i32>} : memref<20000xi32, #tpu.memory_space<vmem>>, vector<16xi32>,
    %swap3A_316 = arith.constant 112 : index
    %swap3A_317 = tpu.vector_load %arg9[%swap3A_316] {strides = array<i32>} : memref<128xi32, #tpu.memory_space<vmem>>, vector<16xi32>,
    tpu.vector_store %arg9[%swap3A_316], %get3A_315 {strides = array<i32>} : memref<128xi32, #tpu.memory_space<vmem>>, vector<16xi32>,
    "tpu.region"() ({
      %run_scoped3A = tpu.sem_alloc : memref<!tpu.dma_semaphore, #tpu.memory_space<semaphore_mem>>
      %dma_start3A_509 = arith.constant 0 : i32
      %dma_start3A_510 = arith.constant 0 : i32
      %dma_start3A_511 = tpu.memref_slice %arg23[%dma_start3A_509, %dma_start3A_510] : memref<10112x64xf32, #tpu.memory_space<vmem_shared>> -> memref<10112x64xf32, #tpu.memory_space<vmem_shared>>
      tpu.enqueue_indirect_dma source(%arg12 : memref<128x64xf32, #tpu.memory_space<vmem>>) target(%dma_start3A_511 : memref<10112x64xf32, #tpu.memory_space<vmem_shared>>) offsets(%arg9 : memref<128xi32, #tpu.memory_space<vmem>>) semaphore(%run_scoped3A : memref<!tpu.dma_semaphore, #tpu.memory_space<semaphore_mem>>) {add = true}
      %dma_wait3A_512 = arith.constant 0 : i32
      %dma_wait3A_513 = arith.constant 0 : i32
      %dma_wait3A_514 = tpu.memref_slice %arg23[%dma_wait3A_512, %dma_wait3A_513] : memref<10112x64xf32, #tpu.memory_space<vmem_shared>> -> memref<10112x64xf32, #tpu.memory_space<vmem_shared>>
      tpu.wait_indirect_dma semaphore(%run_scoped3A : memref<!tpu.dma_semaphore, #tpu.memory_space<semaphore_mem>>) src(%arg12 : memref<128x64xf32, #tpu.memory_space<vmem>>) dst(%dma_wait3A_514 : memref<10112x64xf32, #tpu.memory_space<vmem_shared>>)
      tpu.yield
    }) : () -> ()
    %get3A_318 = arith.constant 19840 : index
    %get3A_319 = tpu.vector_load %arg7[%get3A_318] {strides = array<i32>} : memref<20000xi32, #tpu.memory_space<vmem>>, vector<16xi32>,
    %swap3A_320 = arith.constant 0 : index
    %swap3A_321 = tpu.vector_load %arg15[%swap3A_320] {strides = array<i32>} : memref<128xi32, #tpu.memory_space<vmem>>, vector<16xi32>,
    tpu.vector_store %arg15[%swap3A_320], %get3A_319 {strides = array<i32>} : memref<128xi32, #tpu.memory_space<vmem>>, vector<16xi32>,
    %get3A_322 = arith.constant 19856 : index
    %get3A_323 = tpu.vector_load %arg7[%get3A_322] {strides = array<i32>} : memref<20000xi32, #tpu.memory_space<vmem>>, vector<16xi32>,
    %swap3A_324 = arith.constant 16 : index
    %swap3A_325 = tpu.vector_load %arg15[%swap3A_324] {strides = array<i32>} : memref<128xi32, #tpu.memory_space<vmem>>, vector<16xi32>,
    tpu.vector_store %arg15[%swap3A_324], %get3A_323 {strides = array<i32>} : memref<128xi32, #tpu.memory_space<vmem>>, vector<16xi32>,
    %get3A_326 = arith.constant 19872 : index
    %get3A_327 = tpu.vector_load %arg7[%get3A_326] {strides = array<i32>} : memref<20000xi32, #tpu.memory_space<vmem>>, vector<16xi32>,
    %swap3A_328 = arith.constant 32 : index
    %swap3A_329 = tpu.vector_load %arg15[%swap3A_328] {strides = array<i32>} : memref<128xi32, #tpu.memory_space<vmem>>, vector<16xi32>,
    tpu.vector_store %arg15[%swap3A_328], %get3A_327 {strides = array<i32>} : memref<128xi32, #tpu.memory_space<vmem>>, vector<16xi32>,
    %get3A_330 = arith.constant 19888 : index
    %get3A_331 = tpu.vector_load %arg7[%get3A_330] {strides = array<i32>} : memref<20000xi32, #tpu.memory_space<vmem>>, vector<16xi32>,
    %swap3A_332 = arith.constant 48 : index
    %swap3A_333 = tpu.vector_load %arg15[%swap3A_332] {strides = array<i32>} : memref<128xi32, #tpu.memory_space<vmem>>, vector<16xi32>,
    tpu.vector_store %arg15[%swap3A_332], %get3A_331 {strides = array<i32>} : memref<128xi32, #tpu.memory_space<vmem>>, vector<16xi32>,
    %get3A_334 = arith.constant 19904 : index
    %get3A_335 = tpu.vector_load %arg7[%get3A_334] {strides = array<i32>} : memref<20000xi32, #tpu.memory_space<vmem>>, vector<16xi32>,
    %swap3A_336 = arith.constant 64 : index
    %swap3A_337 = tpu.vector_load %arg15[%swap3A_336] {strides = array<i32>} : memref<128xi32, #tpu.memory_space<vmem>>, vector<16xi32>,
    tpu.vector_store %arg15[%swap3A_336], %get3A_335 {strides = array<i32>} : memref<128xi32, #tpu.memory_space<vmem>>, vector<16xi32>,
    %get3A_338 = arith.constant 19920 : index
    %get3A_339 = tpu.vector_load %arg7[%get3A_338] {strides = array<i32>} : memref<20000xi32, #tpu.memory_space<vmem>>, vector<16xi32>,
    %swap3A_340 = arith.constant 80 : index
    %swap3A_341 = tpu.vector_load %arg15[%swap3A_340] {strides = array<i32>} : memref<128xi32, #tpu.memory_space<vmem>>, vector<16xi32>,
    tpu.vector_store %arg15[%swap3A_340], %get3A_339 {strides = array<i32>} : memref<128xi32, #tpu.memory_space<vmem>>, vector<16xi32>,
    %get3A_342 = arith.constant 19936 : index
    %get3A_343 = tpu.vector_load %arg7[%get3A_342] {strides = array<i32>} : memref<20000xi32, #tpu.memory_space<vmem>>, vector<16xi32>,
    %swap3A_344 = arith.constant 96 : index
    %swap3A_345 = tpu.vector_load %arg15[%swap3A_344] {strides = array<i32>} : memref<128xi32, #tpu.memory_space<vmem>>, vector<16xi32>,
    tpu.vector_store %arg15[%swap3A_344], %get3A_343 {strides = array<i32>} : memref<128xi32, #tpu.memory_space<vmem>>, vector<16xi32>,
    %get3A_346 = arith.constant 19952 : index
    %get3A_347 = tpu.vector_load %arg7[%get3A_346] {strides = array<i32>} : memref<20000xi32, #tpu.memory_space<vmem>>, vector<16xi32>,
    %swap3A_348 = arith.constant 112 : index
    %swap3A_349 = tpu.vector_load %arg15[%swap3A_348] {strides = array<i32>} : memref<128xi32, #tpu.memory_space<vmem>>, vector<16xi32>,
    tpu.vector_store %arg15[%swap3A_348], %get3A_347 {strides = array<i32>} : memref<128xi32, #tpu.memory_space<vmem>>, vector<16xi32>,
    %dma_start3A_350 = arith.constant 0 : i32
    %dma_start3A_351 = arith.constant 0 : i32
    %dma_start3A_352 = tpu.memref_slice %arg2[%arg0, %dma_start3A_350, %dma_start3A_351] : memref<2x10000x64xf32, #tpu.memory_space<hbm>> -> memref<1x10000x64xf32, #tpu.memory_space<hbm>>
    %dma_start3A_353 = tpu.memref_squeeze %dma_start3A_352 : memref<1x10000x64xf32, #tpu.memory_space<hbm>> -> memref<10000x64xf32, #tpu.memory_space<hbm>>
    %dma_start3A_354 = arith.constant 0 : i32
    %dma_start3A_355 = arith.constant 0 : i32
    %dma_start3A_356 = tpu.memref_slice %dma_start3A_353[%dma_start3A_354, %dma_start3A_355] : memref<10000x64xf32, #tpu.memory_space<hbm>> -> memref<10000x64xf32, #tpu.memory_space<hbm>>
    tpu.enqueue_indirect_dma source(%dma_start3A_356 : memref<10000x64xf32, #tpu.memory_space<hbm>>) target(%arg10 : memref<128x64xf32, #tpu.memory_space<vmem>>) offsets(%arg15 : memref<128xi32, #tpu.memory_space<vmem>>) semaphore(%arg24 : memref<!tpu.dma_semaphore, #tpu.memory_space<semaphore_mem>>)
    %dma_wait3A_357 = arith.constant 0 : i32
    %dma_wait3A_358 = arith.constant 0 : i32
    %dma_wait3A_359 = tpu.memref_slice %arg2[%arg0, %dma_wait3A_357, %dma_wait3A_358] : memref<2x10000x64xf32, #tpu.memory_space<hbm>> -> memref<1x10000x64xf32, #tpu.memory_space<hbm>>
    %dma_wait3A_360 = tpu.memref_squeeze %dma_wait3A_359 : memref<1x10000x64xf32, #tpu.memory_space<hbm>> -> memref<10000x64xf32, #tpu.memory_space<hbm>>
    %dma_wait3A_361 = arith.constant 0 : i32
    %dma_wait3A_362 = arith.constant 0 : i32
    %dma_wait3A_363 = tpu.memref_slice %dma_wait3A_360[%dma_wait3A_361, %dma_wait3A_362] : memref<10000x64xf32, #tpu.memory_space<hbm>> -> memref<10000x64xf32, #tpu.memory_space<hbm>>
    tpu.wait_indirect_dma semaphore(%arg27 : memref<!tpu.dma_semaphore, #tpu.memory_space<semaphore_mem>>) src(%dma_wait3A_363 : memref<10000x64xf32, #tpu.memory_space<hbm>>) dst(%arg13 : memref<128x64xf32, #tpu.memory_space<vmem>>)
    %get3A_364 = arith.constant 19584 : index
    %get3A_365 = tpu.vector_load %arg8[%get3A_364] {strides = array<i32>} : memref<20000xi32, #tpu.memory_space<vmem>>, vector<16xi32>,
    %swap3A_366 = arith.constant 0 : index
    %swap3A_367 = tpu.vector_load %arg9[%swap3A_366] {strides = array<i32>} : memref<128xi32, #tpu.memory_space<vmem>>, vector<16xi32>,
    tpu.vector_store %arg9[%swap3A_366], %get3A_365 {strides = array<i32>} : memref<128xi32, #tpu.memory_space<vmem>>, vector<16xi32>,
    %get3A_368 = arith.constant 19600 : index
    %get3A_369 = tpu.vector_load %arg8[%get3A_368] {strides = array<i32>} : memref<20000xi32, #tpu.memory_space<vmem>>, vector<16xi32>,
    %swap3A_370 = arith.constant 16 : index
    %swap3A_371 = tpu.vector_load %arg9[%swap3A_370] {strides = array<i32>} : memref<128xi32, #tpu.memory_space<vmem>>, vector<16xi32>,
    tpu.vector_store %arg9[%swap3A_370], %get3A_369 {strides = array<i32>} : memref<128xi32, #tpu.memory_space<vmem>>, vector<16xi32>,
    %get3A_372 = arith.constant 19616 : index
    %get3A_373 = tpu.vector_load %arg8[%get3A_372] {strides = array<i32>} : memref<20000xi32, #tpu.memory_space<vmem>>, vector<16xi32>,
    %swap3A_374 = arith.constant 32 : index
    %swap3A_375 = tpu.vector_load %arg9[%swap3A_374] {strides = array<i32>} : memref<128xi32, #tpu.memory_space<vmem>>, vector<16xi32>,
    tpu.vector_store %arg9[%swap3A_374], %get3A_373 {strides = array<i32>} : memref<128xi32, #tpu.memory_space<vmem>>, vector<16xi32>,
    %get3A_376 = arith.constant 19632 : index
    %get3A_377 = tpu.vector_load %arg8[%get3A_376] {strides = array<i32>} : memref<20000xi32, #tpu.memory_space<vmem>>, vector<16xi32>,
    %swap3A_378 = arith.constant 48 : index
    %swap3A_379 = tpu.vector_load %arg9[%swap3A_378] {strides = array<i32>} : memref<128xi32, #tpu.memory_space<vmem>>, vector<16xi32>,
    tpu.vector_store %arg9[%swap3A_378], %get3A_377 {strides = array<i32>} : memref<128xi32, #tpu.memory_space<vmem>>, vector<16xi32>,
    %get3A_380 = arith.constant 19648 : index
    %get3A_381 = tpu.vector_load %arg8[%get3A_380] {strides = array<i32>} : memref<20000xi32, #tpu.memory_space<vmem>>, vector<16xi32>,
    %swap3A_382 = arith.constant 64 : index
    %swap3A_383 = tpu.vector_load %arg9[%swap3A_382] {strides = array<i32>} : memref<128xi32, #tpu.memory_space<vmem>>, vector<16xi32>,
    tpu.vector_store %arg9[%swap3A_382], %get3A_381 {strides = array<i32>} : memref<128xi32, #tpu.memory_space<vmem>>, vector<16xi32>,
    %get3A_384 = arith.constant 19664 : index
    %get3A_385 = tpu.vector_load %arg8[%get3A_384] {strides = array<i32>} : memref<20000xi32, #tpu.memory_space<vmem>>, vector<16xi32>,
    %swap3A_386 = arith.constant 80 : index
    %swap3A_387 = tpu.vector_load %arg9[%swap3A_386] {strides = array<i32>} : memref<128xi32, #tpu.memory_space<vmem>>, vector<16xi32>,
    tpu.vector_store %arg9[%swap3A_386], %get3A_385 {strides = array<i32>} : memref<128xi32, #tpu.memory_space<vmem>>, vector<16xi32>,
    %get3A_388 = arith.constant 19680 : index
    %get3A_389 = tpu.vector_load %arg8[%get3A_388] {strides = array<i32>} : memref<20000xi32, #tpu.memory_space<vmem>>, vector<16xi32>,
    %swap3A_390 = arith.constant 96 : index
    %swap3A_391 = tpu.vector_load %arg9[%swap3A_390] {strides = array<i32>} : memref<128xi32, #tpu.memory_space<vmem>>, vector<16xi32>,
    tpu.vector_store %arg9[%swap3A_390], %get3A_389 {strides = array<i32>} : memref<128xi32, #tpu.memory_space<vmem>>, vector<16xi32>,
    %get3A_392 = arith.constant 19696 : index
    %get3A_393 = tpu.vector_load %arg8[%get3A_392] {strides = array<i32>} : memref<20000xi32, #tpu.memory_space<vmem>>, vector<16xi32>,
    %swap3A_394 = arith.constant 112 : index
    %swap3A_395 = tpu.vector_load %arg9[%swap3A_394] {strides = array<i32>} : memref<128xi32, #tpu.memory_space<vmem>>, vector<16xi32>,
    tpu.vector_store %arg9[%swap3A_394], %get3A_393 {strides = array<i32>} : memref<128xi32, #tpu.memory_space<vmem>>, vector<16xi32>,
    "tpu.region"() ({
      %run_scoped3A = tpu.sem_alloc : memref<!tpu.dma_semaphore, #tpu.memory_space<semaphore_mem>>
      %dma_start3A_509 = arith.constant 0 : i32
      %dma_start3A_510 = arith.constant 0 : i32
      %dma_start3A_511 = tpu.memref_slice %arg23[%dma_start3A_509, %dma_start3A_510] : memref<10112x64xf32, #tpu.memory_space<vmem_shared>> -> memref<10112x64xf32, #tpu.memory_space<vmem_shared>>
      tpu.enqueue_indirect_dma source(%arg13 : memref<128x64xf32, #tpu.memory_space<vmem>>) target(%dma_start3A_511 : memref<10112x64xf32, #tpu.memory_space<vmem_shared>>) offsets(%arg9 : memref<128xi32, #tpu.memory_space<vmem>>) semaphore(%run_scoped3A : memref<!tpu.dma_semaphore, #tpu.memory_space<semaphore_mem>>) {add = true}
      %dma_wait3A_512 = arith.constant 0 : i32
      %dma_wait3A_513 = arith.constant 0 : i32
      %dma_wait3A_514 = tpu.memref_slice %arg23[%dma_wait3A_512, %dma_wait3A_513] : memref<10112x64xf32, #tpu.memory_space<vmem_shared>> -> memref<10112x64xf32, #tpu.memory_space<vmem_shared>>
      tpu.wait_indirect_dma semaphore(%run_scoped3A : memref<!tpu.dma_semaphore, #tpu.memory_space<semaphore_mem>>) src(%arg13 : memref<128x64xf32, #tpu.memory_space<vmem>>) dst(%dma_wait3A_514 : memref<10112x64xf32, #tpu.memory_space<vmem_shared>>)
      tpu.yield
    }) : () -> ()
    %dma_wait3A_396 = arith.constant 0 : i32
    %dma_wait3A_397 = arith.constant 0 : i32
    %dma_wait3A_398 = tpu.memref_slice %arg2[%arg0, %dma_wait3A_396, %dma_wait3A_397] : memref<2x10000x64xf32, #tpu.memory_space<hbm>> -> memref<1x10000x64xf32, #tpu.memory_space<hbm>>
    %dma_wait3A_399 = tpu.memref_squeeze %dma_wait3A_398 : memref<1x10000x64xf32, #tpu.memory_space<hbm>> -> memref<10000x64xf32, #tpu.memory_space<hbm>>
    %dma_wait3A_400 = arith.constant 0 : i32
    %dma_wait3A_401 = arith.constant 0 : i32
    %dma_wait3A_402 = tpu.memref_slice %dma_wait3A_399[%dma_wait3A_400, %dma_wait3A_401] : memref<10000x64xf32, #tpu.memory_space<hbm>> -> memref<10000x64xf32, #tpu.memory_space<hbm>>
    tpu.wait_indirect_dma semaphore(%arg28 : memref<!tpu.dma_semaphore, #tpu.memory_space<semaphore_mem>>) src(%dma_wait3A_402 : memref<10000x64xf32, #tpu.memory_space<hbm>>) dst(%arg14 : memref<128x64xf32, #tpu.memory_space<vmem>>)
    %get3A_403 = arith.constant 19712 : index
    %get3A_404 = tpu.vector_load %arg8[%get3A_403] {strides = array<i32>} : memref<20000xi32, #tpu.memory_space<vmem>>, vector<16xi32>,
    %swap3A_405 = arith.constant 0 : index
    %swap3A_406 = tpu.vector_load %arg9[%swap3A_405] {strides = array<i32>} : memref<128xi32, #tpu.memory_space<vmem>>, vector<16xi32>,
    tpu.vector_store %arg9[%swap3A_405], %get3A_404 {strides = array<i32>} : memref<128xi32, #tpu.memory_space<vmem>>, vector<16xi32>,
    %get3A_407 = arith.constant 19728 : index
    %get3A_408 = tpu.vector_load %arg8[%get3A_407] {strides = array<i32>} : memref<20000xi32, #tpu.memory_space<vmem>>, vector<16xi32>,
    %swap3A_409 = arith.constant 16 : index
    %swap3A_410 = tpu.vector_load %arg9[%swap3A_409] {strides = array<i32>} : memref<128xi32, #tpu.memory_space<vmem>>, vector<16xi32>,
    tpu.vector_store %arg9[%swap3A_409], %get3A_408 {strides = array<i32>} : memref<128xi32, #tpu.memory_space<vmem>>, vector<16xi32>,
    %get3A_411 = arith.constant 19744 : index
    %get3A_412 = tpu.vector_load %arg8[%get3A_411] {strides = array<i32>} : memref<20000xi32, #tpu.memory_space<vmem>>, vector<16xi32>,
    %swap3A_413 = arith.constant 32 : index
    %swap3A_414 = tpu.vector_load %arg9[%swap3A_413] {strides = array<i32>} : memref<128xi32, #tpu.memory_space<vmem>>, vector<16xi32>,
    tpu.vector_store %arg9[%swap3A_413], %get3A_412 {strides = array<i32>} : memref<128xi32, #tpu.memory_space<vmem>>, vector<16xi32>,
    %get3A_415 = arith.constant 19760 : index
    %get3A_416 = tpu.vector_load %arg8[%get3A_415] {strides = array<i32>} : memref<20000xi32, #tpu.memory_space<vmem>>, vector<16xi32>,
    %swap3A_417 = arith.constant 48 : index
    %swap3A_418 = tpu.vector_load %arg9[%swap3A_417] {strides = array<i32>} : memref<128xi32, #tpu.memory_space<vmem>>, vector<16xi32>,
    tpu.vector_store %arg9[%swap3A_417], %get3A_416 {strides = array<i32>} : memref<128xi32, #tpu.memory_space<vmem>>, vector<16xi32>,
    %get3A_419 = arith.constant 19776 : index
    %get3A_420 = tpu.vector_load %arg8[%get3A_419] {strides = array<i32>} : memref<20000xi32, #tpu.memory_space<vmem>>, vector<16xi32>,
    %swap3A_421 = arith.constant 64 : index
    %swap3A_422 = tpu.vector_load %arg9[%swap3A_421] {strides = array<i32>} : memref<128xi32, #tpu.memory_space<vmem>>, vector<16xi32>,
    tpu.vector_store %arg9[%swap3A_421], %get3A_420 {strides = array<i32>} : memref<128xi32, #tpu.memory_space<vmem>>, vector<16xi32>,
    %get3A_423 = arith.constant 19792 : index
    %get3A_424 = tpu.vector_load %arg8[%get3A_423] {strides = array<i32>} : memref<20000xi32, #tpu.memory_space<vmem>>, vector<16xi32>,
    %swap3A_425 = arith.constant 80 : index
    %swap3A_426 = tpu.vector_load %arg9[%swap3A_425] {strides = array<i32>} : memref<128xi32, #tpu.memory_space<vmem>>, vector<16xi32>,
    tpu.vector_store %arg9[%swap3A_425], %get3A_424 {strides = array<i32>} : memref<128xi32, #tpu.memory_space<vmem>>, vector<16xi32>,
    %get3A_427 = arith.constant 19808 : index
    %get3A_428 = tpu.vector_load %arg8[%get3A_427] {strides = array<i32>} : memref<20000xi32, #tpu.memory_space<vmem>>, vector<16xi32>,
    %swap3A_429 = arith.constant 96 : index
    %swap3A_430 = tpu.vector_load %arg9[%swap3A_429] {strides = array<i32>} : memref<128xi32, #tpu.memory_space<vmem>>, vector<16xi32>,
    tpu.vector_store %arg9[%swap3A_429], %get3A_428 {strides = array<i32>} : memref<128xi32, #tpu.memory_space<vmem>>, vector<16xi32>,
    %get3A_431 = arith.constant 19824 : index
    %get3A_432 = tpu.vector_load %arg8[%get3A_431] {strides = array<i32>} : memref<20000xi32, #tpu.memory_space<vmem>>, vector<16xi32>,
    %swap3A_433 = arith.constant 112 : index
    %swap3A_434 = tpu.vector_load %arg9[%swap3A_433] {strides = array<i32>} : memref<128xi32, #tpu.memory_space<vmem>>, vector<16xi32>,
    tpu.vector_store %arg9[%swap3A_433], %get3A_432 {strides = array<i32>} : memref<128xi32, #tpu.memory_space<vmem>>, vector<16xi32>,
    "tpu.region"() ({
      %run_scoped3A = tpu.sem_alloc : memref<!tpu.dma_semaphore, #tpu.memory_space<semaphore_mem>>
      %dma_start3A_509 = arith.constant 0 : i32
      %dma_start3A_510 = arith.constant 0 : i32
      %dma_start3A_511 = tpu.memref_slice %arg23[%dma_start3A_509, %dma_start3A_510] : memref<10112x64xf32, #tpu.memory_space<vmem_shared>> -> memref<10112x64xf32, #tpu.memory_space<vmem_shared>>
      tpu.enqueue_indirect_dma source(%arg14 : memref<128x64xf32, #tpu.memory_space<vmem>>) target(%dma_start3A_511 : memref<10112x64xf32, #tpu.memory_space<vmem_shared>>) offsets(%arg9 : memref<128xi32, #tpu.memory_space<vmem>>) semaphore(%run_scoped3A : memref<!tpu.dma_semaphore, #tpu.memory_space<semaphore_mem>>) {add = true}
      %dma_wait3A_512 = arith.constant 0 : i32
      %dma_wait3A_513 = arith.constant 0 : i32
      %dma_wait3A_514 = tpu.memref_slice %arg23[%dma_wait3A_512, %dma_wait3A_513] : memref<10112x64xf32, #tpu.memory_space<vmem_shared>> -> memref<10112x64xf32, #tpu.memory_space<vmem_shared>>
      tpu.wait_indirect_dma semaphore(%run_scoped3A : memref<!tpu.dma_semaphore, #tpu.memory_space<semaphore_mem>>) src(%arg14 : memref<128x64xf32, #tpu.memory_space<vmem>>) dst(%dma_wait3A_514 : memref<10112x64xf32, #tpu.memory_space<vmem_shared>>)
      tpu.yield
    }) : () -> ()
    %dma_wait3A_435 = arith.constant 0 : i32
    %dma_wait3A_436 = arith.constant 0 : i32
    %dma_wait3A_437 = tpu.memref_slice %arg2[%arg0, %dma_wait3A_435, %dma_wait3A_436] : memref<2x10000x64xf32, #tpu.memory_space<hbm>> -> memref<1x10000x64xf32, #tpu.memory_space<hbm>>
    %dma_wait3A_438 = tpu.memref_squeeze %dma_wait3A_437 : memref<1x10000x64xf32, #tpu.memory_space<hbm>> -> memref<10000x64xf32, #tpu.memory_space<hbm>>
    %dma_wait3A_439 = arith.constant 0 : i32
    %dma_wait3A_440 = arith.constant 0 : i32
    %dma_wait3A_441 = tpu.memref_slice %dma_wait3A_438[%dma_wait3A_439, %dma_wait3A_440] : memref<10000x64xf32, #tpu.memory_space<hbm>> -> memref<10000x64xf32, #tpu.memory_space<hbm>>
    tpu.wait_indirect_dma semaphore(%arg24 : memref<!tpu.dma_semaphore, #tpu.memory_space<semaphore_mem>>) src(%dma_wait3A_441 : memref<10000x64xf32, #tpu.memory_space<hbm>>) dst(%arg10 : memref<128x64xf32, #tpu.memory_space<vmem>>)
    %get3A_442 = arith.constant 19840 : index
    %get3A_443 = tpu.vector_load %arg8[%get3A_442] {strides = array<i32>} : memref<20000xi32, #tpu.memory_space<vmem>>, vector<16xi32>,
    %swap3A_444 = arith.constant 0 : index
    %swap3A_445 = tpu.vector_load %arg9[%swap3A_444] {strides = array<i32>} : memref<128xi32, #tpu.memory_space<vmem>>, vector<16xi32>,
    tpu.vector_store %arg9[%swap3A_444], %get3A_443 {strides = array<i32>} : memref<128xi32, #tpu.memory_space<vmem>>, vector<16xi32>,
    %get3A_446 = arith.constant 19856 : index
    %get3A_447 = tpu.vector_load %arg8[%get3A_446] {strides = array<i32>} : memref<20000xi32, #tpu.memory_space<vmem>>, vector<16xi32>,
    %swap3A_448 = arith.constant 16 : index
    %swap3A_449 = tpu.vector_load %arg9[%swap3A_448] {strides = array<i32>} : memref<128xi32, #tpu.memory_space<vmem>>, vector<16xi32>,
    tpu.vector_store %arg9[%swap3A_448], %get3A_447 {strides = array<i32>} : memref<128xi32, #tpu.memory_space<vmem>>, vector<16xi32>,
    %get3A_450 = arith.constant 19872 : index
    %get3A_451 = tpu.vector_load %arg8[%get3A_450] {strides = array<i32>} : memref<20000xi32, #tpu.memory_space<vmem>>, vector<16xi32>,
    %swap3A_452 = arith.constant 32 : index
    %swap3A_453 = tpu.vector_load %arg9[%swap3A_452] {strides = array<i32>} : memref<128xi32, #tpu.memory_space<vmem>>, vector<16xi32>,
    tpu.vector_store %arg9[%swap3A_452], %get3A_451 {strides = array<i32>} : memref<128xi32, #tpu.memory_space<vmem>>, vector<16xi32>,
    %get3A_454 = arith.constant 19888 : index
    %get3A_455 = tpu.vector_load %arg8[%get3A_454] {strides = array<i32>} : memref<20000xi32, #tpu.memory_space<vmem>>, vector<16xi32>,
    %swap3A_456 = arith.constant 48 : index
    %swap3A_457 = tpu.vector_load %arg9[%swap3A_456] {strides = array<i32>} : memref<128xi32, #tpu.memory_space<vmem>>, vector<16xi32>,
    tpu.vector_store %arg9[%swap3A_456], %get3A_455 {strides = array<i32>} : memref<128xi32, #tpu.memory_space<vmem>>, vector<16xi32>,
    %get3A_458 = arith.constant 19904 : index
    %get3A_459 = tpu.vector_load %arg8[%get3A_458] {strides = array<i32>} : memref<20000xi32, #tpu.memory_space<vmem>>, vector<16xi32>,
    %swap3A_460 = arith.constant 64 : index
    %swap3A_461 = tpu.vector_load %arg9[%swap3A_460] {strides = array<i32>} : memref<128xi32, #tpu.memory_space<vmem>>, vector<16xi32>,
    tpu.vector_store %arg9[%swap3A_460], %get3A_459 {strides = array<i32>} : memref<128xi32, #tpu.memory_space<vmem>>, vector<16xi32>,
    %get3A_462 = arith.constant 19920 : index
    %get3A_463 = tpu.vector_load %arg8[%get3A_462] {strides = array<i32>} : memref<20000xi32, #tpu.memory_space<vmem>>, vector<16xi32>,
    %swap3A_464 = arith.constant 80 : index
    %swap3A_465 = tpu.vector_load %arg9[%swap3A_464] {strides = array<i32>} : memref<128xi32, #tpu.memory_space<vmem>>, vector<16xi32>,
    tpu.vector_store %arg9[%swap3A_464], %get3A_463 {strides = array<i32>} : memref<128xi32, #tpu.memory_space<vmem>>, vector<16xi32>,
    %get3A_466 = arith.constant 19936 : index
    %get3A_467 = tpu.vector_load %arg8[%get3A_466] {strides = array<i32>} : memref<20000xi32, #tpu.memory_space<vmem>>, vector<16xi32>,
    %swap3A_468 = arith.constant 96 : index
    %swap3A_469 = tpu.vector_load %arg9[%swap3A_468] {strides = array<i32>} : memref<128xi32, #tpu.memory_space<vmem>>, vector<16xi32>,
    tpu.vector_store %arg9[%swap3A_468], %get3A_467 {strides = array<i32>} : memref<128xi32, #tpu.memory_space<vmem>>, vector<16xi32>,
    %get3A_470 = arith.constant 19952 : index
    %get3A_471 = tpu.vector_load %arg8[%get3A_470] {strides = array<i32>} : memref<20000xi32, #tpu.memory_space<vmem>>, vector<16xi32>,
    %swap3A_472 = arith.constant 112 : index
    %swap3A_473 = tpu.vector_load %arg9[%swap3A_472] {strides = array<i32>} : memref<128xi32, #tpu.memory_space<vmem>>, vector<16xi32>,
    tpu.vector_store %arg9[%swap3A_472], %get3A_471 {strides = array<i32>} : memref<128xi32, #tpu.memory_space<vmem>>, vector<16xi32>,
    "tpu.region"() ({
      %run_scoped3A = tpu.sem_alloc : memref<!tpu.dma_semaphore, #tpu.memory_space<semaphore_mem>>
      %dma_start3A_509 = arith.constant 0 : i32
      %dma_start3A_510 = arith.constant 0 : i32
      %dma_start3A_511 = tpu.memref_slice %arg23[%dma_start3A_509, %dma_start3A_510] : memref<10112x64xf32, #tpu.memory_space<vmem_shared>> -> memref<10112x64xf32, #tpu.memory_space<vmem_shared>>
      tpu.enqueue_indirect_dma source(%arg10 : memref<128x64xf32, #tpu.memory_space<vmem>>) target(%dma_start3A_511 : memref<10112x64xf32, #tpu.memory_space<vmem_shared>>) offsets(%arg9 : memref<128xi32, #tpu.memory_space<vmem>>) semaphore(%run_scoped3A : memref<!tpu.dma_semaphore, #tpu.memory_space<semaphore_mem>>) {add = true}
      %dma_wait3A_512 = arith.constant 0 : i32
      %dma_wait3A_513 = arith.constant 0 : i32
      %dma_wait3A_514 = tpu.memref_slice %arg23[%dma_wait3A_512, %dma_wait3A_513] : memref<10112x64xf32, #tpu.memory_space<vmem_shared>> -> memref<10112x64xf32, #tpu.memory_space<vmem_shared>>
      tpu.wait_indirect_dma semaphore(%run_scoped3A : memref<!tpu.dma_semaphore, #tpu.memory_space<semaphore_mem>>) src(%arg10 : memref<128x64xf32, #tpu.memory_space<vmem>>) dst(%dma_wait3A_514 : memref<10112x64xf32, #tpu.memory_space<vmem_shared>>)
      tpu.yield
    }) : () -> ()
    %get3A_474 = arith.constant 19968 : index
    %get3A_475 = tpu.vector_load %arg7[%get3A_474] {strides = array<i32>} : memref<20000xi32, #tpu.memory_space<vmem>>, vector<16xi32>,
    %swap3A_476 = arith.constant 0 : index
    %swap3A_477 = tpu.vector_load %arg21[%swap3A_476] {strides = array<i32>} : memref<32xi32, #tpu.memory_space<vmem>>, vector<16xi32>,
    tpu.vector_store %arg21[%swap3A_476], %get3A_475 {strides = array<i32>} : memref<32xi32, #tpu.memory_space<vmem>>, vector<16xi32>,
    %get3A_478 = arith.constant 19968 : index
    %get3A_479 = tpu.vector_load %arg8[%get3A_478] {strides = array<i32>} : memref<20000xi32, #tpu.memory_space<vmem>>, vector<16xi32>,
    %swap3A_480 = arith.constant 0 : index
    %swap3A_481 = tpu.vector_load %arg22[%swap3A_480] {strides = array<i32>} : memref<32xi32, #tpu.memory_space<vmem>>, vector<16xi32>,
    tpu.vector_store %arg22[%swap3A_480], %get3A_479 {strides = array<i32>} : memref<32xi32, #tpu.memory_space<vmem>>, vector<16xi32>,
    %get3A_482 = arith.constant 19984 : index
    %get3A_483 = tpu.vector_load %arg7[%get3A_482] {strides = array<i32>} : memref<20000xi32, #tpu.memory_space<vmem>>, vector<16xi32>,
    %swap3A_484 = arith.constant 16 : index
    %swap3A_485 = tpu.vector_load %arg21[%swap3A_484] {strides = array<i32>} : memref<32xi32, #tpu.memory_space<vmem>>, vector<16xi32>,
    tpu.vector_store %arg21[%swap3A_484], %get3A_483 {strides = array<i32>} : memref<32xi32, #tpu.memory_space<vmem>>, vector<16xi32>,
    %get3A_486 = arith.constant 19984 : index
    %get3A_487 = tpu.vector_load %arg8[%get3A_486] {strides = array<i32>} : memref<20000xi32, #tpu.memory_space<vmem>>, vector<16xi32>,
    %swap3A_488 = arith.constant 16 : index
    %swap3A_489 = tpu.vector_load %arg22[%swap3A_488] {strides = array<i32>} : memref<32xi32, #tpu.memory_space<vmem>>, vector<16xi32>,
    tpu.vector_store %arg22[%swap3A_488], %get3A_487 {strides = array<i32>} : memref<32xi32, #tpu.memory_space<vmem>>, vector<16xi32>,
    %dma_start3A_490 = arith.constant 0 : i32
    %dma_start3A_491 = arith.constant 0 : i32
    %dma_start3A_492 = tpu.memref_slice %arg2[%arg0, %dma_start3A_490, %dma_start3A_491] : memref<2x10000x64xf32, #tpu.memory_space<hbm>> -> memref<1x10000x64xf32, #tpu.memory_space<hbm>>
    %dma_start3A_493 = tpu.memref_squeeze %dma_start3A_492 : memref<1x10000x64xf32, #tpu.memory_space<hbm>> -> memref<10000x64xf32, #tpu.memory_space<hbm>>
    %dma_start3A_494 = arith.constant 0 : i32
    %dma_start3A_495 = arith.constant 0 : i32
    %dma_start3A_496 = tpu.memref_slice %dma_start3A_493[%dma_start3A_494, %dma_start3A_495] : memref<10000x64xf32, #tpu.memory_space<hbm>> -> memref<10000x64xf32, #tpu.memory_space<hbm>>
    tpu.enqueue_indirect_dma source(%dma_start3A_496 : memref<10000x64xf32, #tpu.memory_space<hbm>>) target(%arg20 : memref<32x64xf32, #tpu.memory_space<vmem>>) offsets(%arg21 : memref<32xi32, #tpu.memory_space<vmem>>) semaphore(%arg24 : memref<!tpu.dma_semaphore, #tpu.memory_space<semaphore_mem>>)
    %dma_wait3A_497 = arith.constant 0 : i32
    %dma_wait3A_498 = arith.constant 0 : i32
    %dma_wait3A_499 = tpu.memref_slice %arg2[%arg0, %dma_wait3A_497, %dma_wait3A_498] : memref<2x10000x64xf32, #tpu.memory_space<hbm>> -> memref<1x10000x64xf32, #tpu.memory_space<hbm>>
    %dma_wait3A_500 = tpu.memref_squeeze %dma_wait3A_499 : memref<1x10000x64xf32, #tpu.memory_space<hbm>> -> memref<10000x64xf32, #tpu.memory_space<hbm>>
    %dma_wait3A_501 = arith.constant 0 : i32
    %dma_wait3A_502 = arith.constant 0 : i32
    %dma_wait3A_503 = tpu.memref_slice %dma_wait3A_500[%dma_wait3A_501, %dma_wait3A_502] : memref<10000x64xf32, #tpu.memory_space<hbm>> -> memref<10000x64xf32, #tpu.memory_space<hbm>>
    tpu.wait_indirect_dma semaphore(%arg24 : memref<!tpu.dma_semaphore, #tpu.memory_space<semaphore_mem>>) src(%dma_wait3A_503 : memref<10000x64xf32, #tpu.memory_space<hbm>>) dst(%arg20 : memref<32x64xf32, #tpu.memory_space<vmem>>)
    "tpu.region"() ({
      %run_scoped3A = tpu.sem_alloc : memref<!tpu.dma_semaphore, #tpu.memory_space<semaphore_mem>>
      %dma_start3A_509 = arith.constant 0 : i32
      %dma_start3A_510 = arith.constant 0 : i32
      %dma_start3A_511 = tpu.memref_slice %arg23[%dma_start3A_509, %dma_start3A_510] : memref<10112x64xf32, #tpu.memory_space<vmem_shared>> -> memref<10112x64xf32, #tpu.memory_space<vmem_shared>>
      tpu.enqueue_indirect_dma source(%arg20 : memref<32x64xf32, #tpu.memory_space<vmem>>) target(%dma_start3A_511 : memref<10112x64xf32, #tpu.memory_space<vmem_shared>>) offsets(%arg22 : memref<32xi32, #tpu.memory_space<vmem>>) semaphore(%run_scoped3A : memref<!tpu.dma_semaphore, #tpu.memory_space<semaphore_mem>>) {add = true}
      %dma_wait3A_512 = arith.constant 0 : i32
      %dma_wait3A_513 = arith.constant 0 : i32
      %dma_wait3A_514 = tpu.memref_slice %arg23[%dma_wait3A_512, %dma_wait3A_513] : memref<10112x64xf32, #tpu.memory_space<vmem_shared>> -> memref<10112x64xf32, #tpu.memory_space<vmem_shared>>
      tpu.wait_indirect_dma semaphore(%run_scoped3A : memref<!tpu.dma_semaphore, #tpu.memory_space<semaphore_mem>>) src(%arg20 : memref<32x64xf32, #tpu.memory_space<vmem>>) dst(%dma_wait3A_514 : memref<10112x64xf32, #tpu.memory_space<vmem_shared>>)
      tpu.yield
    }) : () -> ()
    %barrier3A_504 = arith.constant 0 : index
    tpu.barrier barrier_id(%barrier3A_504)
    %mul3A_505 = arith.constant 632 : i32
    %mul3A_506 = arith.muli %arg1, %mul3A_505 : i32
    %mul3A_507 = arith.constant 632 : i32
    %mul3A_508 = arith.muli %arg1, %mul3A_507 : i32
    "tpu.region"() ({
      %run_scoped3A = tpu.sem_alloc : memref<!tpu.dma_semaphore, #tpu.memory_space<semaphore_mem>>
      %dma_start3A_509 = arith.constant 0 : i32
      %dma_start3A_510 = tpu.memref_slice %arg6[%arg0, %mul3A_508, %dma_start3A_509] : memref<2x10112x64xf32, #tpu.memory_space<hbm>> -> memref<1x632x64xf32, #tpu.memory_space<hbm>>
      %dma_start3A_511 = tpu.memref_squeeze %dma_start3A_510 : memref<1x632x64xf32, #tpu.memory_space<hbm>> -> memref<632x64xf32, #tpu.memory_space<hbm>>
      %dma_start3A_512 = arith.constant 0 : i32
      %dma_start3A_513 = tpu.memref_slice %arg23[%mul3A_506, %dma_start3A_512] : memref<10112x64xf32, #tpu.memory_space<vmem_shared>> -> memref<632x64xf32, #tpu.memory_space<vmem_shared>>
      tpu.enqueue_dma source(%dma_start3A_513 : memref<632x64xf32, #tpu.memory_space<vmem_shared>>) target(%dma_start3A_511 : memref<632x64xf32, #tpu.memory_space<hbm>>) target_semaphore(%run_scoped3A : memref<!tpu.dma_semaphore, #tpu.memory_space<semaphore_mem>>)
      %dma_wait3A_514 = arith.constant 0 : i32
      %dma_wait3A_515 = tpu.memref_slice %arg6[%arg0, %mul3A_508, %dma_wait3A_514] : memref<2x10112x64xf32, #tpu.memory_space<hbm>> -> memref<1x632x64xf32, #tpu.memory_space<hbm>>
      %dma_wait3A_516 = tpu.memref_squeeze %dma_wait3A_515 : memref<1x632x64xf32, #tpu.memory_space<hbm>> -> memref<632x64xf32, #tpu.memory_space<hbm>>
      %dma_wait3A_517 = arith.constant 0 : i32
      %dma_wait3A_518 = tpu.memref_slice %arg23[%mul3A_506, %dma_wait3A_517] : memref<10112x64xf32, #tpu.memory_space<vmem_shared>> -> memref<632x64xf32, #tpu.memory_space<vmem_shared>>
      tpu.wait_dma2 semaphore(%run_scoped3A : memref<!tpu.dma_semaphore, #tpu.memory_space<semaphore_mem>>) src(%dma_wait3A_518 : memref<632x64xf32, #tpu.memory_space<vmem_shared>>) dst(%dma_wait3A_516 : memref<632x64xf32, #tpu.memory_space<hbm>>)
      tpu.yield
    }) : () -> ()
    return
  }
}

module attributes {stable_mosaic.version = 14 : i64} {
  func.func @_tc1b_body(%arg0: i32, %arg1: memref<1000x128xf32, #tpu.memory_space<vmem>>, %arg2: memref<1000x32xf32, #tpu.memory_space<vmem>>, %arg3: memref<2x1000x64xf32, #tpu.memory_space<vmem>>, %arg4: memref<1000x1xf32, #tpu.memory_space<vmem>>) attributes {dimension_semantics = [#tpu.dimension_semantics<arbitrary>], iteration_bounds = array<i64: 10>, scalar_prefetch = 0 : i64, scratch_operands = 0 : i64, tpu.core_type = #tpu.core_type<tc>, window_params = [{transform_indices = @transform_0, window_bounds = array<i64: 1000, 128>}, {transform_indices = @transform_1, window_bounds = array<i64: 1000, 32>}, {transform_indices = @transform_2, window_bounds = array<i64: 2, 1000, 64>}, {transform_indices = @transform_3, window_bounds = array<i64: 1000, 1>}]} {
    %get3A = arith.constant 0 : index
    %get3A_0 = arith.constant 0 : index
    %get3A_1 = vector.load %arg2[%get3A, %get3A_0] : memref<1000x32xf32, #tpu.memory_space<vmem>>, vector<1000x32xf32>
    %reduce_sum3A = arith.constant dense<0.000000e+00> : vector<1000xf32>
    %reduce_sum3A_2 = vector.multi_reduction <add>, %get3A_1, %reduce_sum3A [1] : vector<1000x32xf32> to vector<1000xf32>
    %add3A = arith.constant 1.000000e+00 : f32
    %add3A_3 = vector.broadcast %add3A : f32 to vector<1000xf32>
    %add3A_4 = arith.addf %reduce_sum3A_2, %add3A_3 : vector<1000xf32>
    %rsqrt3A = math.rsqrt %add3A_4 : vector<1000xf32>
    %broadcast_in_dim3A = vector.shape_cast %rsqrt3A : vector<1000xf32> to vector<1000x1xf32>
    %swap3A = arith.constant 0 : index
    %swap3A_5 = arith.constant 0 : index
    %swap3A_6 = vector.load %arg4[%swap3A, %swap3A_5] : memref<1000x1xf32, #tpu.memory_space<vmem>>, vector<1000x1xf32>
    tpu.vector_store %arg4[%swap3A, %swap3A_5], %broadcast_in_dim3A {strides = array<i32>} : memref<1000x1xf32, #tpu.memory_space<vmem>>, vector<1000x1xf32>,
    %get3A_7 = arith.constant 0 : index
    %get3A_8 = arith.constant 0 : index
    %get3A_9 = vector.load %arg1[%get3A_7, %get3A_8] : memref<1000x128xf32, #tpu.memory_space<vmem>>, vector<1000x128xf32>
    %broadcast_in_dim3A_10 = vector.shape_cast %rsqrt3A : vector<1000xf32> to vector<1000x1xf32>
    %mul3A = vector.broadcast %broadcast_in_dim3A_10 : vector<1000x1xf32> to vector<1000x128xf32>
    %mul3A_11 = arith.mulf %get3A_9, %mul3A : vector<1000x128xf32>
    %slice3A = vector.extract_strided_slice %mul3A_11 {offsets = [0, 0], sizes = [1000, 64], strides = [1, 1]} : vector<1000x128xf32> to vector<1000x64xf32>
    %swap3A_12 = arith.constant 0 : index
    %swap3A_13 = arith.constant 0 : index
    %swap3A_14 = arith.constant 0 : index
    %swap3A_15 = vector.load %arg3[%swap3A_12, %swap3A_13, %swap3A_14] : memref<2x1000x64xf32, #tpu.memory_space<vmem>>, vector<1x1000x64xf32>
    %swap3A_16 = vector.shape_cast %swap3A_15 : vector<1x1000x64xf32> to vector<1000x64xf32>
    %swap3A_17 = vector.shape_cast %slice3A : vector<1000x64xf32> to vector<1x1000x64xf32>
    tpu.vector_store %arg3[%swap3A_12, %swap3A_13, %swap3A_14], %swap3A_17 {strides = array<i32>} : memref<2x1000x64xf32, #tpu.memory_space<vmem>>, vector<1x1000x64xf32>,
    %slice3A_18 = vector.extract_strided_slice %mul3A_11 {offsets = [0, 64], sizes = [1000, 64], strides = [1, 1]} : vector<1000x128xf32> to vector<1000x64xf32>
    %swap3A_19 = arith.constant 1 : index
    %swap3A_20 = arith.constant 0 : index
    %swap3A_21 = arith.constant 0 : index
    %swap3A_22 = vector.load %arg3[%swap3A_19, %swap3A_20, %swap3A_21] : memref<2x1000x64xf32, #tpu.memory_space<vmem>>, vector<1x1000x64xf32>
    %swap3A_23 = vector.shape_cast %swap3A_22 : vector<1x1000x64xf32> to vector<1000x64xf32>
    %swap3A_24 = vector.shape_cast %slice3A_18 : vector<1000x64xf32> to vector<1x1000x64xf32>
    tpu.vector_store %arg3[%swap3A_19, %swap3A_20, %swap3A_21], %swap3A_24 {strides = array<i32>} : memref<2x1000x64xf32, #tpu.memory_space<vmem>>, vector<1x1000x64xf32>,
    return
  }
  func.func @transform_0(%arg0: i32) -> (i32, i32) {
    %c0_i32 = arith.constant 0 : i32
    %c0_i32_0 = arith.constant 0 : i32
    return %arg0, %c0_i32 : i32, i32
  }
  func.func @transform_1(%arg0: i32) -> (i32, i32) {
    %c0_i32 = arith.constant 0 : i32
    %c0_i32_0 = arith.constant 0 : i32
    return %arg0, %c0_i32 : i32, i32
  }
  func.func @transform_2(%arg0: i32) -> (i32, i32, i32) {
    %c0_i32 = arith.constant 0 : i32
    %c0_i32_0 = arith.constant 0 : i32
    %c0_i32_1 = arith.constant 0 : i32
    return %c0_i32, %arg0, %c0_i32_0 : i32, i32, i32
  }
  func.func @transform_3(%arg0: i32) -> (i32, i32) {
    %c0_i32 = arith.constant 0 : i32
    %c0_i32_0 = arith.constant 0 : i32
    return %arg0, %c0_i32 : i32, i32
  }
}

module attributes {stable_mosaic.version = 14 : i64} {
  func.func @_tc1a_body(%arg0: i32, %arg1: memref<1000x128xf32, #tpu.memory_space<vmem>>, %arg2: memref<128x128xf32, #tpu.memory_space<vmem>>, %arg3: memref<1000x128xf32, #tpu.memory_space<vmem>>) attributes {dimension_semantics = [#tpu.dimension_semantics<arbitrary>], iteration_bounds = array<i64: 10>, scalar_prefetch = 0 : i64, scratch_operands = 0 : i64, tpu.core_type = #tpu.core_type<tc>, window_params = [{transform_indices = @transform_0, window_bounds = array<i64: 1000, 128>}, {pipeline_mode = #tpu.pipeline_mode<synchronous>, transform_indices = @transform_1, window_bounds = array<i64: 128, 128>}, {transform_indices = @transform_2, window_bounds = array<i64: 1000, 128>}]} {
    %get3A = arith.constant 0 : index
    %get3A_0 = arith.constant 0 : index
    %get3A_1 = vector.load %arg1[%get3A, %get3A_0] : memref<1000x128xf32, #tpu.memory_space<vmem>>, vector<1000x128xf32>
    %get3A_2 = arith.constant 0 : index
    %get3A_3 = arith.constant 0 : index
    %get3A_4 = vector.load %arg2[%get3A_2, %get3A_3] : memref<128x128xf32, #tpu.memory_space<vmem>>, vector<128x128xf32>
    %dot_general3A = arith.constant dense<0.000000e+00> : vector<1000x128xf32>
    %dot_general3A_5 = tpu.matmul %get3A_1, %get3A_4, %dot_general3A {dimension_numbers = #tpu.dot_dimension_numbers<[1], [0], [0], [1], [0, 0, 1, 1], [], []>, transpose_lhs_hint = false} : vector<1000x128xf32>, vector<128x128xf32>, vector<1000x128xf32> -> vector<1000x128xf32>
    %swap3A = arith.constant 0 : index
    %swap3A_6 = arith.constant 0 : index
    %swap3A_7 = vector.load %arg3[%swap3A, %swap3A_6] : memref<1000x128xf32, #tpu.memory_space<vmem>>, vector<1000x128xf32>
    tpu.vector_store %arg3[%swap3A, %swap3A_6], %dot_general3A_5 {strides = array<i32>} : memref<1000x128xf32, #tpu.memory_space<vmem>>, vector<1000x128xf32>,
    return
  }
  func.func @transform_0(%arg0: i32) -> (i32, i32) {
    %c0_i32 = arith.constant 0 : i32
    %c0_i32_0 = arith.constant 0 : i32
    return %arg0, %c0_i32 : i32, i32
  }
  func.func @transform_1(%arg0: i32) -> (i32, i32) {
    %c0_i32 = arith.constant 0 : i32
    %c0_i32_0 = arith.constant 0 : i32
    %c0_i32_1 = arith.constant 0 : i32
    return %c0_i32, %c0_i32_0 : i32, i32
  }
  func.func @transform_2(%arg0: i32) -> (i32, i32) {
    %c0_i32 = arith.constant 0 : i32
    %c0_i32_0 = arith.constant 0 : i32
    return %arg0, %c0_i32 : i32, i32
  }
}

module attributes {stable_mosaic.version = 14 : i64} {
  func.func @_tc2_body(%arg0: i32, %arg1: memref<2x1000x64xf32, #tpu.memory_space<vmem>>, %arg2: memref<2x1000x64xf32, #tpu.memory_space<vmem>>, %arg3: memref<1000x1xf32, #tpu.memory_space<vmem>>, %arg4: memref<128xf32, #tpu.memory_space<vmem>>, %arg5: memref<128x1xf32, #tpu.memory_space<vmem>>, %arg6: memref<1xf32, #tpu.memory_space<vmem>>, %arg7: memref<1000x1xf32, #tpu.memory_space<vmem>>) attributes {dimension_semantics = [#tpu.dimension_semantics<arbitrary>], iteration_bounds = array<i64: 10>, scalar_prefetch = 0 : i64, scratch_operands = 0 : i64, tpu.core_type = #tpu.core_type<tc>, window_params = [{transform_indices = @transform_0, window_bounds = array<i64: 2, 1000, 64>}, {transform_indices = @transform_1, window_bounds = array<i64: 2, 1000, 64>}, {transform_indices = @transform_2, window_bounds = array<i64: 1000, 1>}, {pipeline_mode = #tpu.pipeline_mode<synchronous>, transform_indices = @transform_3, window_bounds = array<i64: 128>}, {pipeline_mode = #tpu.pipeline_mode<synchronous>, transform_indices = @transform_4, window_bounds = array<i64: 128, 1>}, {pipeline_mode = #tpu.pipeline_mode<synchronous>, transform_indices = @transform_5, window_bounds = array<i64: 1>}, {transform_indices = @transform_6, window_bounds = array<i64: 1000, 1>}]} {
    %get3A = arith.constant 0 : index
    %get3A_0 = arith.constant 0 : index
    %get3A_1 = arith.constant 0 : index
    %get3A_2 = vector.load %arg2[%get3A, %get3A_0, %get3A_1] : memref<2x1000x64xf32, #tpu.memory_space<vmem>>, vector<1x1000x64xf32>
    %get3A_3 = vector.shape_cast %get3A_2 : vector<1x1000x64xf32> to vector<1000x64xf32>
    %get3A_4 = arith.constant 1 : index
    %get3A_5 = arith.constant 0 : index
    %get3A_6 = arith.constant 0 : index
    %get3A_7 = vector.load %arg2[%get3A_4, %get3A_5, %get3A_6] : memref<2x1000x64xf32, #tpu.memory_space<vmem>>, vector<1x1000x64xf32>
    %get3A_8 = vector.shape_cast %get3A_7 : vector<1x1000x64xf32> to vector<1000x64xf32>
    %concatenate3A = tpu.concatenate %get3A_3, %get3A_8 in 1 : vector<1000x64xf32>, vector<1000x64xf32> -> vector<1000x128xf32>
    %get3A_9 = arith.constant 0 : index
    %get3A_10 = arith.constant 0 : index
    %get3A_11 = arith.constant 0 : index
    %get3A_12 = vector.load %arg1[%get3A_9, %get3A_10, %get3A_11] : memref<2x1000x64xf32, #tpu.memory_space<vmem>>, vector<1x1000x64xf32>
    %get3A_13 = vector.shape_cast %get3A_12 : vector<1x1000x64xf32> to vector<1000x64xf32>
    %get3A_14 = arith.constant 1 : index
    %get3A_15 = arith.constant 0 : index
    %get3A_16 = arith.constant 0 : index
    %get3A_17 = vector.load %arg1[%get3A_14, %get3A_15, %get3A_16] : memref<2x1000x64xf32, #tpu.memory_space<vmem>>, vector<1x1000x64xf32>
    %get3A_18 = vector.shape_cast %get3A_17 : vector<1x1000x64xf32> to vector<1000x64xf32>
    %concatenate3A_19 = tpu.concatenate %get3A_13, %get3A_18 in 1 : vector<1000x64xf32>, vector<1000x64xf32> -> vector<1000x128xf32>
    %add3A = arith.addf %concatenate3A_19, %concatenate3A : vector<1000x128xf32>
    %get3A_20 = arith.constant 0 : index
    %get3A_21 = arith.constant 0 : index
    %get3A_22 = vector.load %arg3[%get3A_20, %get3A_21] : memref<1000x1xf32, #tpu.memory_space<vmem>>, vector<1000x1xf32>
    %mul3A = vector.broadcast %get3A_22 : vector<1000x1xf32> to vector<1000x128xf32>
    %mul3A_23 = arith.mulf %add3A, %mul3A : vector<1000x128xf32>
    %get3A_24 = arith.constant 0 : index
    %get3A_25 = vector.load %arg4[%get3A_24] : memref<128xf32, #tpu.memory_space<vmem>>, vector<128xf32>
    %broadcast_in_dim3A = vector.shape_cast %get3A_25 : vector<128xf32> to vector<1x128xf32>
    %add3A_26 = vector.broadcast %broadcast_in_dim3A : vector<1x128xf32> to vector<1000x128xf32>
    %add3A_27 = arith.addf %mul3A_23, %add3A_26 : vector<1000x128xf32>
    %max3A = arith.constant 0.000000e+00 : f32
    %max3A_28 = vector.broadcast %max3A : f32 to vector<1000x128xf32>
    %max3A_29 = arith.maximumf %add3A_27, %max3A_28 : vector<1000x128xf32>
    %get3A_30 = arith.constant 0 : index
    %get3A_31 = arith.constant 0 : index
    %get3A_32 = vector.load %arg5[%get3A_30, %get3A_31] : memref<128x1xf32, #tpu.memory_space<vmem>>, vector<128x1xf32>
    %dot_general3A = arith.constant dense<0.000000e+00> : vector<1000x1xf32>
    %dot_general3A_33 = tpu.matmul %max3A_29, %get3A_32, %dot_general3A {dimension_numbers = #tpu.dot_dimension_numbers<[1], [0], [0], [1], [0, 0, 1, 1], [], []>, transpose_lhs_hint = false} : vector<1000x128xf32>, vector<128x1xf32>, vector<1000x1xf32> -> vector<1000x1xf32>
    %get3A_34 = arith.constant 0 : index
    %get3A_35 = vector.load %arg6[%get3A_34] : memref<1xf32, #tpu.memory_space<vmem>>, vector<1xf32>
    %broadcast_in_dim3A_36 = vector.shape_cast %get3A_35 : vector<1xf32> to vector<1x1xf32>
    %add3A_37 = vector.broadcast %broadcast_in_dim3A_36 : vector<1x1xf32> to vector<1000x1xf32>
    %add3A_38 = arith.addf %dot_general3A_33, %add3A_37 : vector<1000x1xf32>
    %neg3A = arith.constant 0.000000e+00 : f32
    %neg3A_39 = vector.broadcast %neg3A : f32 to vector<1000x1xf32>
    %neg3A_40 = arith.subf %neg3A_39, %add3A_38 : vector<1000x1xf32>
    %exp3A = math.exp %neg3A_40 : vector<1000x1xf32>
    %add3A_41 = arith.constant 1.000000e+00 : f32
    %add3A_42 = vector.broadcast %add3A_41 : f32 to vector<1000x1xf32>
    %add3A_43 = arith.addf %add3A_42, %exp3A : vector<1000x1xf32>
    %div3A = arith.constant 1.000000e+00 : f32
    %div3A_44 = vector.broadcast %div3A : f32 to vector<1000x1xf32>
    %div3A_45 = arith.divf %div3A_44, %add3A_43 : vector<1000x1xf32>
    %swap3A = arith.constant 0 : index
    %swap3A_46 = arith.constant 0 : index
    %swap3A_47 = vector.load %arg7[%swap3A, %swap3A_46] : memref<1000x1xf32, #tpu.memory_space<vmem>>, vector<1000x1xf32>
    tpu.vector_store %arg7[%swap3A, %swap3A_46], %div3A_45 {strides = array<i32>} : memref<1000x1xf32, #tpu.memory_space<vmem>>, vector<1000x1xf32>,
    return
  }
  func.func @transform_0(%arg0: i32) -> (i32, i32, i32) {
    %c0_i32 = arith.constant 0 : i32
    %c0_i32_0 = arith.constant 0 : i32
    %c0_i32_1 = arith.constant 0 : i32
    return %c0_i32, %arg0, %c0_i32_0 : i32, i32, i32
  }
  func.func @transform_1(%arg0: i32) -> (i32, i32, i32) {
    %c0_i32 = arith.constant 0 : i32
    %c0_i32_0 = arith.constant 0 : i32
    %c0_i32_1 = arith.constant 0 : i32
    return %c0_i32, %arg0, %c0_i32_0 : i32, i32, i32
  }
  func.func @transform_2(%arg0: i32) -> (i32, i32) {
    %c0_i32 = arith.constant 0 : i32
    %c0_i32_0 = arith.constant 0 : i32
    return %arg0, %c0_i32 : i32, i32
  }
  func.func @transform_3(%arg0: i32) -> i32 {
    %c0_i32 = arith.constant 0 : i32
    %c0_i32_0 = arith.constant 0 : i32
    return %c0_i32 : i32
  }
  func.func @transform_4(%arg0: i32) -> (i32, i32) {
    %c0_i32 = arith.constant 0 : i32
    %c0_i32_0 = arith.constant 0 : i32
    %c0_i32_1 = arith.constant 0 : i32
    return %c0_i32, %c0_i32_0 : i32, i32
  }
  func.func @transform_5(%arg0: i32) -> i32 {
    %c0_i32 = arith.constant 0 : i32
    %c0_i32_0 = arith.constant 0 : i32
    return %c0_i32 : i32
  }
  func.func @transform_6(%arg0: i32) -> (i32, i32) {
    %c0_i32 = arith.constant 0 : i32
    %c0_i32_0 = arith.constant 0 : i32
    return %arg0, %c0_i32 : i32, i32
  }
}

</mosaic_0001>

<sc_bundles>
// kernel: kernel.10.cloned.1.call-start
scs
__scs_entry_jumppad:
0x0: {  	(pc) =	sbr.rel $0x88, $3  }
0x1: {  	(tag) =	ssettag $0x0;
	lr =	simm.s32 $0x1  }
0x2: {  	[smem:$0x3F9B] =	sst lr;
	_ =	strace $0xD0000000  }
0x3: {  	_ = 	snop  }
0x4: {  	_ = 	snop  }
0x5: {  	_ = 	snop  }
0x6: {  	_ = 	snop  }
0x7: {  	_ = 	snop  }
__scs_overlays_trampoline_lowered:
0x8: {  	[smem:$0x3FAA] =	sst s0  }
0x9: {  	[smem:$0x3FAB] =	sst s1  }
0xa: {  	[smem:$0x3FAC] =	sst s2  }
0xb: {  	[smem:$0x3FAD] =	sst s3  }
0xc: {  	[smem:$0x3FAE] =	sst s4  }
0xd: {  	[smem:$0x3FAF] =	sst s5  }
0xe: {  	[smem:$0x3FB0] =	sst s6  }
0xf: {  	[smem:$0x3FB1] =	sst s7  }
0x10: {  	[smem:$0x3FB2] =	sst s8  }
0x11: {  	[smem:$0x3FB3] =	sst s9;
	s0 =	simm.s32 @!p0 $0x0  }
0x12: {  	s1 =	sld [smem:$0x3F99];
	s0 =	simm.s32 @p0 $0x1  }
0x13: {  	[smem:$0x3FB4] =	sst s0;
	s0 =	simm.s32 @!p1 $0x0  }
0x14: {  	s2 =	sld [smem:$0x3F98];
	s0 =	simm.s32 @p1 $0x1  }
0x15: {  	[smem:$0x3FB5] =	sst s0;
	s0 =	simm.s32 @!p2 $0x0  }
0x16: {  	s3 =	sld [smem:$0x3FDB];
	s0 =	simm.s32 @p2 $0x1  }
0x17: {  	s4 =	simm.s32 $0x1BF5;
	[smem:$0x3FB7] =	sst s0  }
0x18: {  	s0 =	sld [smem:$0x3F9A];
	_ =	swait.ge [sflag:s4], $0x0  }
0x19: {  	s7 =	sld [smem:$0x3F9B]  }
0x1a: {  	s8 =	sadd.s32 $0xFFFFE003, lr  }
0x1b: {  	s9 =	sadd.s32 $0xFFFFFEF7, lr;
	s5 =	simm.s32 $0xFFFFFFFF;
	p2 =	slt.u32 s8, $0xFFFFF086  }
0x1c: {  	p1 =	slt.u32 s9, $0xF7A;
	s5 =	simm.s32 @!p2 $0x0  }
0x1d: {  	s5 =	simm.s32 @p1 $0x1;
	p0 =	seq.s32 s7, s2  }
0x1e: {  	s7 =	smul.u32 @!p0 $0xF7A, s2;
	p2 =	seq.s32 @!p0 s5, $0x0  }
0x1f: {  	s9 =	smul.u32 $0xF7A, s1;
	s8 =	simm.s32 @!p0 $0x1BF5;
	p2 =	por !p2, p0  }
0x20: {  	[sflag:s8] =	ssyncset.s32 @!p0 $0xFFFFF086;
	s6 =	sadd.s32 @!p0 s3, s7;
	s7 =	simm.s32 @!p0 $0x108  }
0x21: {  	s3 =	sadd.s32 s3, s9;
	s6 =	sadd.s32 @!p0 $0x88, s6;
	s7 =	simm.s32 @p2 $0x1082  }
0x22: {  	[simem:s7], [sflag:s8] =	dma.local @!p0 [hbm:s6], $0xF7A  }
0x23: {  	s9 =	sor.u32 $0xD0000000, s2;
	s6 =	simm.s32 $0x108;
	_ =	swait.ge @!p0 [sflag:s8], $0x0  }
0x24: {  	s3 =	sadd.s32 $0x88, s3;
	s6 =	simm.s32 @!p1 $0x1082;
	[sflag:s4] =	ssyncset.s32 $0xFFFFF086  }
0x25: {  	[simem:s6], [sflag:s4] =	dma.local [hbm:s3], $0xF7A  }
0x26: {  	[smem:$0x3F9B] =	sst s1;
	(tag) =	ssettag s2;
	_ =	strace s9  }
0x27: {  	s1 =	sld [smem:$0x3FAB]  }
0x28: {  	s2 =	sld [smem:$0x3FAC]  }
0x29: {  	s4 =	sld [smem:$0x3FAE]  }
0x2a: {  	p0 =	seq.s32 s5, $0x0;
	s5 =	sld [smem:$0x3FAF]  }
0x2b: {  	s6 =	sld [smem:$0x3FB0]  }
0x2c: {  	s7 =	sld [smem:$0x3FB1]  }
0x2d: {  	s3 =	simm.s32 $0x108;
	s8 =	sld [smem:$0x3FB2]  }
0x2e: {  	s3 =	simm.s32 @!p0 $0x1082;
	s9 =	sld [smem:$0x3FB3]  }
0x2f: {  	lr =	sadd.s32 s0, s3;
	s0 =	sld [smem:$0x3FAA]  }
0x30: {  	s3 =	sld [smem:$0x3FAD]  }
0x31: {  	[smem:$0x3FB6] =	sst s10  }
0x32: {  	s10 =	sld [smem:$0x3FB4];
	_ =	sdelay $0x3  }
0x33: {  	p0 =	seq.s32 s10, $0x1;
	s10 =	sld [smem:$0x3FB6];
	_ =	sdelay $0x3  }
0x34: {  	[smem:$0x3FB6] =	sst s10  }
0x35: {  	s10 =	sld [smem:$0x3FB5];
	_ =	sdelay $0x3  }
0x36: {  	p1 =	seq.s32 s10, $0x1;
	s10 =	sld [smem:$0x3FB6];
	_ =	sdelay $0x3  }
0x37: {  	[smem:$0x3FB6] =	sst s10  }
0x38: {  	s10 =	sld [smem:$0x3FB7]  }
0x39: {  	_ = 	snop;
	(pc) =	sbr.ind lr, $3  }
0x3a: {  	_ = 	snop  }
0x3b: {  	_ = 	snop  }
0x3c: {  	p2 =	seq.s32 s10, $0x1;
	s10 =	sld [smem:$0x3FB6]  }
0x3d: {  	_ =	shalt  }
0x3e: {  	_ =	shalt  }
0x3f: {  	_ =	shalt  }
0x40: {  	_ =	shalt  }
0x41: {  	_ =	shalt  }
0x42: {  	_ =	shalt  }
0x43: {  	_ =	shalt  }
0x44: {  	_ =	shalt  }
0x45: {  	_ =	shalt  }
0x46: {  	_ =	shalt  }
0x47: {  	_ =	shalt  }
0x48: {  	_ =	shalt  }
0x49: {  	_ =	shalt  }
0x4a: {  	_ =	shalt  }
0x4b: {  	_ =	shalt  }
0x4c: {  	_ =	shalt  }
0x4d: {  	_ =	shalt  }
0x4e: {  	_ =	shalt  }
0x4f: {  	_ =	shalt  }
0x50: {  	_ =	shalt  }
0x51: {  	_ =	shalt  }
0x52: {  	_ =	shalt  }
0x53: {  	_ =	shalt  }
0x54: {  	_ =	shalt  }
0x55: {  	_ =	shalt  }
0x56: {  	_ =	shalt  }
0x57: {  	_ =	shalt  }
0x58: {  	_ =	shalt  }
0x59: {  	_ =	shalt  }
0x5a: {  	_ =	shalt  }
0x5b: {  	_ =	shalt  }
0x5c: {  	_ =	shalt  }
0x5d: {  	_ =	shalt  }
0x5e: {  	_ =	shalt  }
0x5f: {  	_ =	shalt  }
0x60: {  	_ =	shalt  }
0x61: {  	_ =	shalt  }
0x62: {  	_ =	shalt  }
0x63: {  	_ =	shalt  }
0x64: {  	_ =	shalt  }
0x65: {  	_ =	shalt  }
0x66: {  	_ =	shalt  }
0x67: {  	_ =	shalt  }
0x68: {  	_ =	shalt  }
0x69: {  	_ =	shalt  }
0x6a: {  	_ =	shalt  }
0x6b: {  	_ =	shalt  }
0x6c: {  	_ =	shalt  }
0x6d: {  	_ =	shalt  }
0x6e: {  	_ =	shalt  }
0x6f: {  	_ =	shalt  }
0x70: {  	_ =	shalt  }
0x71: {  	_ =	shalt  }
0x72: {  	_ =	shalt  }
0x73: {  	_ =	shalt  }
0x74: {  	_ =	shalt  }
0x75: {  	_ =	shalt  }
0x76: {  	_ =	shalt  }
0x77: {  	_ =	shalt  }
0x78: {  	_ =	shalt  }
0x79: {  	_ =	shalt  }
0x7a: {  	_ =	shalt  }
0x7b: {  	_ =	shalt  }
0x7c: {  	_ =	shalt  }
0x7d: {  	_ =	shalt  }
0x7e: {  	_ =	shalt  }
0x7f: {  	_ =	shalt  }
0x80: {  	_ =	shalt  }
0x81: {  	_ =	shalt  }
0x82: {  	_ =	shalt  }
0x83: {  	_ =	shalt  }
0x84: {  	_ =	shalt  }
0x85: {  	_ =	shalt  }
0x86: {  	_ =	shalt  }
0x87: {  	_ =	shalt  }
.Lfunc_end0:
.L_simem_size_0:
called_computation.1_lowered:
.L_overlay_start_0:
0x88: {  	s2 =	sld [smem:$0x3FD9]  }
0x89: {  	s3 =	sld [smem:$0x3FFE];
	_ =	sdelay $0x1  }
0x8a: {  	s1 =	srdreg.scid  }
0x8b: {  	s0 =	sand.u32 $0x1, s1  }
0x8c: {  	s16 =	sshll.u32 s0, $0xA;
	s2 =	sadd.s32 s3, s2  }
0x8d: {  	s2 =	sadd.s32 s2, s16  }
0x8e: {  	[smem:$0x3FC2] =	sst s2  }
0x8f: {  	_ = 	snop  }
0x90: {  	(tm) =	ssettm $0x1  }
0x91: {  	s17 =	sld [smem:$0x3FFB];
	_ =	sdelay $0x3  }
0x92: {  	_ =	strace s17  }
0x93: {  	s2 =	sld [smem:$0x3FFC];
	_ =	sdelay $0x3  }
0x94: {  	_ =	strace s2  }
0x95: {  	s2 =	sld [smem:$0x3FFD];
	_ =	sdelay $0x3  }
0x96: {  	_ =	strace s2  }
0x97: {  	_ =	strace $0x8FFFFFFF  }
0x98: {  	s18 =	sld [smem:$0x3FDB];
	_ =	sdelay $0x1  }
0x99: {  	s19 =	simm.s32 $_scs_section_size  }
0x9a: {  	s4 =	simm.s32 $_size__tile_overlayer_lowered;
	s5 =	simm.s32 $_tile_overlayer_lowered  }
0x9b: {  	s22 =	simm.s32 $0x1BFF;
	s21 =	sshll.u32 s5, $0x1;
	s2 =	sadd.s32 s19, s18  }
0x9c: {  	s6 =	simm.s32 $0x0;
	s20 =	sshll.u32 s4, $0x1;
	s4 =	sadd.s32 s21, s2  }
0x9d: {  	[timem:s6], [sflag:s22] =	dma.local [hbm:s4], s20  }
0x9e: {  	_ =	swait.ge [sflag:s22], s20  }
0x9f: {  	s3 =	ssub.s32 $0x0, s20;
	[sflag:s22] =	ssyncset.done $0x0  }
0xa0: {  	[sflag:s22] =	ssyncadd.s32 s3;
	_ =	sdelay $0x1  }
0xa1: {  	s23 =	simm.s32 $0x1B8B  }
0xa2: {  	_ =	swait.ge [sflag:s23], $0x1  }
0xa3: {  	[sflag:s23] =	ssyncset.done $0x0  }
0xa4: {  	s25 =	simm.s32 $0x1B8E;
	s24 =	sld [smem:$0x3FFE];
	[sflag:s23] =	ssyncadd.s32 $0xFFFFFFFF  }
0xa5: {  	s26 =	simm.s32 $execute0_lowered;
	[smem:$0x3FD2] =	sst s25  }
0xa6: {  	s4 =	sshll.u32 s26, $0x1;
	_ =	strace $0x80000049;
	[dreg:$0x1] =	wrdreg $0xFFFFFFFF  }
0xa7: {  	s28 =	simm.s32 $_size_execute0_lowered;
	s2 =	sadd.s32 s2, s4;
	[dreg:$0x0] =	wrdreg $0x0  }
0xa8: {  	s4 =	sshll.u32 s28, $0x1;
	[dreg:$0x2] =	wrdreg s2  }
0xa9: {  	[dreg:$0x3] =	wrdreg s4  }
0xaa: {  	[dreg:$0x4] =	wrdreg $0xC0  }
0xab: {  	_ =	task [dreg:s6], $0x5FFFF  }
0xac: {  	[dreg:$0x1] =	wrdreg $0xFFFFFFFF  }
0xad: {  	[dreg:$0x0] =	wrdreg $0x60  }
0xae: {  	[dreg:$0x2] =	wrdreg s24  }
0xaf: {  	[dreg:$0x3] =	wrdreg $0x147800  }
0xb0: {  	[dreg:$0x4] =	wrdreg $0x9  }
0xb1: {  	_ =	task.clear_ibuf [dreg:s6], $0x5FFFF;
	_ =	strace $0x90000049  }
0xb2: {  	s29 =	simm.s32 $0x9;
	_ =	strace $0x8000004B  }
0xb3: {  	_ =	swait.ge [sflag:s29], $0x1  }
0xb4: {  	[sflag:s29] =	ssyncadd.s32 $0xFFFFFFFF  }
0xb5: {  	_ =	strace $0x9000004B  }
0xb6: {  	_ =	sfence  }
0xb7: {  	s30 =	sld [smem:$0x0];
	_ =	sdelay $0x2  }
0xb8: {  	s31 =	sshll.u32 s1, $0xD;
	s1 =	sshrl.u32 s1, $0x2  }
0xb9: {  	s3 =	sand.u32 $0x4000, s31;
	s1 =	sadd.s32 s1, s30  }
0xba: {  	s0 =	sor.u32 s3, s0;
	s1 =	sshll.u32 s1, $0x11  }
0xbb: {  	s0 =	sor.u32 s1, s0  }
0xbc: {  	s0 =	sadd.s32 $0x8F2B, s0  }
0xbd: {  	[sflag:s0] =	ssyncadd.remote.s32 $0x1  }
0xbe: {  	_ =	sfence.sel $0xFFFF  }
0xbf: {  	[dreg:$0x0] =	wrdreg $0xFFFFFFFF;
	(pc) =	sbr.abs _section_cstart, $3  }
0xc0: {  	[dreg:$0x1] =	wrdreg $0xFFFFFFFF  }
0xc1: {  	_ =	task.clear_ibuf [dreg:s6], $0x2FFFF;
	_ =	strace $0x9FFFFFFF  }
0xc2: {  	(tm) =	ssettm $0x7FFFFFFF  }
0xc3: {  	_ =	shalt  }
tec
execute0_lowered:
.L_overlay_start_1:
0x0: {  	(tag) =	ssettag $0x1  }
0x1: {  	s0 =	srdreg.scid;
	s1 =	rddreg [dreg:$0x0]  }
0x2: {  	s7 =	stileid.u32;
	s2 =	rddreg [dreg:$0x1]  }
0x3: {  	s6 =	simm.s32 $0x0;
	s12 =	simm.s32 $0x6;
	s14 =	simm.s32 $0x80  }
0x4: {  	s15 =	simm.s32 $0x13CC0;
	s16 =	simm.s32 $0x9CC0;
	s17 =	simm.s32 $0x13D40  }
0x5: {  	s18 =	simm.s32 $0xBCC0;
	s19 =	simm.s32 $0x13DC0;
	s20 =	simm.s32 $0xDCC0  }
0x6: {  	s21 =	simm.s32 $0x1;
	s22 =	simm.s32 $0x9C40;
	s23 =	simm.s32 $0x13E40  }
0x7: {  	s24 =	simm.s32 $0xFCC0;
	s28 =	simm.s32 $0x11CC0;
	s29 =	simm.s32 $0x3  }
0x8: {  	s30 =	simm.s32 $0x4;
	s31 =	simm.s32 $0x5;
	s4 =	smul.u32 $0x9C4, s7  }
0x9: {  	s13 =	simm.s32 $0x13F40;
	s0 =	sand.u32 $0x1, s0;
	s5 =	smul.u32 $0x9E00, s7  }
0xa: {  	[smem:$0x7FF] =	sst s6;
	s8 =	sadd.s32 $0x8AC00, s1;
	s3 =	smul.u32 $0x13880, s0  }
0xb: {  	s7 =	sshll.u32 s7, $0x6;
	s25 =	smul.u32 $0x9E000, s0;
	_ =	strace $0x8000004A  }
0xc: {  	[dreg:$0x3] =	wrdreg s8;
	s0 =	ssub.s32 $0x2, s0;
	s4 =	sadd.s32 s4, s1  }
0xd: {  	s26 =	sshrl.u32 s0, $0x1;
	s11 =	sadd.s32 s5, s2;
	s3 =	sadd.s32 s3, s1  }
0xe: {  	s6 =	sadd.s32 s5, s25;
	s0 =	ssub.s32 s0, s26;
	s5 =	sor.u32 $0x1C06, s7  }
0xf: {  	s7 =	sadd.s32 $0xBA00, s4;
	s11 =	sshrl.u32 s11, $0x3;
	s25 =	simm.s32 $0x2  }
0x10: {  	s26 =	simm.s32 $0x13EC0;
	s6 =	sshrl.u32 s6, $0x3;
	s8 =	sadd.s32 $0x63A00, s3  }
0x11: {  	s10 =	smax.u32 s0, $0x1;
	s0 =	simm.s32 $0x0;
	s1 =	sadd.s32 s6, s1  }
0x12: {  	s6 =	sadd.s32 $0x1C00, s4;
	s9 =	sadd.s32 $0x8C000, s1;
	s1 =	simm.s32 $0x20  }
.LBB2_1:
0x13: {  	s3 =	rddreg [dreg:$0x3]  }
0x14: {  	[spmem:s11], [sflag:s5] =	dma.local [hbm:s3], $0x13C0  }
0x15: {  	_ =	swait.ge [sflag:s12], $0x13C0  }
0x16: {  	[sflag:s12] =	ssyncset.done $0x0  }
0x17: {  	s3 =	simm.s32 $0x0;
	[sflag:s12] =	ssyncadd.s32 $0xFFFFEC40  }
0x18: {  	[tilespmem:s3], [sflag:$0x6] =	stream.linear.gather [hbm4b:s6+s3], $0x4E20, $0x38;
	[tilespmem:$0x1E580] =	vst v63  }
0x19: {  	_ =	swait.ge [sflag:s12], $0x4E20  }
0x1a: {  	[sflag:s12] =	ssyncset.done $0x0  }
0x1b: {  	s4 =	simm.s32 $0x4E20;
	[sflag:s12] =	ssyncadd.s32 $0xFFFFB1E0  }
0x1c: {  	[tilespmem:s4], [sflag:$0x6] =	stream.linear.gather [hbm4b:s7+s3], $0x4E20, $0x38;
	[tilespmem:$0x1E580] =	vst v63  }
0x1d: {  	_ =	swait.ge [sflag:s12], $0x4E20  }
0x1e: {  	[sflag:s12] =	ssyncset.done $0x0  }
0x1f: {  	[sflag:s12] =	ssyncadd.s32 $0xFFFFB1E0  }
0x20: {  	[bflag:$0x0] =	sbarrier.arrive $0xFFFF  }
0x21: {  	v0 =	vld [tilespmem:$0x0]  }
0x22: {  	v1 =	vld [tilespmem:$0x10]  }
0x23: {  	v2 =	vld [tilespmem:$0x20]  }
0x24: {  	v3 =	vld [tilespmem:$0x30]  }
0x25: {  	v4 =	vld [tilespmem:$0x40]  }
0x26: {  	v45 =	vld [tilespmem:$0x50];
	[tilespmem:$0x13CC0] =	vst v0  }
0x27: {  	v46 =	vld [tilespmem:$0x60];
	[tilespmem:$0x13CD0] =	vst v1  }
0x28: {  	v47 =	vld [tilespmem:$0x70];
	[tilespmem:$0x13CE0] =	vst v2  }
0x29: {  	[tilespmem:$0x13CF0] =	vst v3  }
0x2a: {  	[tilespmem:$0x13D00] =	vst v4  }
0x2b: {  	[tilespmem:$0x13D10] =	vst v45  }
0x2c: {  	[tilespmem:$0x13D20] =	vst v46  }
0x2d: {  	[tilespmem:$0x13D30] =	vst v47  }
0x2e: {  	[tilespmem:s16], [sflag:$0x1] =	stream.indirect.gather [hbm4b:s8+s14], $0x40, s15, s14, $0xb8;
	[tilespmem:$0x1E580] =	vst v63  }
0x2f: {  	v48 =	vld [tilespmem:$0x80]  }
0x30: {  	v49 =	vld [tilespmem:$0x90]  }
0x31: {  	v50 =	vld [tilespmem:$0xA0]  }
0x32: {  	v51 =	vld [tilespmem:$0xB0]  }
0x33: {  	v52 =	vld [tilespmem:$0xC0]  }
0x34: {  	v53 =	vld [tilespmem:$0xD0];
	[tilespmem:$0x13D40] =	vst v48  }
0x35: {  	v54 =	vld [tilespmem:$0xE0];
	[tilespmem:$0x13D50] =	vst v49  }
0x36: {  	v55 =	vld [tilespmem:$0xF0];
	[tilespmem:$0x13D60] =	vst v50  }
0x37: {  	[tilespmem:$0x13D70] =	vst v51  }
0x38: {  	[tilespmem:$0x13D80] =	vst v52  }
0x39: {  	[tilespmem:$0x13D90] =	vst v53  }
0x3a: {  	[tilespmem:$0x13DA0] =	vst v54  }
0x3b: {  	[tilespmem:$0x13DB0] =	vst v55  }
0x3c: {  	[tilespmem:s18], [sflag:$0x2] =	stream.indirect.gather [hbm4b:s8+s14], $0x40, s17, s14, $0xb8;
	[tilespmem:$0x1E580] =	vst v63  }
0x3d: {  	v56 =	vld [tilespmem:$0x100]  }
0x3e: {  	v57 =	vld [tilespmem:$0x110]  }
0x3f: {  	v58 =	vld [tilespmem:$0x120]  }
0x40: {  	v59 =	vld [tilespmem:$0x130]  }
0x41: {  	v60 =	vld [tilespmem:$0x140]  }
0x42: {  	v61 =	vld [tilespmem:$0x150];
	[tilespmem:$0x13DC0] =	vst v56  }
0x43: {  	v62 =	vld [tilespmem:$0x160];
	[tilespmem:$0x13DD0] =	vst v57  }
0x44: {  	v63 =	vld [tilespmem:$0x170];
	[tilespmem:$0x13DE0] =	vst v58  }
0x45: {  	[tilespmem:$0x13DF0] =	vst v59  }
0x46: {  	[tilespmem:$0x13E00] =	vst v60  }
0x47: {  	[tilespmem:$0x13E10] =	vst v61  }
0x48: {  	[tilespmem:$0x13E20] =	vst v62  }
0x49: {  	s3 =	simm.s32 $0x0;
	[tilespmem:$0x13E30] =	vst v63  }
0x4a: {  	[tilespmem:s20], [sflag:$0x3] =	stream.indirect.gather [hbm4b:s8+s14], $0x40, s19, s14, $0xb8;
	[tilespmem:$0x1E580] =	vst v63  }
.LBB2_2:
0x4b: {  	_ =	swait.ge [sflag:s21], $0x2000  }
0x4c: {  	[sflag:s21] =	ssyncset.done $0x0  }
0x4d: {  	s4 =	sshra.s32 s3, $0x2;
	[sflag:s21] =	ssyncadd.s32 $0xFFFFE000  }
0x4e: {  	v0 =	vld [tilespmem:s4+$0x4E20];
	_ =	sdelay $0x4  }
0x4f: {  	[tilespmem:$0x9C40] =	vst v0  }
0x50: {  	v0 =	vld [tilespmem:s4+$0x4E30];
	_ =	sdelay $0x4  }
0x51: {  	[tilespmem:$0x9C50] =	vst v0  }
0x52: {  	v0 =	vld [tilespmem:s4+$0x4E40];
	_ =	sdelay $0x4  }
0x53: {  	[tilespmem:$0x9C60] =	vst v0  }
0x54: {  	v0 =	vld [tilespmem:s4+$0x4E50];
	_ =	sdelay $0x4  }
0x55: {  	[tilespmem:$0x9C70] =	vst v0  }
0x56: {  	v0 =	vld [tilespmem:s4+$0x4E60];
	_ =	sdelay $0x4  }
0x57: {  	[tilespmem:$0x9C80] =	vst v0  }
0x58: {  	v0 =	vld [tilespmem:s4+$0x4E70];
	_ =	sdelay $0x4  }
0x59: {  	[tilespmem:$0x9C90] =	vst v0  }
0x5a: {  	v0 =	vld [tilespmem:s4+$0x4E80];
	_ =	sdelay $0x4  }
0x5b: {  	[tilespmem:$0x9CA0] =	vst v0  }
0x5c: {  	v0 =	vld [tilespmem:s4+$0x4E90];
	_ =	sdelay $0x4  }
0x5d: {  	[tilespmem:$0x9CB0] =	vst v0  }
0x5e: {  	[spmem:s2] =	stream.indirect.scatter.add.f32 [tilespmem:s16], [sflag:$0x6], $0x40, s22, s14, $0xb8;
	[tilespmem:$0x1E580] =	vst v63  }
0x5f: {  	_ =	swait.ge [sflag:s12], $0x2000  }
0x60: {  	[sflag:s12] =	ssyncset.done $0x0  }
0x61: {  	[sflag:s12] =	ssyncadd.s32 $0xFFFFE000  }
0x62: {  	v55 =	vld [tilespmem:s4+$0x180];
	_ =	sdelay $0x4  }
0x63: {  	[tilespmem:$0x13E40] =	vst v55  }
0x64: {  	v0 =	vld [tilespmem:s4+$0x190];
	_ =	sdelay $0x4  }
0x65: {  	[tilespmem:$0x13E50] =	vst v0  }
0x66: {  	v0 =	vld [tilespmem:s4+$0x1A0];
	_ =	sdelay $0x4  }
0x67: {  	[tilespmem:$0x13E60] =	vst v0  }
0x68: {  	v0 =	vld [tilespmem:s4+$0x1B0];
	_ =	sdelay $0x4  }
0x69: {  	[tilespmem:$0x13E70] =	vst v0  }
0x6a: {  	v0 =	vld [tilespmem:s4+$0x1C0];
	_ =	sdelay $0x4  }
0x6b: {  	[tilespmem:$0x13E80] =	vst v0  }
0x6c: {  	v0 =	vld [tilespmem:s4+$0x1D0];
	_ =	sdelay $0x4  }
0x6d: {  	[tilespmem:$0x13E90] =	vst v0  }
0x6e: {  	v0 =	vld [tilespmem:s4+$0x1E0];
	_ =	sdelay $0x4  }
0x6f: {  	[tilespmem:$0x13EA0] =	vst v0  }
0x70: {  	v0 =	vld [tilespmem:s4+$0x1F0];
	_ =	sdelay $0x4  }
0x71: {  	[tilespmem:$0x13EB0] =	vst v0  }
0x72: {  	[tilespmem:s24], [sflag:$0x4] =	stream.indirect.gather [hbm4b:s8+s14], $0x40, s23, s14, $0xb8;
	[tilespmem:$0x1E580] =	vst v63  }
0x73: {  	_ =	swait.ge [sflag:s25], $0x2000  }
0x74: {  	[sflag:s25] =	ssyncset.done $0x0  }
0x75: {  	[sflag:s25] =	ssyncadd.s32 $0xFFFFE000  }
0x76: {  	v56 =	vld [tilespmem:s4+$0x4EA0];
	_ =	sdelay $0x4  }
0x77: {  	[tilespmem:$0x9C40] =	vst v56  }
0x78: {  	v0 =	vld [tilespmem:s4+$0x4EB0];
	_ =	sdelay $0x4  }
0x79: {  	[tilespmem:$0x9C50] =	vst v0  }
0x7a: {  	v0 =	vld [tilespmem:s4+$0x4EC0];
	_ =	sdelay $0x4  }
0x7b: {  	[tilespmem:$0x9C60] =	vst v0  }
0x7c: {  	v0 =	vld [tilespmem:s4+$0x4ED0];
	_ =	sdelay $0x4  }
0x7d: {  	[tilespmem:$0x9C70] =	vst v0  }
0x7e: {  	v0 =	vld [tilespmem:s4+$0x4EE0];
	_ =	sdelay $0x4  }
0x7f: {  	[tilespmem:$0x9C80] =	vst v0  }
0x80: {  	v0 =	vld [tilespmem:s4+$0x4EF0];
	_ =	sdelay $0x4  }
0x81: {  	[tilespmem:$0x9C90] =	vst v0  }
0x82: {  	v0 =	vld [tilespmem:s4+$0x4F00];
	_ =	sdelay $0x4  }
0x83: {  	[tilespmem:$0x9CA0] =	vst v0  }
0x84: {  	v0 =	vld [tilespmem:s4+$0x4F10];
	_ =	sdelay $0x4  }
0x85: {  	[tilespmem:$0x9CB0] =	vst v0  }
0x86: {  	[spmem:s2] =	stream.indirect.scatter.add.f32 [tilespmem:s18], [sflag:$0x6], $0x40, s22, s14, $0xb8;
	[tilespmem:$0x1E580] =	vst v63  }
0x87: {  	_ =	swait.ge [sflag:s12], $0x2000  }
0x88: {  	[sflag:s12] =	ssyncset.done $0x0  }
0x89: {  	[sflag:s12] =	ssyncadd.s32 $0xFFFFE000  }
0x8a: {  	v57 =	vld [tilespmem:s4+$0x200];
	_ =	sdelay $0x4  }
0x8b: {  	[tilespmem:$0x13EC0] =	vst v57  }
0x8c: {  	v0 =	vld [tilespmem:s4+$0x210];
	_ =	sdelay $0x4  }
0x8d: {  	[tilespmem:$0x13ED0] =	vst v0  }
0x8e: {  	v0 =	vld [tilespmem:s4+$0x220];
	_ =	sdelay $0x4  }
0x8f: {  	[tilespmem:$0x13EE0] =	vst v0  }
0x90: {  	v0 =	vld [tilespmem:s4+$0x230];
	_ =	sdelay $0x4  }
0x91: {  	[tilespmem:$0x13EF0] =	vst v0  }
0x92: {  	v0 =	vld [tilespmem:s4+$0x240];
	_ =	sdelay $0x4  }
0x93: {  	[tilespmem:$0x13F00] =	vst v0  }
0x94: {  	v0 =	vld [tilespmem:s4+$0x250];
	_ =	sdelay $0x4  }
0x95: {  	[tilespmem:$0x13F10] =	vst v0  }
0x96: {  	v0 =	vld [tilespmem:s4+$0x260];
	_ =	sdelay $0x4  }
0x97: {  	[tilespmem:$0x13F20] =	vst v0  }
0x98: {  	v0 =	vld [tilespmem:s4+$0x270];
	_ =	sdelay $0x4  }
0x99: {  	[tilespmem:$0x13F30] =	vst v0  }
0x9a: {  	[tilespmem:s28], [sflag:$0x5] =	stream.indirect.gather [hbm4b:s8+s14], $0x40, s26, s14, $0xb8;
	[tilespmem:$0x1E580] =	vst v63  }
0x9b: {  	_ =	swait.ge [sflag:s29], $0x2000  }
0x9c: {  	[sflag:s29] =	ssyncset.done $0x0  }
0x9d: {  	[sflag:s29] =	ssyncadd.s32 $0xFFFFE000  }
0x9e: {  	v58 =	vld [tilespmem:s4+$0x4F20];
	_ =	sdelay $0x4  }
0x9f: {  	[tilespmem:$0x9C40] =	vst v58  }
0xa0: {  	v0 =	vld [tilespmem:s4+$0x4F30];
	_ =	sdelay $0x4  }
0xa1: {  	[tilespmem:$0x9C50] =	vst v0  }
0xa2: {  	v0 =	vld [tilespmem:s4+$0x4F40];
	_ =	sdelay $0x4  }
0xa3: {  	[tilespmem:$0x9C60] =	vst v0  }
0xa4: {  	v0 =	vld [tilespmem:s4+$0x4F50];
	_ =	sdelay $0x4  }
0xa5: {  	[tilespmem:$0x9C70] =	vst v0  }
0xa6: {  	v0 =	vld [tilespmem:s4+$0x4F60];
	_ =	sdelay $0x4  }
0xa7: {  	[tilespmem:$0x9C80] =	vst v0  }
0xa8: {  	v0 =	vld [tilespmem:s4+$0x4F70];
	_ =	sdelay $0x4  }
0xa9: {  	[tilespmem:$0x9C90] =	vst v0  }
0xaa: {  	v0 =	vld [tilespmem:s4+$0x4F80];
	_ =	sdelay $0x4  }
0xab: {  	[tilespmem:$0x9CA0] =	vst v0  }
0xac: {  	v0 =	vld [tilespmem:s4+$0x4F90];
	_ =	sdelay $0x4  }
0xad: {  	[tilespmem:$0x9CB0] =	vst v0  }
0xae: {  	[spmem:s2] =	stream.indirect.scatter.add.f32 [tilespmem:s20], [sflag:$0x6], $0x40, s22, s14, $0xb8;
	[tilespmem:$0x1E580] =	vst v63  }
0xaf: {  	_ =	swait.ge [sflag:s12], $0x2000  }
0xb0: {  	[sflag:s12] =	ssyncset.done $0x0  }
0xb1: {  	[sflag:s12] =	ssyncadd.s32 $0xFFFFE000  }
0xb2: {  	v59 =	vld [tilespmem:s4+$0x280];
	_ =	sdelay $0x4  }
0xb3: {  	[tilespmem:$0x13CC0] =	vst v59  }
0xb4: {  	v0 =	vld [tilespmem:s4+$0x290];
	_ =	sdelay $0x4  }
0xb5: {  	[tilespmem:$0x13CD0] =	vst v0  }
0xb6: {  	v0 =	vld [tilespmem:s4+$0x2A0];
	_ =	sdelay $0x4  }
0xb7: {  	[tilespmem:$0x13CE0] =	vst v0  }
0xb8: {  	v0 =	vld [tilespmem:s4+$0x2B0];
	_ =	sdelay $0x4  }
0xb9: {  	[tilespmem:$0x13CF0] =	vst v0  }
0xba: {  	v0 =	vld [tilespmem:s4+$0x2C0];
	_ =	sdelay $0x4  }
0xbb: {  	[tilespmem:$0x13D00] =	vst v0  }
0xbc: {  	v0 =	vld [tilespmem:s4+$0x2D0];
	_ =	sdelay $0x4  }
0xbd: {  	[tilespmem:$0x13D10] =	vst v0  }
0xbe: {  	v0 =	vld [tilespmem:s4+$0x2E0];
	_ =	sdelay $0x4  }
0xbf: {  	[tilespmem:$0x13D20] =	vst v0  }
0xc0: {  	v0 =	vld [tilespmem:s4+$0x2F0];
	_ =	sdelay $0x4  }
0xc1: {  	[tilespmem:$0x13D30] =	vst v0  }
0xc2: {  	[tilespmem:s16], [sflag:$0x1] =	stream.indirect.gather [hbm4b:s8+s14], $0x40, s15, s14, $0xb8;
	[tilespmem:$0x1E580] =	vst v63  }
0xc3: {  	_ =	swait.ge [sflag:s30], $0x2000  }
0xc4: {  	[sflag:s30] =	ssyncset.done $0x0  }
0xc5: {  	[sflag:s30] =	ssyncadd.s32 $0xFFFFE000  }
0xc6: {  	v60 =	vld [tilespmem:s4+$0x4FA0];
	_ =	sdelay $0x4  }
0xc7: {  	[tilespmem:$0x9C40] =	vst v60  }
0xc8: {  	v0 =	vld [tilespmem:s4+$0x4FB0];
	_ =	sdelay $0x4  }
0xc9: {  	[tilespmem:$0x9C50] =	vst v0  }
0xca: {  	v0 =	vld [tilespmem:s4+$0x4FC0];
	_ =	sdelay $0x4  }
0xcb: {  	[tilespmem:$0x9C60] =	vst v0  }
0xcc: {  	v0 =	vld [tilespmem:s4+$0x4FD0];
	_ =	sdelay $0x4  }
0xcd: {  	[tilespmem:$0x9C70] =	vst v0  }
0xce: {  	v0 =	vld [tilespmem:s4+$0x4FE0];
	_ =	sdelay $0x4  }
0xcf: {  	[tilespmem:$0x9C80] =	vst v0  }
0xd0: {  	v0 =	vld [tilespmem:s4+$0x4FF0];
	_ =	sdelay $0x4  }
0xd1: {  	[tilespmem:$0x9C90] =	vst v0  }
0xd2: {  	v0 =	vld [tilespmem:s4+$0x5000];
	_ =	sdelay $0x4  }
0xd3: {  	[tilespmem:$0x9CA0] =	vst v0  }
0xd4: {  	v0 =	vld [tilespmem:s4+$0x5010];
	_ =	sdelay $0x4  }
0xd5: {  	[tilespmem:$0x9CB0] =	vst v0  }
0xd6: {  	[spmem:s2] =	stream.indirect.scatter.add.f32 [tilespmem:s24], [sflag:$0x6], $0x40, s22, s14, $0xb8;
	[tilespmem:$0x1E580] =	vst v63  }
0xd7: {  	_ =	swait.ge [sflag:s12], $0x2000  }
0xd8: {  	[sflag:s12] =	ssyncset.done $0x0  }
0xd9: {  	[sflag:s12] =	ssyncadd.s32 $0xFFFFE000  }
0xda: {  	v61 =	vld [tilespmem:s4+$0x300];
	_ =	sdelay $0x4  }
0xdb: {  	[tilespmem:$0x13D40] =	vst v61  }
0xdc: {  	v0 =	vld [tilespmem:s4+$0x310];
	_ =	sdelay $0x4  }
0xdd: {  	[tilespmem:$0x13D50] =	vst v0  }
0xde: {  	v0 =	vld [tilespmem:s4+$0x320];
	_ =	sdelay $0x4  }
0xdf: {  	[tilespmem:$0x13D60] =	vst v0  }
0xe0: {  	v0 =	vld [tilespmem:s4+$0x330];
	_ =	sdelay $0x4  }
0xe1: {  	[tilespmem:$0x13D70] =	vst v0  }
0xe2: {  	v0 =	vld [tilespmem:s4+$0x340];
	_ =	sdelay $0x4  }
0xe3: {  	[tilespmem:$0x13D80] =	vst v0  }
0xe4: {  	v0 =	vld [tilespmem:s4+$0x350];
	_ =	sdelay $0x4  }
0xe5: {  	[tilespmem:$0x13D90] =	vst v0  }
0xe6: {  	v0 =	vld [tilespmem:s4+$0x360];
	_ =	sdelay $0x4  }
0xe7: {  	[tilespmem:$0x13DA0] =	vst v0  }
0xe8: {  	v0 =	vld [tilespmem:s4+$0x370];
	_ =	sdelay $0x4  }
0xe9: {  	[tilespmem:$0x13DB0] =	vst v0  }
0xea: {  	[tilespmem:s18], [sflag:$0x2] =	stream.indirect.gather [hbm4b:s8+s14], $0x40, s17, s14, $0xb8;
	[tilespmem:$0x1E580] =	vst v63  }
0xeb: {  	_ =	swait.ge [sflag:s31], $0x2000  }
0xec: {  	[sflag:s31] =	ssyncset.done $0x0  }
0xed: {  	[sflag:s31] =	ssyncadd.s32 $0xFFFFE000  }
0xee: {  	v62 =	vld [tilespmem:s4+$0x5020];
	_ =	sdelay $0x4  }
0xef: {  	[tilespmem:$0x9C40] =	vst v62  }
0xf0: {  	v0 =	vld [tilespmem:s4+$0x5030];
	_ =	sdelay $0x4  }
0xf1: {  	[tilespmem:$0x9C50] =	vst v0  }
0xf2: {  	v0 =	vld [tilespmem:s4+$0x5040];
	_ =	sdelay $0x4  }
0xf3: {  	[tilespmem:$0x9C60] =	vst v0  }
0xf4: {  	v0 =	vld [tilespmem:s4+$0x5050];
	_ =	sdelay $0x4  }
0xf5: {  	[tilespmem:$0x9C70] =	vst v0  }
0xf6: {  	v0 =	vld [tilespmem:s4+$0x5060];
	_ =	sdelay $0x4  }
0xf7: {  	[tilespmem:$0x9C80] =	vst v0  }
0xf8: {  	v0 =	vld [tilespmem:s4+$0x5070];
	_ =	sdelay $0x4  }
0xf9: {  	[tilespmem:$0x9C90] =	vst v0  }
0xfa: {  	v0 =	vld [tilespmem:s4+$0x5080];
	_ =	sdelay $0x4  }
0xfb: {  	[tilespmem:$0x9CA0] =	vst v0  }
0xfc: {  	v0 =	vld [tilespmem:s4+$0x5090];
	_ =	sdelay $0x4  }
0xfd: {  	[tilespmem:$0x9CB0] =	vst v0  }
0xfe: {  	[spmem:s2] =	stream.indirect.scatter.add.f32 [tilespmem:s28], [sflag:$0x6], $0x40, s22, s14, $0xb8;
	[tilespmem:$0x1E580] =	vst v63  }
0xff: {  	_ =	swait.ge [sflag:s12], $0x2000  }
0x100: {  	[sflag:s12] =	ssyncset.done $0x0  }
0x101: {  	[sflag:s12] =	ssyncadd.s32 $0xFFFFE000  }
0x102: {  	v63 =	vld [tilespmem:s4+$0x380];
	_ =	sdelay $0x4  }
0x103: {  	[tilespmem:$0x13DC0] =	vst v63  }
0x104: {  	v0 =	vld [tilespmem:s4+$0x390];
	_ =	sdelay $0x4  }
0x105: {  	[tilespmem:$0x13DD0] =	vst v0  }
0x106: {  	v0 =	vld [tilespmem:s4+$0x3A0];
	_ =	sdelay $0x4  }
0x107: {  	[tilespmem:$0x13DE0] =	vst v0  }
0x108: {  	v0 =	vld [tilespmem:s4+$0x3B0];
	_ =	sdelay $0x4  }
0x109: {  	[tilespmem:$0x13DF0] =	vst v0  }
0x10a: {  	v0 =	vld [tilespmem:s4+$0x3C0];
	_ =	sdelay $0x4  }
0x10b: {  	[tilespmem:$0x13E00] =	vst v0  }
0x10c: {  	v0 =	vld [tilespmem:s4+$0x3D0];
	_ =	sdelay $0x4  }
0x10d: {  	[tilespmem:$0x13E10] =	vst v0  }
0x10e: {  	v0 =	vld [tilespmem:s4+$0x3E0];
	_ =	sdelay $0x4  }
0x10f: {  	[tilespmem:$0x13E20] =	vst v0  }
0x110: {  	v0 =	vld [tilespmem:s4+$0x3F0]  }
0x111: {  	p0 =	sne.s32 s3, $0x12200  }
.Ltmp0:
0x112: {  	_ = 	snop;
	(pc) =	sbr.rel @p0 .LBB2_2-.Ltmp0, $3  }
0x113: {  	_ =	sdelay $0x1  }
0x114: {  	s3 =	sadd.s32 $0xA00, s3;
	[tilespmem:$0x13E30] =	vst v0  }
0x115: {  	[tilespmem:s20], [sflag:$0x3] =	stream.indirect.gather [hbm4b:s8+s14], $0x40, s19, s14, $0xb8;
	[tilespmem:$0x1E580] =	vst v63  }
0x116: {  	_ =	swait.ge [sflag:s21], $0x2000  }
0x117: {  	[sflag:s21] =	ssyncset.done $0x0  }
0x118: {  	[sflag:s21] =	ssyncadd.s32 $0xFFFFE000  }
0x119: {  	v0 =	vld [tilespmem:$0x9920]  }
0x11a: {  	v1 =	vld [tilespmem:$0x9930]  }
0x11b: {  	v2 =	vld [tilespmem:$0x9940]  }
0x11c: {  	v3 =	vld [tilespmem:$0x9950]  }
0x11d: {  	v4 =	vld [tilespmem:$0x9960]  }
0x11e: {  	v49 =	vld [tilespmem:$0x9970];
	[tilespmem:$0x9C40] =	vst v0  }
0x11f: {  	v50 =	vld [tilespmem:$0x9980];
	[tilespmem:$0x9C50] =	vst v1  }
0x120: {  	v51 =	vld [tilespmem:$0x9990];
	[tilespmem:$0x9C60] =	vst v2  }
0x121: {  	[tilespmem:$0x9C70] =	vst v3  }
0x122: {  	[tilespmem:$0x9C80] =	vst v4  }
0x123: {  	[tilespmem:$0x9C90] =	vst v49  }
0x124: {  	[tilespmem:$0x9CA0] =	vst v50  }
0x125: {  	[tilespmem:$0x9CB0] =	vst v51  }
0x126: {  	[spmem:s2] =	stream.indirect.scatter.add.f32 [tilespmem:s16], [sflag:$0x6], $0x40, s22, s14, $0xb8;
	[tilespmem:$0x1E580] =	vst v63  }
0x127: {  	_ =	swait.ge [sflag:s12], $0x2000  }
0x128: {  	[sflag:s12] =	ssyncset.done $0x0  }
0x129: {  	[sflag:s12] =	ssyncadd.s32 $0xFFFFE000  }
0x12a: {  	v52 =	vld [tilespmem:$0x4C80]  }
0x12b: {  	v53 =	vld [tilespmem:$0x4C90]  }
0x12c: {  	v54 =	vld [tilespmem:$0x4CA0]  }
0x12d: {  	v55 =	vld [tilespmem:$0x4CB0]  }
0x12e: {  	v56 =	vld [tilespmem:$0x4CC0]  }
0x12f: {  	v57 =	vld [tilespmem:$0x4CD0];
	[tilespmem:$0x13E40] =	vst v52  }
0x130: {  	v58 =	vld [tilespmem:$0x4CE0];
	[tilespmem:$0x13E50] =	vst v53  }
0x131: {  	v59 =	vld [tilespmem:$0x4CF0];
	[tilespmem:$0x13E60] =	vst v54  }
0x132: {  	[tilespmem:$0x13E70] =	vst v55  }
0x133: {  	[tilespmem:$0x13E80] =	vst v56  }
0x134: {  	[tilespmem:$0x13E90] =	vst v57  }
0x135: {  	[tilespmem:$0x13EA0] =	vst v58  }
0x136: {  	[tilespmem:$0x13EB0] =	vst v59  }
0x137: {  	[tilespmem:s24], [sflag:$0x4] =	stream.indirect.gather [hbm4b:s8+s14], $0x40, s23, s14, $0xb8;
	[tilespmem:$0x1E580] =	vst v63  }
0x138: {  	_ =	swait.ge [sflag:s25], $0x2000  }
0x139: {  	[sflag:s25] =	ssyncset.done $0x0  }
0x13a: {  	[sflag:s25] =	ssyncadd.s32 $0xFFFFE000  }
0x13b: {  	v60 =	vld [tilespmem:$0x99A0]  }
0x13c: {  	v61 =	vld [tilespmem:$0x99B0]  }
0x13d: {  	v62 =	vld [tilespmem:$0x99C0]  }
0x13e: {  	v63 =	vld [tilespmem:$0x99D0]  }
0x13f: {  	v8 =	vld [tilespmem:$0x99E0]  }
0x140: {  	v9 =	vld [tilespmem:$0x99F0];
	[tilespmem:$0x9C40] =	vst v60  }
0x141: {  	v10 =	vld [tilespmem:$0x9A00];
	[tilespmem:$0x9C50] =	vst v61  }
0x142: {  	v11 =	vld [tilespmem:$0x9A10];
	[tilespmem:$0x9C60] =	vst v62  }
0x143: {  	[tilespmem:$0x9C70] =	vst v63  }
0x144: {  	[tilespmem:$0x9C80] =	vst v8  }
0x145: {  	[tilespmem:$0x9C90] =	vst v9  }
0x146: {  	[tilespmem:$0x9CA0] =	vst v10  }
0x147: {  	[tilespmem:$0x9CB0] =	vst v11  }
0x148: {  	[spmem:s2] =	stream.indirect.scatter.add.f32 [tilespmem:s18], [sflag:$0x6], $0x40, s22, s14, $0xb8;
	[tilespmem:$0x1E580] =	vst v63  }
0x149: {  	_ =	swait.ge [sflag:s12], $0x2000  }
0x14a: {  	[sflag:s12] =	ssyncset.done $0x0  }
0x14b: {  	[sflag:s12] =	ssyncadd.s32 $0xFFFFE000  }
0x14c: {  	v12 =	vld [tilespmem:$0x4D00]  }
0x14d: {  	v13 =	vld [tilespmem:$0x4D10]  }
0x14e: {  	v14 =	vld [tilespmem:$0x4D20]  }
0x14f: {  	v15 =	vld [tilespmem:$0x4D30]  }
0x150: {  	v16 =	vld [tilespmem:$0x4D40]  }
0x151: {  	v17 =	vld [tilespmem:$0x4D50];
	[tilespmem:$0x13EC0] =	vst v12  }
0x152: {  	v18 =	vld [tilespmem:$0x4D60];
	[tilespmem:$0x13ED0] =	vst v13  }
0x153: {  	v19 =	vld [tilespmem:$0x4D70];
	[tilespmem:$0x13EE0] =	vst v14  }
0x154: {  	[tilespmem:$0x13EF0] =	vst v15  }
0x155: {  	[tilespmem:$0x13F00] =	vst v16  }
0x156: {  	[tilespmem:$0x13F10] =	vst v17  }
0x157: {  	[tilespmem:$0x13F20] =	vst v18  }
0x158: {  	[tilespmem:$0x13F30] =	vst v19  }
0x159: {  	[tilespmem:s28], [sflag:$0x5] =	stream.indirect.gather [hbm4b:s8+s14], $0x40, s26, s14, $0xb8;
	[tilespmem:$0x1E580] =	vst v63  }
0x15a: {  	_ =	swait.ge [sflag:s29], $0x2000  }
0x15b: {  	[sflag:s29] =	ssyncset.done $0x0  }
0x15c: {  	[sflag:s29] =	ssyncadd.s32 $0xFFFFE000  }
0x15d: {  	v20 =	vld [tilespmem:$0x9A20]  }
0x15e: {  	v21 =	vld [tilespmem:$0x9A30]  }
0x15f: {  	v22 =	vld [tilespmem:$0x9A40]  }
0x160: {  	v23 =	vld [tilespmem:$0x9A50]  }
0x161: {  	v24 =	vld [tilespmem:$0x9A60]  }
0x162: {  	v25 =	vld [tilespmem:$0x9A70];
	[tilespmem:$0x9C40] =	vst v20  }
0x163: {  	v26 =	vld [tilespmem:$0x9A80];
	[tilespmem:$0x9C50] =	vst v21  }
0x164: {  	v27 =	vld [tilespmem:$0x9A90];
	[tilespmem:$0x9C60] =	vst v22  }
0x165: {  	[tilespmem:$0x9C70] =	vst v23  }
0x166: {  	[tilespmem:$0x9C80] =	vst v24  }
0x167: {  	[tilespmem:$0x9C90] =	vst v25  }
0x168: {  	[tilespmem:$0x9CA0] =	vst v26  }
0x169: {  	[tilespmem:$0x9CB0] =	vst v27  }
0x16a: {  	[spmem:s2] =	stream.indirect.scatter.add.f32 [tilespmem:s20], [sflag:$0x6], $0x40, s22, s14, $0xb8;
	[tilespmem:$0x1E580] =	vst v63  }
0x16b: {  	_ =	swait.ge [sflag:s12], $0x2000  }
0x16c: {  	[sflag:s12] =	ssyncset.done $0x0  }
0x16d: {  	[sflag:s12] =	ssyncadd.s32 $0xFFFFE000  }
0x16e: {  	v28 =	vld [tilespmem:$0x4D80]  }
0x16f: {  	v29 =	vld [tilespmem:$0x4D90]  }
0x170: {  	v30 =	vld [tilespmem:$0x4DA0]  }
0x171: {  	v31 =	vld [tilespmem:$0x4DB0]  }
0x172: {  	v32 =	vld [tilespmem:$0x4DC0]  }
0x173: {  	v33 =	vld [tilespmem:$0x4DD0];
	[tilespmem:$0x13CC0] =	vst v28  }
0x174: {  	v34 =	vld [tilespmem:$0x4DE0];
	[tilespmem:$0x13CD0] =	vst v29  }
0x175: {  	v35 =	vld [tilespmem:$0x4DF0];
	[tilespmem:$0x13CE0] =	vst v30  }
0x176: {  	[tilespmem:$0x13CF0] =	vst v31  }
0x177: {  	[tilespmem:$0x13D00] =	vst v32  }
0x178: {  	[tilespmem:$0x13D10] =	vst v33  }
0x179: {  	[tilespmem:$0x13D20] =	vst v34  }
0x17a: {  	[tilespmem:$0x13D30] =	vst v35  }
0x17b: {  	[tilespmem:s16], [sflag:$0x1] =	stream.indirect.gather [hbm4b:s8+s14], $0x40, s15, s14, $0xb8;
	[tilespmem:$0x1E580] =	vst v63  }
0x17c: {  	_ =	swait.ge [sflag:s30], $0x2000  }
0x17d: {  	[sflag:s30] =	ssyncset.done $0x0  }
0x17e: {  	[sflag:s30] =	ssyncadd.s32 $0xFFFFE000  }
0x17f: {  	v36 =	vld [tilespmem:$0x9AA0]  }
0x180: {  	v37 =	vld [tilespmem:$0x9AB0]  }
0x181: {  	v38 =	vld [tilespmem:$0x9AC0]  }
0x182: {  	v39 =	vld [tilespmem:$0x9AD0]  }
0x183: {  	v40 =	vld [tilespmem:$0x9AE0]  }
0x184: {  	v41 =	vld [tilespmem:$0x9AF0];
	[tilespmem:$0x9C40] =	vst v36  }
0x185: {  	v42 =	vld [tilespmem:$0x9B00];
	[tilespmem:$0x9C50] =	vst v37  }
0x186: {  	v43 =	vld [tilespmem:$0x9B10];
	[tilespmem:$0x9C60] =	vst v38  }
0x187: {  	[tilespmem:$0x9C70] =	vst v39  }
0x188: {  	[tilespmem:$0x9C80] =	vst v40  }
0x189: {  	[tilespmem:$0x9C90] =	vst v41  }
0x18a: {  	[tilespmem:$0x9CA0] =	vst v42  }
0x18b: {  	[tilespmem:$0x9CB0] =	vst v43  }
0x18c: {  	[spmem:s2] =	stream.indirect.scatter.add.f32 [tilespmem:s24], [sflag:$0x6], $0x40, s22, s14, $0xb8;
	[tilespmem:$0x1E580] =	vst v63  }
0x18d: {  	_ =	swait.ge [sflag:s12], $0x2000  }
0x18e: {  	[sflag:s12] =	ssyncset.done $0x0  }
0x18f: {  	[sflag:s12] =	ssyncadd.s32 $0xFFFFE000  }
0x190: {  	_ =	swait.ge [sflag:s31], $0x2000  }
0x191: {  	[sflag:s31] =	ssyncset.done $0x0  }
0x192: {  	[sflag:s31] =	ssyncadd.s32 $0xFFFFE000  }
0x193: {  	v44 =	vld [tilespmem:$0x9B20]  }
0x194: {  	v45 =	vld [tilespmem:$0x9B30]  }
0x195: {  	v46 =	vld [tilespmem:$0x9B40]  }
0x196: {  	v47 =	vld [tilespmem:$0x9B50]  }
0x197: {  	v48 =	vld [tilespmem:$0x9B60]  }
0x198: {  	v49 =	vld [tilespmem:$0x9B70];
	[tilespmem:$0x9C40] =	vst v44  }
0x199: {  	v50 =	vld [tilespmem:$0x9B80];
	[tilespmem:$0x9C50] =	vst v45  }
0x19a: {  	v51 =	vld [tilespmem:$0x9B90];
	[tilespmem:$0x9C60] =	vst v46  }
0x19b: {  	[tilespmem:$0x9C70] =	vst v47  }
0x19c: {  	[tilespmem:$0x9C80] =	vst v48  }
0x19d: {  	[tilespmem:$0x9C90] =	vst v49  }
0x19e: {  	[tilespmem:$0x9CA0] =	vst v50  }
0x19f: {  	[tilespmem:$0x9CB0] =	vst v51  }
0x1a0: {  	[spmem:s2] =	stream.indirect.scatter.add.f32 [tilespmem:s28], [sflag:$0x6], $0x40, s22, s14, $0xb8;
	[tilespmem:$0x1E580] =	vst v63  }
0x1a1: {  	_ =	swait.ge [sflag:s12], $0x2000  }
0x1a2: {  	[sflag:s12] =	ssyncset.done $0x0  }
0x1a3: {  	[sflag:s12] =	ssyncadd.s32 $0xFFFFE000  }
0x1a4: {  	_ =	swait.ge [sflag:s21], $0x2000  }
0x1a5: {  	[sflag:s21] =	ssyncset.done $0x0  }
0x1a6: {  	[sflag:s21] =	ssyncadd.s32 $0xFFFFE000  }
0x1a7: {  	v52 =	vld [tilespmem:$0x9BA0]  }
0x1a8: {  	v53 =	vld [tilespmem:$0x9BB0]  }
0x1a9: {  	v54 =	vld [tilespmem:$0x9BC0]  }
0x1aa: {  	v55 =	vld [tilespmem:$0x9BD0]  }
0x1ab: {  	v56 =	vld [tilespmem:$0x9BE0]  }
0x1ac: {  	v57 =	vld [tilespmem:$0x9BF0];
	[tilespmem:$0x9C40] =	vst v52  }
0x1ad: {  	v58 =	vld [tilespmem:$0x9C00];
	[tilespmem:$0x9C50] =	vst v53  }
0x1ae: {  	v59 =	vld [tilespmem:$0x9C10];
	[tilespmem:$0x9C60] =	vst v54  }
0x1af: {  	[tilespmem:$0x9C70] =	vst v55  }
0x1b0: {  	[tilespmem:$0x9C80] =	vst v56  }
0x1b1: {  	[tilespmem:$0x9C90] =	vst v57  }
0x1b2: {  	[tilespmem:$0x9CA0] =	vst v58  }
0x1b3: {  	[tilespmem:$0x9CB0] =	vst v59  }
0x1b4: {  	[spmem:s2] =	stream.indirect.scatter.add.f32 [tilespmem:s16], [sflag:$0x6], $0x40, s22, s14, $0xb8;
	[tilespmem:$0x1E580] =	vst v63  }
0x1b5: {  	_ =	swait.ge [sflag:s12], $0x2000  }
0x1b6: {  	[sflag:s12] =	ssyncset.done $0x0  }
0x1b7: {  	[sflag:s12] =	ssyncadd.s32 $0xFFFFE000  }
0x1b8: {  	v60 =	vld [tilespmem:$0x4E00]  }
0x1b9: {  	v61 =	vld [tilespmem:$0x9C20]  }
0x1ba: {  	v62 =	vld [tilespmem:$0x4E10]  }
0x1bb: {  	v63 =	vld [tilespmem:$0x9C30];
	_ =	sdelay $0x1  }
0x1bc: {  	[tilespmem:$0x14740] =	vst v60  }
0x1bd: {  	[tilespmem:$0x14760] =	vst v61  }
0x1be: {  	[tilespmem:$0x14750] =	vst v62  }
0x1bf: {  	s3 =	simm.s32 $0x14740;
	[tilespmem:$0x14770] =	vst v63  }
0x1c0: {  	[tilespmem:s13], [sflag:$0x1] =	stream.indirect.gather [hbm4b:s8+s1], $0x40, s3, s1, $0xb8;
	[tilespmem:$0x1E580] =	vst v63  }
0x1c1: {  	_ =	swait.ge [sflag:s21], $0x800  }
0x1c2: {  	[sflag:s21] =	ssyncset.done $0x0  }
0x1c3: {  	s4 =	simm.s32 $0x14760;
	[sflag:s21] =	ssyncadd.s32 $0xFFFFF800  }
0x1c4: {  	[spmem:s2] =	stream.indirect.scatter.add.f32 [tilespmem:s13], [sflag:$0x6], $0x40, s4, s1, $0xb8;
	[tilespmem:$0x1E580] =	vst v63  }
0x1c5: {  	_ =	swait.ge [sflag:s12], $0x800  }
0x1c6: {  	s0 =	sadd.s32 $0x1, s0;
	[sflag:s12] =	ssyncset.done $0x0  }
0x1c7: {  	p0 =	sne.s32 s0, s10;
	[sflag:s12] =	ssyncadd.s32 $0xFFFFF800  }
.Ltmp1:
0x1c8: {  	[bflag:$0x0] =	sbarrier.arrive $0xFFFF;
	(pc) =	sbr.rel @p0 .LBB2_1-.Ltmp1, $4  }
0x1c9: {  	[hbm:s9], [sflag:s5] =	dma.local [spmem:s11], $0x13C0  }
0x1ca: {  	_ =	swait.ge [sflag:s12], $0x13C0  }
0x1cb: {  	[sflag:s12] =	ssyncset.done $0x0  }
0x1cc: {  	[sflag:s12] =	ssyncadd.s32 $0xFFFFEC40  }
0x1cd: {  	_ =	sfence.sel $0x180000  }
0x1ce: {  	[bflag:$0x0] =	sbarrier.arrive $0xFFFF  }
0x1cf: {  	_ =	strace $0x9000004A  }
0x1d0: {  	s0 =	stileid.u32;
	[bflag:$0x2] =	sbarrier.arrive $0xFFFF  }
0x1d1: {  	p0 =	sne.s32 s0, $0x0;
	s0 =	rddreg [dreg:$0x2]  }
0x1d2: {  	s0 =	sadd.s32 @!p0 $0x100000, s0  }
0x1d3: {  	[sflag:s0] =	ssyncadd.tile.s32 @!p0 $0x1;
	_ =	shalt  }
.Lfunc_end2:
_tile_overlayer_lowered:
.L_overlay_start_2:
0x1d4: {  	(tag) =	ssettag $0x2  }
0x1d5: {  	s0 =	rddreg [dreg:$0x0];
	s2 =	stileid.u32  }
0x1d6: {  	s1 =	rddreg [dreg:$0x1];
	p0 =	sne.s32 s2, $0x0  }
0x1d7: {  	s3 =	rddreg [dreg:$0x2];
	[bflag:$0x3] =	sbarrier.arrive $0xFFFF;
	s2 =	simm.s32 @!p0 $0x1C06  }
0x1d8: {  	[timem:s3], [sflag:s2] =	dma.local @!p0 [hbm:s0], s1  }
0x1d9: {  	s0 =	simm.s32 @!p0 $0x6  }
0x1da: {  	_ =	swait.ge @!p0 [sflag:s0], s1  }
0x1db: {  	s1 =	ssub.s32 @!p0 $0x0, s1;
	[sflag:s0] =	ssyncset.done @!p0 $0x0  }
0x1dc: {  	[sflag:s0] =	ssyncadd.s32 @!p0 s1  }
0x1dd: {  	[bflag:$0x3] =	sbarrier.arrive $0xFFFF  }
0x1de: {  	_ =	shalt  }

// kernel: kernel.7.cloned.1.call-start
scs
__scs_entry_jumppad:
0x0: {  	(pc) =	sbr.rel $0x88, $3  }
0x1: {  	(tag) =	ssettag $0x0;
	lr =	simm.s32 $0x1  }
0x2: {  	[smem:$0x3F9B] =	sst lr;
	_ =	strace $0xD0000000  }
0x3: {  	_ = 	snop  }
0x4: {  	_ = 	snop  }
0x5: {  	_ = 	snop  }
0x6: {  	_ = 	snop  }
0x7: {  	_ = 	snop  }
__scs_overlays_trampoline_lowered:
0x8: {  	[smem:$0x3FAA] =	sst s0  }
0x9: {  	[smem:$0x3FAB] =	sst s1  }
0xa: {  	[smem:$0x3FAC] =	sst s2  }
0xb: {  	[smem:$0x3FAD] =	sst s3  }
0xc: {  	[smem:$0x3FAE] =	sst s4  }
0xd: {  	[smem:$0x3FAF] =	sst s5  }
0xe: {  	[smem:$0x3FB0] =	sst s6  }
0xf: {  	[smem:$0x3FB1] =	sst s7  }
0x10: {  	[smem:$0x3FB2] =	sst s8  }
0x11: {  	[smem:$0x3FB3] =	sst s9;
	s0 =	simm.s32 @!p0 $0x0  }
0x12: {  	s1 =	sld [smem:$0x3F99];
	s0 =	simm.s32 @p0 $0x1  }
0x13: {  	[smem:$0x3FB4] =	sst s0;
	s0 =	simm.s32 @!p1 $0x0  }
0x14: {  	s2 =	sld [smem:$0x3F98];
	s0 =	simm.s32 @p1 $0x1  }
0x15: {  	[smem:$0x3FB5] =	sst s0;
	s0 =	simm.s32 @!p2 $0x0  }
0x16: {  	s3 =	sld [smem:$0x3FDB];
	s0 =	simm.s32 @p2 $0x1  }
0x17: {  	s4 =	simm.s32 $0x1BF5;
	[smem:$0x3FB7] =	sst s0  }
0x18: {  	s0 =	sld [smem:$0x3F9A];
	_ =	swait.ge [sflag:s4], $0x0  }
0x19: {  	s7 =	sld [smem:$0x3F9B]  }
0x1a: {  	s8 =	sadd.s32 $0xFFFFE003, lr  }
0x1b: {  	s9 =	sadd.s32 $0xFFFFFEF7, lr;
	s5 =	simm.s32 $0xFFFFFFFF;
	p2 =	slt.u32 s8, $0xFFFFF086  }
0x1c: {  	p1 =	slt.u32 s9, $0xF7A;
	s5 =	simm.s32 @!p2 $0x0  }
0x1d: {  	s5 =	simm.s32 @p1 $0x1;
	p0 =	seq.s32 s7, s2  }
0x1e: {  	s7 =	smul.u32 @!p0 $0xF7A, s2;
	p2 =	seq.s32 @!p0 s5, $0x0  }
0x1f: {  	s9 =	smul.u32 $0xF7A, s1;
	s8 =	simm.s32 @!p0 $0x1BF5;
	p2 =	por !p2, p0  }
0x20: {  	[sflag:s8] =	ssyncset.s32 @!p0 $0xFFFFF086;
	s6 =	sadd.s32 @!p0 s3, s7;
	s7 =	simm.s32 @!p0 $0x108  }
0x21: {  	s3 =	sadd.s32 s3, s9;
	s6 =	sadd.s32 @!p0 $0x88, s6;
	s7 =	simm.s32 @p2 $0x1082  }
0x22: {  	[simem:s7], [sflag:s8] =	dma.local @!p0 [hbm:s6], $0xF7A  }
0x23: {  	s9 =	sor.u32 $0xD0000000, s2;
	s6 =	simm.s32 $0x108;
	_ =	swait.ge @!p0 [sflag:s8], $0x0  }
0x24: {  	s3 =	sadd.s32 $0x88, s3;
	s6 =	simm.s32 @!p1 $0x1082;
	[sflag:s4] =	ssyncset.s32 $0xFFFFF086  }
0x25: {  	[simem:s6], [sflag:s4] =	dma.local [hbm:s3], $0xF7A  }
0x26: {  	[smem:$0x3F9B] =	sst s1;
	(tag) =	ssettag s2;
	_ =	strace s9  }
0x27: {  	s1 =	sld [smem:$0x3FAB]  }
0x28: {  	s2 =	sld [smem:$0x3FAC]  }
0x29: {  	s4 =	sld [smem:$0x3FAE]  }
0x2a: {  	p0 =	seq.s32 s5, $0x0;
	s5 =	sld [smem:$0x3FAF]  }
0x2b: {  	s6 =	sld [smem:$0x3FB0]  }
0x2c: {  	s7 =	sld [smem:$0x3FB1]  }
0x2d: {  	s3 =	simm.s32 $0x108;
	s8 =	sld [smem:$0x3FB2]  }
0x2e: {  	s3 =	simm.s32 @!p0 $0x1082;
	s9 =	sld [smem:$0x3FB3]  }
0x2f: {  	lr =	sadd.s32 s0, s3;
	s0 =	sld [smem:$0x3FAA]  }
0x30: {  	s3 =	sld [smem:$0x3FAD]  }
0x31: {  	[smem:$0x3FB6] =	sst s10  }
0x32: {  	s10 =	sld [smem:$0x3FB4];
	_ =	sdelay $0x3  }
0x33: {  	p0 =	seq.s32 s10, $0x1;
	s10 =	sld [smem:$0x3FB6];
	_ =	sdelay $0x3  }
0x34: {  	[smem:$0x3FB6] =	sst s10  }
0x35: {  	s10 =	sld [smem:$0x3FB5];
	_ =	sdelay $0x3  }
0x36: {  	p1 =	seq.s32 s10, $0x1;
	s10 =	sld [smem:$0x3FB6];
	_ =	sdelay $0x3  }
0x37: {  	[smem:$0x3FB6] =	sst s10  }
0x38: {  	s10 =	sld [smem:$0x3FB7]  }
0x39: {  	_ = 	snop;
	(pc) =	sbr.ind lr, $3  }
0x3a: {  	_ = 	snop  }
0x3b: {  	_ = 	snop  }
0x3c: {  	p2 =	seq.s32 s10, $0x1;
	s10 =	sld [smem:$0x3FB6]  }
0x3d: {  	_ =	shalt  }
0x3e: {  	_ =	shalt  }
0x3f: {  	_ =	shalt  }
0x40: {  	_ =	shalt  }
0x41: {  	_ =	shalt  }
0x42: {  	_ =	shalt  }
0x43: {  	_ =	shalt  }
0x44: {  	_ =	shalt  }
0x45: {  	_ =	shalt  }
0x46: {  	_ =	shalt  }
0x47: {  	_ =	shalt  }
0x48: {  	_ =	shalt  }
0x49: {  	_ =	shalt  }
0x4a: {  	_ =	shalt  }
0x4b: {  	_ =	shalt  }
0x4c: {  	_ =	shalt  }
0x4d: {  	_ =	shalt  }
0x4e: {  	_ =	shalt  }
0x4f: {  	_ =	shalt  }
0x50: {  	_ =	shalt  }
0x51: {  	_ =	shalt  }
0x52: {  	_ =	shalt  }
0x53: {  	_ =	shalt  }
0x54: {  	_ =	shalt  }
0x55: {  	_ =	shalt  }
0x56: {  	_ =	shalt  }
0x57: {  	_ =	shalt  }
0x58: {  	_ =	shalt  }
0x59: {  	_ =	shalt  }
0x5a: {  	_ =	shalt  }
0x5b: {  	_ =	shalt  }
0x5c: {  	_ =	shalt  }
0x5d: {  	_ =	shalt  }
0x5e: {  	_ =	shalt  }
0x5f: {  	_ =	shalt  }
0x60: {  	_ =	shalt  }
0x61: {  	_ =	shalt  }
0x62: {  	_ =	shalt  }
0x63: {  	_ =	shalt  }
0x64: {  	_ =	shalt  }
0x65: {  	_ =	shalt  }
0x66: {  	_ =	shalt  }
0x67: {  	_ =	shalt  }
0x68: {  	_ =	shalt  }
0x69: {  	_ =	shalt  }
0x6a: {  	_ =	shalt  }
0x6b: {  	_ =	shalt  }
0x6c: {  	_ =	shalt  }
0x6d: {  	_ =	shalt  }
0x6e: {  	_ =	shalt  }
0x6f: {  	_ =	shalt  }
0x70: {  	_ =	shalt  }
0x71: {  	_ =	shalt  }
0x72: {  	_ =	shalt  }
0x73: {  	_ =	shalt  }
0x74: {  	_ =	shalt  }
0x75: {  	_ =	shalt  }
0x76: {  	_ =	shalt  }
0x77: {  	_ =	shalt  }
0x78: {  	_ =	shalt  }
0x79: {  	_ =	shalt  }
0x7a: {  	_ =	shalt  }
0x7b: {  	_ =	shalt  }
0x7c: {  	_ =	shalt  }
0x7d: {  	_ =	shalt  }
0x7e: {  	_ =	shalt  }
0x7f: {  	_ =	shalt  }
0x80: {  	_ =	shalt  }
0x81: {  	_ =	shalt  }
0x82: {  	_ =	shalt  }
0x83: {  	_ =	shalt  }
0x84: {  	_ =	shalt  }
0x85: {  	_ =	shalt  }
0x86: {  	_ =	shalt  }
0x87: {  	_ =	shalt  }
.Lfunc_end0:
.L_simem_size_0:
called_computation_lowered:
.L_overlay_start_0:
0x88: {  	s2 =	sld [smem:$0x3FD9]  }
0x89: {  	s3 =	sld [smem:$0x3FFE];
	_ =	sdelay $0x1  }
0x8a: {  	s1 =	srdreg.scid  }
0x8b: {  	s0 =	sand.u32 $0x1, s1  }
0x8c: {  	s16 =	sshll.u32 s0, $0xA;
	s2 =	sadd.s32 s3, s2  }
0x8d: {  	s2 =	sadd.s32 s2, s16  }
0x8e: {  	[smem:$0x3FC2] =	sst s2  }
0x8f: {  	_ = 	snop  }
0x90: {  	(tm) =	ssettm $0x1  }
0x91: {  	s17 =	sld [smem:$0x3FFB];
	_ =	sdelay $0x3  }
0x92: {  	_ =	strace s17  }
0x93: {  	s2 =	sld [smem:$0x3FFC];
	_ =	sdelay $0x3  }
0x94: {  	_ =	strace s2  }
0x95: {  	s2 =	sld [smem:$0x3FFD];
	_ =	sdelay $0x3  }
0x96: {  	_ =	strace s2  }
0x97: {  	_ =	strace $0x8FFFFFFF  }
0x98: {  	s18 =	sld [smem:$0x3FDB];
	_ =	sdelay $0x1  }
0x99: {  	s19 =	simm.s32 $_scs_section_size  }
0x9a: {  	s4 =	simm.s32 $_size__tile_overlayer_lowered;
	s5 =	simm.s32 $_tile_overlayer_lowered  }
0x9b: {  	s22 =	simm.s32 $0x1BFF;
	s21 =	sshll.u32 s5, $0x1;
	s2 =	sadd.s32 s19, s18  }
0x9c: {  	s6 =	simm.s32 $0x0;
	s20 =	sshll.u32 s4, $0x1;
	s4 =	sadd.s32 s21, s2  }
0x9d: {  	[timem:s6], [sflag:s22] =	dma.local [hbm:s4], s20  }
0x9e: {  	_ =	swait.ge [sflag:s22], s20  }
0x9f: {  	s3 =	ssub.s32 $0x0, s20;
	[sflag:s22] =	ssyncset.done $0x0  }
0xa0: {  	[sflag:s22] =	ssyncadd.s32 s3;
	_ =	sdelay $0x1  }
0xa1: {  	s23 =	simm.s32 $0x1B8B  }
0xa2: {  	_ =	swait.ge [sflag:s23], $0x1  }
0xa3: {  	[sflag:s23] =	ssyncset.done $0x0  }
0xa4: {  	s25 =	simm.s32 $0x1B8E;
	s24 =	sld [smem:$0x3FFE];
	[sflag:s23] =	ssyncadd.s32 $0xFFFFFFFF  }
0xa5: {  	s26 =	simm.s32 $execute0_lowered;
	[smem:$0x3FD2] =	sst s25  }
0xa6: {  	s4 =	sshll.u32 s26, $0x1;
	_ =	strace $0x80000046;
	[dreg:$0x1] =	wrdreg $0xFFFFFFFF  }
0xa7: {  	s28 =	simm.s32 $_size_execute0_lowered;
	s2 =	sadd.s32 s2, s4;
	[dreg:$0x0] =	wrdreg $0x0  }
0xa8: {  	s4 =	sshll.u32 s28, $0x1;
	[dreg:$0x2] =	wrdreg s2  }
0xa9: {  	[dreg:$0x3] =	wrdreg s4  }
0xaa: {  	[dreg:$0x4] =	wrdreg $0xC0  }
0xab: {  	_ =	task [dreg:s6], $0x5FFFF  }
0xac: {  	[dreg:$0x1] =	wrdreg $0xFFFFFFFF  }
0xad: {  	[dreg:$0x0] =	wrdreg $0x60  }
0xae: {  	[dreg:$0x2] =	wrdreg s24  }
0xaf: {  	[dreg:$0x3] =	wrdreg $0x9  }
0xb0: {  	_ =	task.clear_ibuf [dreg:s6], $0x4FFFF;
	_ =	strace $0x90000046  }
0xb1: {  	s29 =	simm.s32 $0x9;
	_ =	strace $0x80000048  }
0xb2: {  	_ =	swait.ge [sflag:s29], $0x1  }
0xb3: {  	[sflag:s29] =	ssyncadd.s32 $0xFFFFFFFF  }
0xb4: {  	_ =	strace $0x90000048  }
0xb5: {  	_ =	sfence  }
0xb6: {  	s30 =	sld [smem:$0x0];
	_ =	sdelay $0x2  }
0xb7: {  	s31 =	sshll.u32 s1, $0xD;
	s1 =	sshrl.u32 s1, $0x2  }
0xb8: {  	s3 =	sand.u32 $0x4000, s31;
	s1 =	sadd.s32 s1, s30  }
0xb9: {  	s0 =	sor.u32 s3, s0;
	s1 =	sshll.u32 s1, $0x11  }
0xba: {  	s0 =	sor.u32 s1, s0  }
0xbb: {  	s0 =	sadd.s32 $0x8F2B, s0  }
0xbc: {  	[sflag:s0] =	ssyncadd.remote.s32 $0x1  }
0xbd: {  	_ =	sfence.sel $0xFFFF  }
0xbe: {  	[dreg:$0x0] =	wrdreg $0xFFFFFFFF;
	(pc) =	sbr.abs _section_cstart, $3  }
0xbf: {  	[dreg:$0x1] =	wrdreg $0xFFFFFFFF  }
0xc0: {  	_ =	task.clear_ibuf [dreg:s6], $0x2FFFF;
	_ =	strace $0x9FFFFFFF  }
0xc1: {  	(tm) =	ssettm $0x7FFFFFFF  }
tec
execute0_lowered:
.L_overlay_start_1:
0x0: {  	(tag) =	ssettag $0x1  }
0x1: {  	s1 =	srdreg.scid  }
0x2: {  	s0 =	stileid.u32;
	s5 =	rddreg [dreg:$0x0]  }
0x3: {  	s2 =	simm.s32 $0x0;
	s8 =	simm.s32 $0x80;
	s9 =	simm.s32 $0x400  }
0x4: {  	s10 =	simm.s32 $0x0;
	s3 =	sand.u32 $0x1, s1;
	s29 =	sshll.u32 s0, $0x1  }
0x5: {  	s30 =	sshrl.u32 s0, $0x2;
	s1 =	rddreg [dreg:$0x1];
	s4 =	sor.u32 s3, s29  }
0x6: {  	[smem:$0x7FF] =	sst s2;
	s6 =	smul.u32 $0x13C00, s30;
	s7 =	sshll.u32 s4, $0x7  }
0x7: {  	s3 =	ssub.s32 $0x2, s3;
	s4 =	smul.u32 $0x4E2, s4;
	s7 =	sand.u32 $0x380, s7  }
0x8: {  	_ =	strace $0x80000047;
	s31 =	sshrl.u32 s3, $0x1;
	s6 =	sor.u32 s6, s7  }
0x9: {  	s4 =	sadd.s32 s4, s5;
	s7 =	simm.s32 $0x2780;
	s6 =	sshrl.u32 s6, $0x3  }
0xa: {  	s5 =	sadd.s32 s6, s5;
	s6 =	ssub.s32 s3, s31;
	s3 =	sadd.s32 $0xBA00, s4  }
0xb: {  	v0 =	vimm.f32 $0.0e+00;
	v1 =	vimm.f32 $1.000000000e+00;
	s4 =	sadd.s32 $0x15800, s5;
	s5 =	smax.u32 s6, $0x1;
	s6 =	simm.s32 $0x1  }
.LBB2_1:
0xc: {  	[tilespmem:s2], [sflag:$0x1] =	stream.linear.gather [hbm4b:s3+s2], $0x2710, $0x38;
	[tilespmem:$0x4F00] =	vst v63  }
0xd: {  	_ =	swait.ge [sflag:s6], $0x2710  }
0xe: {  	[sflag:s6] =	ssyncset.done $0x0  }
0xf: {  	s11 =	simm.s32 $0x0;
	[sflag:s6] =	ssyncadd.s32 $0xFFFFD8F0  }
.LBB2_2:
0x10: {  	p0 =	sne.s32 s11, $0x9DC0  }
.Ltmp0:
0x11: {  	_ = 	snop;
	(pc) =	sbr.rel @p0 .LBB2_2-.Ltmp0, $3  }
0x12: {  	_ =	sdelay $0x1  }
0x13: {  	s12 =	sshra.s32 s11, $0x2  }
0x14: {  	s11 =	sadd.s32 $0x40, s11;
	[tilespmem:s12+$0x2780] =	vst v0  }
0x15: {  	s11 =	simm.s32 $0x0  }
.LBB2_4:
0x16: {  	s12 =	sshra.s32 s11, $0x2  }
0x17: {  	v2 =	vld [tilespmem:s12+$0x0];
	_ =	sdelay $0x7  }
0x18: {  	[tilespmem:v2+s7+$0x0] =	vst.idx.add.f32.msk $0xffff, v1  }
0x19: {  	v2 =	vld [tilespmem:s12+$0x10];
	_ =	sdelay $0x7  }
0x1a: {  	[tilespmem:v2+s7+$0x0] =	vst.idx.add.f32.msk $0xffff, v1  }
0x1b: {  	v2 =	vld [tilespmem:s12+$0x20];
	_ =	sdelay $0x7  }
0x1c: {  	[tilespmem:v2+s7+$0x0] =	vst.idx.add.f32.msk $0xffff, v1  }
0x1d: {  	v2 =	vld [tilespmem:s12+$0x30];
	_ =	sdelay $0x2  }
0x1e: {  	p0 =	sne.s32 s11, $0x9B00  }
.Ltmp1:
0x1f: {  	_ = 	snop;
	(pc) =	sbr.rel @p0 .LBB2_4-.Ltmp1, $2  }
0x20: {  	_ =	sdelay $0x2  }
0x21: {  	s11 =	sadd.s32 $0x100, s11;
	[tilespmem:v2+s7+$0x0] =	vst.idx.add.f32.msk $0xffff, v1  }
0x22: {  	v2 =	vld [tilespmem:$0x2700];
	_ =	sdelay $0x5  }
0x23: {  	s10 =	sadd.s32 $0x1, s10  }
0x24: {  	p0 =	sne.s32 s10, s5  }
.Ltmp2:
0x25: {  	[tilespmem:v2+s7+$0x0] =	vst.idx.add.f32.msk $0xffff, v1;
	(pc) =	sbr.rel @p0 .LBB2_1-.Ltmp2, $4  }
0x26: {  	[hbm4b:s4+s8] =	stream.strided.scatter [tilespmem:s7], [sflag:$0x1], $0x2780, s9, s8, $0x38;
	[tilespmem:$0x4F00] =	vst v63  }
0x27: {  	_ =	swait.ge [sflag:s6], $0x2780  }
0x28: {  	[sflag:s6] =	ssyncset.done $0x0  }
0x29: {  	[sflag:s6] =	ssyncadd.s32 $0xFFFFD880  }
0x2a: {  	_ =	sfence.sel $0x180000  }
0x2b: {  	[bflag:$0x0] =	sbarrier.arrive $0xFFFF  }
0x2c: {  	p0 =	sne.s32 s0, $0x0;
	_ =	strace $0x90000047  }
0x2d: {  	s0 =	sadd.s32 @!p0 $0x100000, s1;
	[bflag:$0x2] =	sbarrier.arrive $0xFFFF  }
0x2e: {  	[sflag:s0] =	ssyncadd.tile.s32 @!p0 $0x1;
	_ =	shalt  }
.Lfunc_end2:
_tile_overlayer_lowered:
.L_overlay_start_2:
0x2f: {  	(tag) =	ssettag $0x2  }
0x30: {  	s0 =	rddreg [dreg:$0x0];
	s2 =	stileid.u32  }
0x31: {  	s1 =	rddreg [dreg:$0x1];
	p0 =	sne.s32 s2, $0x0  }
0x32: {  	s3 =	rddreg [dreg:$0x2];
	[bflag:$0x3] =	sbarrier.arrive $0xFFFF;
	s2 =	simm.s32 @!p0 $0x1C01  }
0x33: {  	[timem:s3], [sflag:s2] =	dma.local @!p0 [hbm:s0], s1  }
0x34: {  	s0 =	simm.s32 @!p0 $0x1  }
0x35: {  	_ =	swait.ge @!p0 [sflag:s0], s1  }
0x36: {  	s1 =	ssub.s32 @!p0 $0x0, s1;
	[sflag:s0] =	ssyncset.done @!p0 $0x0  }
0x37: {  	[sflag:s0] =	ssyncadd.s32 @!p0 s1  }
0x38: {  	[bflag:$0x3] =	sbarrier.arrive $0xFFFF  }
0x39: {  	_ =	shalt  }

</sc_bundles>
